<compile_context>
chip_gen: v7x
topology: tpu7x:2x2x1
jax: 0.10.2.dev20260603
libtpu: 0.0.44.dev20260713+nightly
codegen_flags: <defaults>
</compile_context>

<pallas_src>
import functools

import jax
import jax.numpy as jnp
from jax import lax
from jax.experimental import pallas as pl
from jax.experimental.pallas import tpu as pltpu
from jax.experimental.pallas import tpu_sc as plsc

N = 10000
E = 320000
P = 100000
L = 16
IN = 16
OUT = 256

NC = 2
NS = 16
NW = NC * NS

P2 = 100352
M2 = P2 * L
CHUNK = 1024
CHUNKS_PER_W = M2 // (NW * CHUNK)
ROWS_PER_W = CHUNK * CHUNKS_PER_W



def _gather_body(nfeat_hbm, efeat_hbm, idxn_hbm, idxe_hbm, valn_hbm, vale_hbm,
                 y_hbm, idxn_v, idxe_v, valn_v, vale_v, gn_v, ge_v, y_v,
                 semI, semG, semW):
    wid = lax.axis_index("s") * NC + lax.axis_index("c")
    base0 = wid * ROWS_PER_W
    NCH = CHUNKS_PER_W

    def issue_inputs(k, p):
        base = pl.multiple_of(base0 + k * CHUNK, CHUNK)
        brow = pl.multiple_of(base // 128, 8)
        hs = [pltpu.async_copy(idxn_hbm.at[pl.ds(brow, 8), :],
                               idxn_v.at[p], semI),
              pltpu.async_copy(idxe_hbm.at[pl.ds(brow, 8), :],
                               idxe_v.at[p], semI),
              pltpu.async_copy(valn_hbm.at[pl.ds(base, CHUNK)],
                               valn_v.at[p], semI),
              pltpu.async_copy(vale_hbm.at[pl.ds(base, CHUNK)],
                               vale_v.at[p], semI)]
        return hs

    def issue_gathers(p):
        hs = []
        for j in range(8):
            hs.append(pltpu.async_copy(
                nfeat_hbm.at[idxn_v.at[p, j]],
                gn_v.at[p, pl.ds(j * 128, 128), :], semG))
            hs.append(pltpu.async_copy(
                efeat_hbm.at[idxe_v.at[p, j]],
                ge_v.at[p, pl.ds(j * 128, 128), :], semG))
        return hs

    def wait_inputs(p):
        for h in issue_inputs_descs(p):
            h.wait()

    def issue_inputs_descs(p):
        base = pl.multiple_of(base0, CHUNK)
        brow = pl.multiple_of(base // 128, 8)
        return [pltpu.make_async_copy(idxn_hbm.at[pl.ds(brow, 8), :],
                                      idxn_v.at[p], semI),
                pltpu.make_async_copy(idxe_hbm.at[pl.ds(brow, 8), :],
                                      idxe_v.at[p], semI),
                pltpu.make_async_copy(valn_hbm.at[pl.ds(base, CHUNK)],
                                      valn_v.at[p], semI),
                pltpu.make_async_copy(vale_hbm.at[pl.ds(base, CHUNK)],
                                      vale_v.at[p], semI)]

    def wait_gathers(p):
        for j in range(8):
            pltpu.make_async_copy(
                nfeat_hbm.at[idxn_v.at[p, j]],
                gn_v.at[p, pl.ds(j * 128, 128), :], semG).wait()
            pltpu.make_async_copy(
                efeat_hbm.at[idxe_v.at[p, j]],
                ge_v.at[p, pl.ds(j * 128, 128), :], semG).wait()

    def drain_writeback(p):
        pltpu.make_async_copy(
            y_v.at[p], y_hbm.at[pl.ds(0, CHUNK), :], semW).wait()

    for h in issue_inputs(0, 0):
        h.wait()
    issue_gathers(0)
    issue_inputs(1, 1)

    def chunk_body(k, _):
        p = lax.rem(k, 2)
        p1 = 1 - p
        base = pl.multiple_of(base0 + k * CHUNK, CHUNK)
        wait_gathers(p)

        @pl.when(k + 1 < NCH)
        def _():
            wait_inputs(p1)
            issue_gathers(p1)

        @pl.when(k >= 2)
        def _():
            drain_writeback(p)

        def row_body(t, _):
            va = valn_v[p, pl.ds(t * 16, 16)]
            vb = vale_v[p, pl.ds(t * 16, 16)]
            for u in range(16):
                r = t * 16 + u
                y_v[p, r, :] = va[u] * gn_v[p, r, :] + vb[u] * ge_v[p, r, :]
            return 0

        lax.fori_loop(0, CHUNK // 16, row_body, 0)
        pltpu.async_copy(y_v.at[p], y_hbm.at[pl.ds(base, CHUNK), :], semW)

        @pl.when(k + 2 < NCH)
        def _():
            issue_inputs(k + 2, p)

        return 0

    lax.fori_loop(0, NCH, chunk_body, 0)
    drain_writeback(0)
    drain_writeback(1)


def _sc_gather(nfeat, efeat, idxn, idxe, valn, vale):
    mesh = plsc.VectorSubcoreMesh(core_axis_name="c", subcore_axis_name="s",
                                  num_cores=NC, num_subcores=NS)
    f = pl.kernel(
        _gather_body,
        out_type=jax.ShapeDtypeStruct((M2, IN), jnp.float32),
        mesh=mesh,
        compiler_params=pltpu.CompilerParams(use_tc_tiling_on_sc=False),
        scratch_types=[
            pltpu.VMEM((2, 8, 128), jnp.int32),
            pltpu.VMEM((2, 8, 128), jnp.int32),
            pltpu.VMEM((2, CHUNK), jnp.float32),
            pltpu.VMEM((2, CHUNK), jnp.float32),
            pltpu.VMEM((2, CHUNK, IN), jnp.float32),
            pltpu.VMEM((2, CHUNK, IN), jnp.float32),
            pltpu.VMEM((2, CHUNK, IN), jnp.float32),
            pltpu.SemaphoreType.DMA,
            pltpu.SemaphoreType.DMA,
            pltpu.SemaphoreType.DMA,
        ],
    )
    return f(nfeat, efeat, idxn.reshape(M2 // 128, 128),
             idxe.reshape(M2 // 128, 128), valn, vale)



TP = 2048


def _mm_body(x_ref, w_ref, b_ref, pv_ref, z_ref):
    acc = jnp.dot(x_ref[...], w_ref[...], preferred_element_type=jnp.float32)
    z_ref[...] = jnp.maximum(acc + b_ref[...], 0.0) * pv_ref[...]


def _tc_matmul(x_flat, w_flat, bias, pool_val2d):
    grid = (P2 // TP,)
    return pl.pallas_call(
        _mm_body,
        grid=grid,
        in_specs=[
            pl.BlockSpec((TP, L * IN), lambda i: (i, 0)),
            pl.BlockSpec((L * IN, OUT), lambda i: (0, 0)),
            pl.BlockSpec((1, OUT), lambda i: (0, 0)),
            pl.BlockSpec((TP, 1), lambda i: (i, 0)),
        ],
        out_specs=pl.BlockSpec((TP, OUT), lambda i: (i, 0)),
        out_shape=jax.ShapeDtypeStruct((P2, OUT), jnp.float32),
    )(x_flat, w_flat, bias, pool_val2d)



HALF = OUT // NC
SROWS = P2 // NS
PCHUNK = 112
PCH = SROWS // PCHUNK
SUB = 112
NSUB = PCHUNK // SUB


def _pool_body(z_hbm, idx_hbm, acc_out_hbm, idx_v, row_v, acc_sh,
               semR, semS):
    cid = lax.axis_index("c")
    sid = lax.axis_index("s")
    c0 = pl.multiple_of(cid * HALF, HALF)
    r0 = pl.multiple_of(sid * SROWS, 8)

    def issue_read(k, p):
        zr = pl.multiple_of(r0 + k * PCHUNK, 8)
        return pltpu.async_copy(
            z_hbm.at[pl.ds(zr, PCHUNK), pl.ds(c0, HALF)], row_v.at[p], semR)

    def wait_read(p):
        pltpu.make_async_copy(
            z_hbm.at[pl.ds(r0, PCHUNK), pl.ds(c0, HALF)], row_v.at[p],
            semR).wait()

    def issue_scatters(k, p):
        for j in range(NSUB):
            pltpu.async_copy(
                row_v.at[p, pl.ds(j * SUB, SUB), :],
                acc_sh.at[idx_v.at[k * NSUB + j]], semS, add=True)

    def drain_scatters(p):
        for j in range(NSUB):
            pltpu.make_async_copy(
                row_v.at[p, pl.ds(j * SUB, SUB), :],
                acc_sh.at[idx_v.at[j]], semS).wait()

    def zrow(r, _):
        for j in range(HALF // 16):
            row_v[0, r, pl.ds(j * 16, 16)] = jnp.zeros((16,), jnp.float32)
        return 0

    lax.fori_loop(0, PCHUNK, zrow, 0)
    a0 = pl.multiple_of(sid * 624, 8)
    for j in range(5):
        pltpu.sync_copy(row_v.at[0],
                        acc_sh.at[pl.ds(a0 + j * PCHUNK, PCHUNK), :])
    pltpu.sync_copy(row_v.at[0, pl.ds(0, 64), :],
                    acc_sh.at[pl.ds(a0 + 5 * PCHUNK, 64), :])

    @pl.when(sid == NS - 1)
    def _():
        pltpu.sync_copy(row_v.at[0, pl.ds(0, 16), :],
                        acc_sh.at[pl.ds(N - 16, 16), :])

    pltpu.sync_copy(idx_hbm.at[sid], idx_v)
    plsc.subcore_barrier()
    issue_read(0, 0)

    def chunk_body(k, _):
        p = lax.rem(k, 2)
        p1 = 1 - p
        wait_read(p)

        @pl.when(k >= 1)
        def _():
            drain_scatters(p1)

        @pl.when(k + 1 < PCH)
        def _():
            issue_read(k + 1, p1)

        issue_scatters(k, p)
        return 0

    lax.fori_loop(0, PCH, chunk_body, 0)
    drain_scatters((PCH - 1) % 2)
    plsc.subcore_barrier()

    pltpu.sync_copy(acc_sh.at[pl.ds(a0, 624), :],
                    acc_out_hbm.at[pl.ds(a0, 624), pl.ds(c0, HALF)])

    @pl.when(sid == NS - 1)
    def _():
        pltpu.sync_copy(acc_sh.at[pl.ds(N - 16, 16), :],
                        acc_out_hbm.at[pl.ds(N - 16, 16), pl.ds(c0, HALF)])


def _sc_pool(z, pool_idx2d):
    mesh = plsc.VectorSubcoreMesh(core_axis_name="c", subcore_axis_name="s",
                                  num_cores=NC, num_subcores=NS)
    f = pl.kernel(
        _pool_body,
        out_type=jax.ShapeDtypeStruct((N, OUT), jnp.float32),
        mesh=mesh,
        scratch_types=[
            pltpu.VMEM((PCH * NSUB, SUB), jnp.int32),
            pltpu.VMEM((2, PCHUNK, HALF), jnp.float32),
            pltpu.VMEM_SHARED((N, HALF), jnp.float32),
            pltpu.SemaphoreType.DMA,
            pltpu.SemaphoreType.DMA,
        ],
    )
    return f(z, pool_idx2d)



TN = 2000


def _final_body(acc_ref, degs_ref, w0_ref, b0_ref, w1_ref, b1_ref, out_ref):
    h = jnp.maximum(degs_ref[...] * w0_ref[...] + b0_ref[...], 0.0)
    factor = jnp.dot(h, w1_ref[...], preferred_element_type=jnp.float32)
    factor = factor + b1_ref[...]
    out_ref[...] = jnp.maximum(acc_ref[...] * factor, 0.0)


def _tc_final(acc, degs2d, W0, b0_2d, W1, b1_2d):
    grid = (N // TN,)
    return pl.pallas_call(
        _final_body,
        grid=grid,
        in_specs=[
            pl.BlockSpec((TN, OUT), lambda i: (i, 0)),
            pl.BlockSpec((TN, 1), lambda i: (i, 0)),
            pl.BlockSpec((1, 2 * OUT), lambda i: (0, 0)),
            pl.BlockSpec((1, 2 * OUT), lambda i: (0, 0)),
            pl.BlockSpec((2 * OUT, OUT), lambda i: (0, 0)),
            pl.BlockSpec((1, OUT), lambda i: (0, 0)),
        ],
        out_specs=pl.BlockSpec((TN, OUT), lambda i: (i, 0)),
        out_shape=jax.ShapeDtypeStruct((N, OUT), jnp.float32),
    )(acc, degs2d, W0, b0_2d, W1, b1_2d)




def kernel(nfeat, efeat, n2p_idx, n2p_val, e2p_idx, e2p_val, pool_idx,
           pool_val, degs, weights, bias, W0, b0, W1, b1):
    mpad = M2 - n2p_idx.shape[0]
    ppad = P2 - pool_idx.shape[0]
    idxn = jnp.concatenate([n2p_idx.astype(jnp.int32),
                            jnp.zeros((mpad,), jnp.int32)])
    idxe = jnp.concatenate([e2p_idx.astype(jnp.int32),
                            jnp.zeros((mpad,), jnp.int32)])
    valn = jnp.concatenate([n2p_val, jnp.zeros((mpad,), jnp.float32)])
    vale = jnp.concatenate([e2p_val, jnp.zeros((mpad,), jnp.float32)])
    pidx = jnp.concatenate([pool_idx.astype(jnp.int32),
                            jnp.zeros((ppad,), jnp.int32)])
    pval = jnp.concatenate([pool_val, jnp.zeros((ppad,), jnp.float32)])

    y = _sc_gather(nfeat, efeat, idxn, idxe, valn, vale)
    x_flat = y.reshape(P2, L * IN)
    w_flat = weights.transpose(2, 0, 1).reshape(L * IN, OUT)
    z = _tc_matmul(x_flat, w_flat, bias, pval.reshape(P2, 1))
    acc = _sc_pool(z, pidx.reshape(NS, PCH * NSUB, SUB))
    out = _tc_final(acc, degs.reshape(N, 1), W0, b0.reshape(1, 2 * OUT),
                    W1, b1.reshape(1, OUT))
    return out

# --- scband reference (transcript-rebuilt; emitter-appended) ---
"""Pipeline reference for scband-lrp-synthetic-layer-23416161697875 (READ-ONLY COPY).

The authoritative reference and input builder live on the scoring server;
editing this copy changes nothing except your own understanding.
"""

import jax, jax.numpy as jnp
import numpy as np

N = 10000
E = 320000
P = 100000
L = 16
IN = 16
OUT = 256


def setup_inputs(seed: int = 0) -> dict:
    key = jax.random.key(seed)
    ks = jax.random.split(key, 16)
    M = P * L
    inp = {}
    # forward inputs (decomposed DGL graph + sparse COO matrices with 1 nnz per row)
    inp['nfeat'] = jax.random.normal(ks[0], (N, IN), dtype=jnp.float32)
    inp['efeat'] = jax.random.normal(ks[1], (E, IN), dtype=jnp.float32)
    inp['n2p_idx'] = jax.random.randint(ks[2], (M,), 0, N)
    inp['n2p_val'] = jax.random.uniform(ks[3], (M,), dtype=jnp.float32)
    inp['e2p_idx'] = jax.random.randint(ks[4], (M,), 0, E)
    inp['e2p_val'] = jax.random.uniform(ks[5], (M,), dtype=jnp.float32)
    inp['pool_idx'] = jnp.sort(jax.random.randint(ks[6], (P,), 0, N))
    inp['pool_val'] = jax.random.uniform(ks[7], (P,), dtype=jnp.float32)
    inp['degs'] = jax.random.uniform(ks[8], (N,), dtype=jnp.float32) * 64.0
    # learned parameters sized per init_kwargs
    inp['weights'] = jax.random.normal(ks[9], (IN, OUT, L), dtype=jnp.float32)
    inp['bias'] = jnp.zeros((1, OUT), dtype=jnp.float32)
    inp['W0'] = jax.random.normal(ks[10], (1, 2 * OUT), dtype=jnp.float32) * 0.1
    inp['b0'] = jnp.zeros((2 * OUT,), dtype=jnp.float32)
    inp['W1'] = jax.random.normal(ks[11], (2 * OUT, OUT), dtype=jnp.float32) * 0.05
    inp['b1'] = jnp.zeros((OUT,), dtype=jnp.float32)
    return inp


def reference(nfeat, efeat, n2p_idx, n2p_val, e2p_idx, e2p_val, pool_idx, pool_val, degs, weights, bias, W0, b0, W1, b1):
    in_dim = nfeat.shape[1]
    lrp_length = weights.shape[2]
    n_nodes = nfeat.shape[0]
    # tsp.mm(n_to_perm, nfeat) + tsp.mm(e_to_perm, efeat): one nnz per output row -> weighted gather
    x = n2p_val[:, None] * jnp.take(nfeat, n2p_idx, axis=0) + e2p_val[:, None] * jnp.take(efeat, e2p_idx, axis=0)
    # [M, in_dim] -> [in_dim, M] -> [in_dim, P, L] -> [P, L, in_dim]
    x = x.T.reshape(in_dim, -1, lrp_length).transpose(1, 2, 0)
    # einsum('dab,bca->dc') with weights [in_dim, out_dim, L]
    x = jax.nn.relu(jnp.einsum('dab,bca->dc', x, weights) + bias)
    # tsp.mm(pooling_matrix, nfeat): one nnz per perm column -> weighted segment-sum into nodes
    pooled = jax.ops.segment_sum(pool_val[:, None] * x, pool_idx, num_segments=n_nodes)
    # degnet MLP on degrees
    h = jax.nn.relu(degs[:, None] @ W0 + b0)
    factor_degs = h @ W1 + b1
    out = jax.nn.relu(pooled * factor_degs)
    return out

if __name__ == "__main__":
    import jax
    _d = setup_inputs()
    print(jax.jit(kernel)(*tuple(_d.values())))

</pallas_src>

<mosaic_0001>
#map = affine_map<(d0, d1) -> (0, 0)>
#map1 = affine_map<(d0, d1) -> (0, 0, 0)>
module attributes {stable_mosaic.version = 14 : i64} {
  func.func @_pool_body(%arg0: i32, %arg1: i32, %arg2: memref<100352x256xf32, #tpu.memory_space<hbm>>, %arg3: memref<16x56x112xi32, #tpu.memory_space<hbm>>, %arg4: memref<10000x256xf32, #tpu.memory_space<hbm>>, %arg5: memref<56x112xi32, #tpu.memory_space<vmem>>, %arg6: memref<2x112x128xf32, #tpu.memory_space<vmem>>, %arg7: memref<10000x128xf32, #tpu.memory_space<vmem_shared>>, %arg8: memref<!tpu.dma_semaphore, #tpu.memory_space<semaphore_mem>>, %arg9: memref<!tpu.dma_semaphore, #tpu.memory_space<semaphore_mem>>) attributes {dimension_semantics = [#tpu.dimension_semantics<core_parallel>, #tpu.dimension_semantics<subcore_parallel>], iteration_bounds = array<i64: 2, 16>, scalar_prefetch = 0 : i64, scratch_operands = 5 : i64, tpu.core_type = #tpu.core_type<sc_vector_subcore>, window_params = [{transform_indices = #map}, {transform_indices = #map1}, {transform_indices = #map}]} {
    %mul3A = arith.constant 128 : i32
    %mul3A_0 = arith.muli %arg0, %mul3A : i32
    %multiple_of3A = tpu.assume_multiple %mul3A_0, 128 : i32
    %mul3A_1 = arith.constant 6272 : i32
    %mul3A_2 = arith.muli %arg1, %mul3A_1 : i32
    %multiple_of3A_3 = tpu.assume_multiple %mul3A_2, 8 : i32
    %scan3A = arith.constant 0 : i32
    %scan3A_4 = arith.constant 0 : i32
    %scan3A_5 = arith.constant 112 : i32
    %scan3A_6 = arith.addi %scan3A_4, %scan3A_5 : i32
    %scan3A_7 = arith.constant 1 : i32
    %scan3A_8 = scf.for %scan3A_68 = %scan3A_4 to %scan3A_6 step %scan3A_7 iter_args(%scan3A_69 = %scan3A) -> (i32)  : i32 {
      %broadcast_in_dim3A = arith.constant 0.000000e+00 : f32
      %broadcast_in_dim3A_70 = vector.broadcast %broadcast_in_dim3A : f32 to vector<16xf32>
      %swap3A = arith.constant 0 : i32
      %swap3A_71 = arith.index_cast %swap3A : i32 to index
      %swap3A_72 = arith.index_cast %scan3A_68 : i32 to index
      %swap3A_73 = arith.constant 0 : index
      %swap3A_74 = tpu.vector_load %arg6[%swap3A_71, %swap3A_72, %swap3A_73] {strides = array<i32>} : memref<2x112x128xf32, #tpu.memory_space<vmem>>, vector<1x1x16xf32>,
      %swap3A_75 = vector.shape_cast %swap3A_74 : vector<1x1x16xf32> to vector<16xf32>
      %swap3A_76 = vector.shape_cast %broadcast_in_dim3A_70 : vector<16xf32> to vector<1x1x16xf32>
      tpu.vector_store %arg6[%swap3A_71, %swap3A_72, %swap3A_73], %swap3A_76 {strides = array<i32>} : memref<2x112x128xf32, #tpu.memory_space<vmem>>, vector<1x1x16xf32>,
      %broadcast_in_dim3A_77 = arith.constant 0.000000e+00 : f32
      %broadcast_in_dim3A_78 = vector.broadcast %broadcast_in_dim3A_77 : f32 to vector<16xf32>
      %swap3A_79 = arith.constant 0 : i32
      %swap3A_80 = arith.index_cast %swap3A_79 : i32 to index
      %swap3A_81 = arith.index_cast %scan3A_68 : i32 to index
      %swap3A_82 = arith.constant 16 : index
      %swap3A_83 = tpu.vector_load %arg6[%swap3A_80, %swap3A_81, %swap3A_82] {strides = array<i32>} : memref<2x112x128xf32, #tpu.memory_space<vmem>>, vector<1x1x16xf32>,
      %swap3A_84 = vector.shape_cast %swap3A_83 : vector<1x1x16xf32> to vector<16xf32>
      %swap3A_85 = vector.shape_cast %broadcast_in_dim3A_78 : vector<16xf32> to vector<1x1x16xf32>
      tpu.vector_store %arg6[%swap3A_80, %swap3A_81, %swap3A_82], %swap3A_85 {strides = array<i32>} : memref<2x112x128xf32, #tpu.memory_space<vmem>>, vector<1x1x16xf32>,
      %broadcast_in_dim3A_86 = arith.constant 0.000000e+00 : f32
      %broadcast_in_dim3A_87 = vector.broadcast %broadcast_in_dim3A_86 : f32 to vector<16xf32>
      %swap3A_88 = arith.constant 0 : i32
      %swap3A_89 = arith.index_cast %swap3A_88 : i32 to index
      %swap3A_90 = arith.index_cast %scan3A_68 : i32 to index
      %swap3A_91 = arith.constant 32 : index
      %swap3A_92 = tpu.vector_load %arg6[%swap3A_89, %swap3A_90, %swap3A_91] {strides = array<i32>} : memref<2x112x128xf32, #tpu.memory_space<vmem>>, vector<1x1x16xf32>,
      %swap3A_93 = vector.shape_cast %swap3A_92 : vector<1x1x16xf32> to vector<16xf32>
      %swap3A_94 = vector.shape_cast %broadcast_in_dim3A_87 : vector<16xf32> to vector<1x1x16xf32>
      tpu.vector_store %arg6[%swap3A_89, %swap3A_90, %swap3A_91], %swap3A_94 {strides = array<i32>} : memref<2x112x128xf32, #tpu.memory_space<vmem>>, vector<1x1x16xf32>,
      %broadcast_in_dim3A_95 = arith.constant 0.000000e+00 : f32
      %broadcast_in_dim3A_96 = vector.broadcast %broadcast_in_dim3A_95 : f32 to vector<16xf32>
      %swap3A_97 = arith.constant 0 : i32
      %swap3A_98 = arith.index_cast %swap3A_97 : i32 to index
      %swap3A_99 = arith.index_cast %scan3A_68 : i32 to index
      %swap3A_100 = arith.constant 48 : index
      %swap3A_101 = tpu.vector_load %arg6[%swap3A_98, %swap3A_99, %swap3A_100] {strides = array<i32>} : memref<2x112x128xf32, #tpu.memory_space<vmem>>, vector<1x1x16xf32>,
      %swap3A_102 = vector.shape_cast %swap3A_101 : vector<1x1x16xf32> to vector<16xf32>
      %swap3A_103 = vector.shape_cast %broadcast_in_dim3A_96 : vector<16xf32> to vector<1x1x16xf32>
      tpu.vector_store %arg6[%swap3A_98, %swap3A_99, %swap3A_100], %swap3A_103 {strides = array<i32>} : memref<2x112x128xf32, #tpu.memory_space<vmem>>, vector<1x1x16xf32>,
      %broadcast_in_dim3A_104 = arith.constant 0.000000e+00 : f32
      %broadcast_in_dim3A_105 = vector.broadcast %broadcast_in_dim3A_104 : f32 to vector<16xf32>
      %swap3A_106 = arith.constant 0 : i32
      %swap3A_107 = arith.index_cast %swap3A_106 : i32 to index
      %swap3A_108 = arith.index_cast %scan3A_68 : i32 to index
      %swap3A_109 = arith.constant 64 : index
      %swap3A_110 = tpu.vector_load %arg6[%swap3A_107, %swap3A_108, %swap3A_109] {strides = array<i32>} : memref<2x112x128xf32, #tpu.memory_space<vmem>>, vector<1x1x16xf32>,
      %swap3A_111 = vector.shape_cast %swap3A_110 : vector<1x1x16xf32> to vector<16xf32>
      %swap3A_112 = vector.shape_cast %broadcast_in_dim3A_105 : vector<16xf32> to vector<1x1x16xf32>
      tpu.vector_store %arg6[%swap3A_107, %swap3A_108, %swap3A_109], %swap3A_112 {strides = array<i32>} : memref<2x112x128xf32, #tpu.memory_space<vmem>>, vector<1x1x16xf32>,
      %broadcast_in_dim3A_113 = arith.constant 0.000000e+00 : f32
      %broadcast_in_dim3A_114 = vector.broadcast %broadcast_in_dim3A_113 : f32 to vector<16xf32>
      %swap3A_115 = arith.constant 0 : i32
      %swap3A_116 = arith.index_cast %swap3A_115 : i32 to index
      %swap3A_117 = arith.index_cast %scan3A_68 : i32 to index
      %swap3A_118 = arith.constant 80 : index
      %swap3A_119 = tpu.vector_load %arg6[%swap3A_116, %swap3A_117, %swap3A_118] {strides = array<i32>} : memref<2x112x128xf32, #tpu.memory_space<vmem>>, vector<1x1x16xf32>,
      %swap3A_120 = vector.shape_cast %swap3A_119 : vector<1x1x16xf32> to vector<16xf32>
      %swap3A_121 = vector.shape_cast %broadcast_in_dim3A_114 : vector<16xf32> to vector<1x1x16xf32>
      tpu.vector_store %arg6[%swap3A_116, %swap3A_117, %swap3A_118], %swap3A_121 {strides = array<i32>} : memref<2x112x128xf32, #tpu.memory_space<vmem>>, vector<1x1x16xf32>,
      %broadcast_in_dim3A_122 = arith.constant 0.000000e+00 : f32
      %broadcast_in_dim3A_123 = vector.broadcast %broadcast_in_dim3A_122 : f32 to vector<16xf32>
      %swap3A_124 = arith.constant 0 : i32
      %swap3A_125 = arith.index_cast %swap3A_124 : i32 to index
      %swap3A_126 = arith.index_cast %scan3A_68 : i32 to index
      %swap3A_127 = arith.constant 96 : index
      %swap3A_128 = tpu.vector_load %arg6[%swap3A_125, %swap3A_126, %swap3A_127] {strides = array<i32>} : memref<2x112x128xf32, #tpu.memory_space<vmem>>, vector<1x1x16xf32>,
      %swap3A_129 = vector.shape_cast %swap3A_128 : vector<1x1x16xf32> to vector<16xf32>
      %swap3A_130 = vector.shape_cast %broadcast_in_dim3A_123 : vector<16xf32> to vector<1x1x16xf32>
      tpu.vector_store %arg6[%swap3A_125, %swap3A_126, %swap3A_127], %swap3A_130 {strides = array<i32>} : memref<2x112x128xf32, #tpu.memory_space<vmem>>, vector<1x1x16xf32>,
      %broadcast_in_dim3A_131 = arith.constant 0.000000e+00 : f32
      %broadcast_in_dim3A_132 = vector.broadcast %broadcast_in_dim3A_131 : f32 to vector<16xf32>
      %swap3A_133 = arith.constant 0 : i32
      %swap3A_134 = arith.index_cast %swap3A_133 : i32 to index
      %swap3A_135 = arith.index_cast %scan3A_68 : i32 to index
      %swap3A_136 = arith.constant 112 : index
      %swap3A_137 = tpu.vector_load %arg6[%swap3A_134, %swap3A_135, %swap3A_136] {strides = array<i32>} : memref<2x112x128xf32, #tpu.memory_space<vmem>>, vector<1x1x16xf32>,
      %swap3A_138 = vector.shape_cast %swap3A_137 : vector<1x1x16xf32> to vector<16xf32>
      %swap3A_139 = vector.shape_cast %broadcast_in_dim3A_132 : vector<16xf32> to vector<1x1x16xf32>
      tpu.vector_store %arg6[%swap3A_134, %swap3A_135, %swap3A_136], %swap3A_139 {strides = array<i32>} : memref<2x112x128xf32, #tpu.memory_space<vmem>>, vector<1x1x16xf32>,
      %scan3A_140 = arith.constant 0 : i32
      scf.yield %scan3A_140 : i32
    }
    %scan3A_9 = arith.constant 112 : i32
    %mul3A_10 = arith.constant 624 : i32
    %mul3A_11 = arith.muli %arg1, %mul3A_10 : i32
    %multiple_of3A_12 = tpu.assume_multiple %mul3A_11, 8 : i32
    %add3A = arith.constant 0 : i32
    %add3A_13 = arith.addi %multiple_of3A_12, %add3A : i32
    %run_scoped3A = arith.constant 0 : i32
    "tpu.region"() ({
      %run_scoped3A_68 = tpu.sem_alloc : memref<!tpu.dma_semaphore, #tpu.memory_space<semaphore_mem>>
      %dma_start3A_69 = arith.constant 0 : i32
      %dma_start3A_70 = arith.constant 0 : i32
      %dma_start3A_71 = tpu.memref_slice %arg6[%run_scoped3A, %dma_start3A_69, %dma_start3A_70] : memref<2x112x128xf32, #tpu.memory_space<vmem>> -> memref<1x112x128xf32, #tpu.memory_space<vmem>>
      %dma_start3A_72 = tpu.memref_squeeze %dma_start3A_71 : memref<1x112x128xf32, #tpu.memory_space<vmem>> -> memref<112x128xf32, #tpu.memory_space<vmem>>
      %dma_start3A_73 = arith.constant 0 : i32
      %dma_start3A_74 = tpu.memref_slice %arg7[%add3A_13, %dma_start3A_73] : memref<10000x128xf32, #tpu.memory_space<vmem_shared>> -> memref<112x128xf32, #tpu.memory_space<vmem_shared>>
      %dma_start3A_75 = arith.constant 0 : i32
      %dma_start3A_76 = tpu.memref_slice %arg7[%add3A_13, %dma_start3A_75] : memref<10000x128xf32, #tpu.memory_space<vmem_shared>> -> memref<112x128xf32, #tpu.memory_space<vmem_shared>>
      %dma_start3A_77 = arith.constant 0 : i32
      %dma_start3A_78 = arith.constant 0 : i32
      %dma_start3A_79 = tpu.memref_slice %arg6[%run_scoped3A, %dma_start3A_77, %dma_start3A_78] : memref<2x112x128xf32, #tpu.memory_space<vmem>> -> memref<1x112x128xf32, #tpu.memory_space<vmem>>
      %dma_start3A_80 = tpu.memref_squeeze %dma_start3A_79 : memref<1x112x128xf32, #tpu.memory_space<vmem>> -> memref<112x128xf32, #tpu.memory_space<vmem>>
      tpu.enqueue_dma source(%dma_start3A_80 : memref<112x128xf32, #tpu.memory_space<vmem>>) target(%dma_start3A_76 : memref<112x128xf32, #tpu.memory_space<vmem_shared>>) target_semaphore(%run_scoped3A_68 : memref<!tpu.dma_semaphore, #tpu.memory_space<semaphore_mem>>)
      %dma_wait3A_81 = arith.constant 0 : i32
      %dma_wait3A_82 = arith.constant 0 : i32
      %dma_wait3A_83 = tpu.memref_slice %arg6[%run_scoped3A, %dma_wait3A_81, %dma_wait3A_82] : memref<2x112x128xf32, #tpu.memory_space<vmem>> -> memref<1x112x128xf32, #tpu.memory_space<vmem>>
      %dma_wait3A_84 = tpu.memref_squeeze %dma_wait3A_83 : memref<1x112x128xf32, #tpu.memory_space<vmem>> -> memref<112x128xf32, #tpu.memory_space<vmem>>
      %dma_wait3A_85 = arith.constant 0 : i32
      %dma_wait3A_86 = tpu.memref_slice %arg7[%add3A_13, %dma_wait3A_85] : memref<10000x128xf32, #tpu.memory_space<vmem_shared>> -> memref<112x128xf32, #tpu.memory_space<vmem_shared>>
      %dma_wait3A_87 = arith.constant 0 : i32
      %dma_wait3A_88 = tpu.memref_slice %arg7[%add3A_13, %dma_wait3A_87] : memref<10000x128xf32, #tpu.memory_space<vmem_shared>> -> memref<112x128xf32, #tpu.memory_space<vmem_shared>>
      %dma_wait3A_89 = arith.constant 0 : i32
      %dma_wait3A_90 = arith.constant 0 : i32
      %dma_wait3A_91 = tpu.memref_slice %arg6[%run_scoped3A, %dma_wait3A_89, %dma_wait3A_90] : memref<2x112x128xf32, #tpu.memory_space<vmem>> -> memref<1x112x128xf32, #tpu.memory_space<vmem>>
      %dma_wait3A_92 = tpu.memref_squeeze %dma_wait3A_91 : memref<1x112x128xf32, #tpu.memory_space<vmem>> -> memref<112x128xf32, #tpu.memory_space<vmem>>
      tpu.wait_dma2 semaphore(%run_scoped3A_68 : memref<!tpu.dma_semaphore, #tpu.memory_space<semaphore_mem>>) src(%dma_wait3A_92 : memref<112x128xf32, #tpu.memory_space<vmem>>) dst(%dma_wait3A_88 : memref<112x128xf32, #tpu.memory_space<vmem_shared>>)
      tpu.yield
    }) : () -> ()
    %add3A_14 = arith.constant 112 : i32
    %add3A_15 = arith.addi %multiple_of3A_12, %add3A_14 : i32
    %run_scoped3A_16 = arith.constant 0 : i32
    "tpu.region"() ({
      %run_scoped3A_68 = tpu.sem_alloc : memref<!tpu.dma_semaphore, #tpu.memory_space<semaphore_mem>>
      %dma_start3A_69 = arith.constant 0 : i32
      %dma_start3A_70 = arith.constant 0 : i32
      %dma_start3A_71 = tpu.memref_slice %arg6[%run_scoped3A_16, %dma_start3A_69, %dma_start3A_70] : memref<2x112x128xf32, #tpu.memory_space<vmem>> -> memref<1x112x128xf32, #tpu.memory_space<vmem>>
      %dma_start3A_72 = tpu.memref_squeeze %dma_start3A_71 : memref<1x112x128xf32, #tpu.memory_space<vmem>> -> memref<112x128xf32, #tpu.memory_space<vmem>>
      %dma_start3A_73 = arith.constant 0 : i32
      %dma_start3A_74 = tpu.memref_slice %arg7[%add3A_15, %dma_start3A_73] : memref<10000x128xf32, #tpu.memory_space<vmem_shared>> -> memref<112x128xf32, #tpu.memory_space<vmem_shared>>
      %dma_start3A_75 = arith.constant 0 : i32
      %dma_start3A_76 = tpu.memref_slice %arg7[%add3A_15, %dma_start3A_75] : memref<10000x128xf32, #tpu.memory_space<vmem_shared>> -> memref<112x128xf32, #tpu.memory_space<vmem_shared>>
      %dma_start3A_77 = arith.constant 0 : i32
      %dma_start3A_78 = arith.constant 0 : i32
      %dma_start3A_79 = tpu.memref_slice %arg6[%run_scoped3A_16, %dma_start3A_77, %dma_start3A_78] : memref<2x112x128xf32, #tpu.memory_space<vmem>> -> memref<1x112x128xf32, #tpu.memory_space<vmem>>
      %dma_start3A_80 = tpu.memref_squeeze %dma_start3A_79 : memref<1x112x128xf32, #tpu.memory_space<vmem>> -> memref<112x128xf32, #tpu.memory_space<vmem>>
      tpu.enqueue_dma source(%dma_start3A_80 : memref<112x128xf32, #tpu.memory_space<vmem>>) target(%dma_start3A_76 : memref<112x128xf32, #tpu.memory_space<vmem_shared>>) target_semaphore(%run_scoped3A_68 : memref<!tpu.dma_semaphore, #tpu.memory_space<semaphore_mem>>)
      %dma_wait3A_81 = arith.constant 0 : i32
      %dma_wait3A_82 = arith.constant 0 : i32
      %dma_wait3A_83 = tpu.memref_slice %arg6[%run_scoped3A_16, %dma_wait3A_81, %dma_wait3A_82] : memref<2x112x128xf32, #tpu.memory_space<vmem>> -> memref<1x112x128xf32, #tpu.memory_space<vmem>>
      %dma_wait3A_84 = tpu.memref_squeeze %dma_wait3A_83 : memref<1x112x128xf32, #tpu.memory_space<vmem>> -> memref<112x128xf32, #tpu.memory_space<vmem>>
      %dma_wait3A_85 = arith.constant 0 : i32
      %dma_wait3A_86 = tpu.memref_slice %arg7[%add3A_15, %dma_wait3A_85] : memref<10000x128xf32, #tpu.memory_space<vmem_shared>> -> memref<112x128xf32, #tpu.memory_space<vmem_shared>>
      %dma_wait3A_87 = arith.constant 0 : i32
      %dma_wait3A_88 = tpu.memref_slice %arg7[%add3A_15, %dma_wait3A_87] : memref<10000x128xf32, #tpu.memory_space<vmem_shared>> -> memref<112x128xf32, #tpu.memory_space<vmem_shared>>
      %dma_wait3A_89 = arith.constant 0 : i32
      %dma_wait3A_90 = arith.constant 0 : i32
      %dma_wait3A_91 = tpu.memref_slice %arg6[%run_scoped3A_16, %dma_wait3A_89, %dma_wait3A_90] : memref<2x112x128xf32, #tpu.memory_space<vmem>> -> memref<1x112x128xf32, #tpu.memory_space<vmem>>
      %dma_wait3A_92 = tpu.memref_squeeze %dma_wait3A_91 : memref<1x112x128xf32, #tpu.memory_space<vmem>> -> memref<112x128xf32, #tpu.memory_space<vmem>>
      tpu.wait_dma2 semaphore(%run_scoped3A_68 : memref<!tpu.dma_semaphore, #tpu.memory_space<semaphore_mem>>) src(%dma_wait3A_92 : memref<112x128xf32, #tpu.memory_space<vmem>>) dst(%dma_wait3A_88 : memref<112x128xf32, #tpu.memory_space<vmem_shared>>)
      tpu.yield
    }) : () -> ()
    %add3A_17 = arith.constant 224 : i32
    %add3A_18 = arith.addi %multiple_of3A_12, %add3A_17 : i32
    %run_scoped3A_19 = arith.constant 0 : i32
    "tpu.region"() ({
      %run_scoped3A_68 = tpu.sem_alloc : memref<!tpu.dma_semaphore, #tpu.memory_space<semaphore_mem>>
      %dma_start3A_69 = arith.constant 0 : i32
      %dma_start3A_70 = arith.constant 0 : i32
      %dma_start3A_71 = tpu.memref_slice %arg6[%run_scoped3A_19, %dma_start3A_69, %dma_start3A_70] : memref<2x112x128xf32, #tpu.memory_space<vmem>> -> memref<1x112x128xf32, #tpu.memory_space<vmem>>
      %dma_start3A_72 = tpu.memref_squeeze %dma_start3A_71 : memref<1x112x128xf32, #tpu.memory_space<vmem>> -> memref<112x128xf32, #tpu.memory_space<vmem>>
      %dma_start3A_73 = arith.constant 0 : i32
      %dma_start3A_74 = tpu.memref_slice %arg7[%add3A_18, %dma_start3A_73] : memref<10000x128xf32, #tpu.memory_space<vmem_shared>> -> memref<112x128xf32, #tpu.memory_space<vmem_shared>>
      %dma_start3A_75 = arith.constant 0 : i32
      %dma_start3A_76 = tpu.memref_slice %arg7[%add3A_18, %dma_start3A_75] : memref<10000x128xf32, #tpu.memory_space<vmem_shared>> -> memref<112x128xf32, #tpu.memory_space<vmem_shared>>
      %dma_start3A_77 = arith.constant 0 : i32
      %dma_start3A_78 = arith.constant 0 : i32
      %dma_start3A_79 = tpu.memref_slice %arg6[%run_scoped3A_19, %dma_start3A_77, %dma_start3A_78] : memref<2x112x128xf32, #tpu.memory_space<vmem>> -> memref<1x112x128xf32, #tpu.memory_space<vmem>>
      %dma_start3A_80 = tpu.memref_squeeze %dma_start3A_79 : memref<1x112x128xf32, #tpu.memory_space<vmem>> -> memref<112x128xf32, #tpu.memory_space<vmem>>
      tpu.enqueue_dma source(%dma_start3A_80 : memref<112x128xf32, #tpu.memory_space<vmem>>) target(%dma_start3A_76 : memref<112x128xf32, #tpu.memory_space<vmem_shared>>) target_semaphore(%run_scoped3A_68 : memref<!tpu.dma_semaphore, #tpu.memory_space<semaphore_mem>>)
      %dma_wait3A_81 = arith.constant 0 : i32
      %dma_wait3A_82 = arith.constant 0 : i32
      %dma_wait3A_83 = tpu.memref_slice %arg6[%run_scoped3A_19, %dma_wait3A_81, %dma_wait3A_82] : memref<2x112x128xf32, #tpu.memory_space<vmem>> -> memref<1x112x128xf32, #tpu.memory_space<vmem>>
      %dma_wait3A_84 = tpu.memref_squeeze %dma_wait3A_83 : memref<1x112x128xf32, #tpu.memory_space<vmem>> -> memref<112x128xf32, #tpu.memory_space<vmem>>
      %dma_wait3A_85 = arith.constant 0 : i32
      %dma_wait3A_86 = tpu.memref_slice %arg7[%add3A_18, %dma_wait3A_85] : memref<10000x128xf32, #tpu.memory_space<vmem_shared>> -> memref<112x128xf32, #tpu.memory_space<vmem_shared>>
      %dma_wait3A_87 = arith.constant 0 : i32
      %dma_wait3A_88 = tpu.memref_slice %arg7[%add3A_18, %dma_wait3A_87] : memref<10000x128xf32, #tpu.memory_space<vmem_shared>> -> memref<112x128xf32, #tpu.memory_space<vmem_shared>>
      %dma_wait3A_89 = arith.constant 0 : i32
      %dma_wait3A_90 = arith.constant 0 : i32
      %dma_wait3A_91 = tpu.memref_slice %arg6[%run_scoped3A_19, %dma_wait3A_89, %dma_wait3A_90] : memref<2x112x128xf32, #tpu.memory_space<vmem>> -> memref<1x112x128xf32, #tpu.memory_space<vmem>>
      %dma_wait3A_92 = tpu.memref_squeeze %dma_wait3A_91 : memref<1x112x128xf32, #tpu.memory_space<vmem>> -> memref<112x128xf32, #tpu.memory_space<vmem>>
      tpu.wait_dma2 semaphore(%run_scoped3A_68 : memref<!tpu.dma_semaphore, #tpu.memory_space<semaphore_mem>>) src(%dma_wait3A_92 : memref<112x128xf32, #tpu.memory_space<vmem>>) dst(%dma_wait3A_88 : memref<112x128xf32, #tpu.memory_space<vmem_shared>>)
      tpu.yield
    }) : () -> ()
    %add3A_20 = arith.constant 336 : i32
    %add3A_21 = arith.addi %multiple_of3A_12, %add3A_20 : i32
    %run_scoped3A_22 = arith.constant 0 : i32
    "tpu.region"() ({
      %run_scoped3A_68 = tpu.sem_alloc : memref<!tpu.dma_semaphore, #tpu.memory_space<semaphore_mem>>
      %dma_start3A_69 = arith.constant 0 : i32
      %dma_start3A_70 = arith.constant 0 : i32
      %dma_start3A_71 = tpu.memref_slice %arg6[%run_scoped3A_22, %dma_start3A_69, %dma_start3A_70] : memref<2x112x128xf32, #tpu.memory_space<vmem>> -> memref<1x112x128xf32, #tpu.memory_space<vmem>>
      %dma_start3A_72 = tpu.memref_squeeze %dma_start3A_71 : memref<1x112x128xf32, #tpu.memory_space<vmem>> -> memref<112x128xf32, #tpu.memory_space<vmem>>
      %dma_start3A_73 = arith.constant 0 : i32
      %dma_start3A_74 = tpu.memref_slice %arg7[%add3A_21, %dma_start3A_73] : memref<10000x128xf32, #tpu.memory_space<vmem_shared>> -> memref<112x128xf32, #tpu.memory_space<vmem_shared>>
      %dma_start3A_75 = arith.constant 0 : i32
      %dma_start3A_76 = tpu.memref_slice %arg7[%add3A_21, %dma_start3A_75] : memref<10000x128xf32, #tpu.memory_space<vmem_shared>> -> memref<112x128xf32, #tpu.memory_space<vmem_shared>>
      %dma_start3A_77 = arith.constant 0 : i32
      %dma_start3A_78 = arith.constant 0 : i32
      %dma_start3A_79 = tpu.memref_slice %arg6[%run_scoped3A_22, %dma_start3A_77, %dma_start3A_78] : memref<2x112x128xf32, #tpu.memory_space<vmem>> -> memref<1x112x128xf32, #tpu.memory_space<vmem>>
      %dma_start3A_80 = tpu.memref_squeeze %dma_start3A_79 : memref<1x112x128xf32, #tpu.memory_space<vmem>> -> memref<112x128xf32, #tpu.memory_space<vmem>>
      tpu.enqueue_dma source(%dma_start3A_80 : memref<112x128xf32, #tpu.memory_space<vmem>>) target(%dma_start3A_76 : memref<112x128xf32, #tpu.memory_space<vmem_shared>>) target_semaphore(%run_scoped3A_68 : memref<!tpu.dma_semaphore, #tpu.memory_space<semaphore_mem>>)
      %dma_wait3A_81 = arith.constant 0 : i32
      %dma_wait3A_82 = arith.constant 0 : i32
      %dma_wait3A_83 = tpu.memref_slice %arg6[%run_scoped3A_22, %dma_wait3A_81, %dma_wait3A_82] : memref<2x112x128xf32, #tpu.memory_space<vmem>> -> memref<1x112x128xf32, #tpu.memory_space<vmem>>
      %dma_wait3A_84 = tpu.memref_squeeze %dma_wait3A_83 : memref<1x112x128xf32, #tpu.memory_space<vmem>> -> memref<112x128xf32, #tpu.memory_space<vmem>>
      %dma_wait3A_85 = arith.constant 0 : i32
      %dma_wait3A_86 = tpu.memref_slice %arg7[%add3A_21, %dma_wait3A_85] : memref<10000x128xf32, #tpu.memory_space<vmem_shared>> -> memref<112x128xf32, #tpu.memory_space<vmem_shared>>
      %dma_wait3A_87 = arith.constant 0 : i32
      %dma_wait3A_88 = tpu.memref_slice %arg7[%add3A_21, %dma_wait3A_87] : memref<10000x128xf32, #tpu.memory_space<vmem_shared>> -> memref<112x128xf32, #tpu.memory_space<vmem_shared>>
      %dma_wait3A_89 = arith.constant 0 : i32
      %dma_wait3A_90 = arith.constant 0 : i32
      %dma_wait3A_91 = tpu.memref_slice %arg6[%run_scoped3A_22, %dma_wait3A_89, %dma_wait3A_90] : memref<2x112x128xf32, #tpu.memory_space<vmem>> -> memref<1x112x128xf32, #tpu.memory_space<vmem>>
      %dma_wait3A_92 = tpu.memref_squeeze %dma_wait3A_91 : memref<1x112x128xf32, #tpu.memory_space<vmem>> -> memref<112x128xf32, #tpu.memory_space<vmem>>
      tpu.wait_dma2 semaphore(%run_scoped3A_68 : memref<!tpu.dma_semaphore, #tpu.memory_space<semaphore_mem>>) src(%dma_wait3A_92 : memref<112x128xf32, #tpu.memory_space<vmem>>) dst(%dma_wait3A_88 : memref<112x128xf32, #tpu.memory_space<vmem_shared>>)
      tpu.yield
    }) : () -> ()
    %add3A_23 = arith.constant 448 : i32
    %add3A_24 = arith.addi %multiple_of3A_12, %add3A_23 : i32
    %run_scoped3A_25 = arith.constant 0 : i32
    "tpu.region"() ({
      %run_scoped3A_68 = tpu.sem_alloc : memref<!tpu.dma_semaphore, #tpu.memory_space<semaphore_mem>>
      %dma_start3A_69 = arith.constant 0 : i32
      %dma_start3A_70 = arith.constant 0 : i32
      %dma_start3A_71 = tpu.memref_slice %arg6[%run_scoped3A_25, %dma_start3A_69, %dma_start3A_70] : memref<2x112x128xf32, #tpu.memory_space<vmem>> -> memref<1x112x128xf32, #tpu.memory_space<vmem>>
      %dma_start3A_72 = tpu.memref_squeeze %dma_start3A_71 : memref<1x112x128xf32, #tpu.memory_space<vmem>> -> memref<112x128xf32, #tpu.memory_space<vmem>>
      %dma_start3A_73 = arith.constant 0 : i32
      %dma_start3A_74 = tpu.memref_slice %arg7[%add3A_24, %dma_start3A_73] : memref<10000x128xf32, #tpu.memory_space<vmem_shared>> -> memref<112x128xf32, #tpu.memory_space<vmem_shared>>
      %dma_start3A_75 = arith.constant 0 : i32
      %dma_start3A_76 = tpu.memref_slice %arg7[%add3A_24, %dma_start3A_75] : memref<10000x128xf32, #tpu.memory_space<vmem_shared>> -> memref<112x128xf32, #tpu.memory_space<vmem_shared>>
      %dma_start3A_77 = arith.constant 0 : i32
      %dma_start3A_78 = arith.constant 0 : i32
      %dma_start3A_79 = tpu.memref_slice %arg6[%run_scoped3A_25, %dma_start3A_77, %dma_start3A_78] : memref<2x112x128xf32, #tpu.memory_space<vmem>> -> memref<1x112x128xf32, #tpu.memory_space<vmem>>
      %dma_start3A_80 = tpu.memref_squeeze %dma_start3A_79 : memref<1x112x128xf32, #tpu.memory_space<vmem>> -> memref<112x128xf32, #tpu.memory_space<vmem>>
      tpu.enqueue_dma source(%dma_start3A_80 : memref<112x128xf32, #tpu.memory_space<vmem>>) target(%dma_start3A_76 : memref<112x128xf32, #tpu.memory_space<vmem_shared>>) target_semaphore(%run_scoped3A_68 : memref<!tpu.dma_semaphore, #tpu.memory_space<semaphore_mem>>)
      %dma_wait3A_81 = arith.constant 0 : i32
      %dma_wait3A_82 = arith.constant 0 : i32
      %dma_wait3A_83 = tpu.memref_slice %arg6[%run_scoped3A_25, %dma_wait3A_81, %dma_wait3A_82] : memref<2x112x128xf32, #tpu.memory_space<vmem>> -> memref<1x112x128xf32, #tpu.memory_space<vmem>>
      %dma_wait3A_84 = tpu.memref_squeeze %dma_wait3A_83 : memref<1x112x128xf32, #tpu.memory_space<vmem>> -> memref<112x128xf32, #tpu.memory_space<vmem>>
      %dma_wait3A_85 = arith.constant 0 : i32
      %dma_wait3A_86 = tpu.memref_slice %arg7[%add3A_24, %dma_wait3A_85] : memref<10000x128xf32, #tpu.memory_space<vmem_shared>> -> memref<112x128xf32, #tpu.memory_space<vmem_shared>>
      %dma_wait3A_87 = arith.constant 0 : i32
      %dma_wait3A_88 = tpu.memref_slice %arg7[%add3A_24, %dma_wait3A_87] : memref<10000x128xf32, #tpu.memory_space<vmem_shared>> -> memref<112x128xf32, #tpu.memory_space<vmem_shared>>
      %dma_wait3A_89 = arith.constant 0 : i32
      %dma_wait3A_90 = arith.constant 0 : i32
      %dma_wait3A_91 = tpu.memref_slice %arg6[%run_scoped3A_25, %dma_wait3A_89, %dma_wait3A_90] : memref<2x112x128xf32, #tpu.memory_space<vmem>> -> memref<1x112x128xf32, #tpu.memory_space<vmem>>
      %dma_wait3A_92 = tpu.memref_squeeze %dma_wait3A_91 : memref<1x112x128xf32, #tpu.memory_space<vmem>> -> memref<112x128xf32, #tpu.memory_space<vmem>>
      tpu.wait_dma2 semaphore(%run_scoped3A_68 : memref<!tpu.dma_semaphore, #tpu.memory_space<semaphore_mem>>) src(%dma_wait3A_92 : memref<112x128xf32, #tpu.memory_space<vmem>>) dst(%dma_wait3A_88 : memref<112x128xf32, #tpu.memory_space<vmem_shared>>)
      tpu.yield
    }) : () -> ()
    %add3A_26 = arith.constant 560 : i32
    %add3A_27 = arith.addi %multiple_of3A_12, %add3A_26 : i32
    %run_scoped3A_28 = arith.constant 0 : i32
    "tpu.region"() ({
      %run_scoped3A_68 = tpu.sem_alloc : memref<!tpu.dma_semaphore, #tpu.memory_space<semaphore_mem>>
      %dma_start3A_69 = arith.constant 0 : i32
      %dma_start3A_70 = arith.constant 0 : i32
      %dma_start3A_71 = tpu.memref_slice %arg6[%run_scoped3A_28, %dma_start3A_69, %dma_start3A_70] : memref<2x112x128xf32, #tpu.memory_space<vmem>> -> memref<1x64x128xf32, #tpu.memory_space<vmem>>
      %dma_start3A_72 = tpu.memref_squeeze %dma_start3A_71 : memref<1x64x128xf32, #tpu.memory_space<vmem>> -> memref<64x128xf32, #tpu.memory_space<vmem>>
      %dma_start3A_73 = arith.constant 0 : i32
      %dma_start3A_74 = tpu.memref_slice %arg7[%add3A_27, %dma_start3A_73] : memref<10000x128xf32, #tpu.memory_space<vmem_shared>> -> memref<64x128xf32, #tpu.memory_space<vmem_shared>>
      %dma_start3A_75 = arith.constant 0 : i32
      %dma_start3A_76 = tpu.memref_slice %arg7[%add3A_27, %dma_start3A_75] : memref<10000x128xf32, #tpu.memory_space<vmem_shared>> -> memref<64x128xf32, #tpu.memory_space<vmem_shared>>
      %dma_start3A_77 = arith.constant 0 : i32
      %dma_start3A_78 = arith.constant 0 : i32
      %dma_start3A_79 = tpu.memref_slice %arg6[%run_scoped3A_28, %dma_start3A_77, %dma_start3A_78] : memref<2x112x128xf32, #tpu.memory_space<vmem>> -> memref<1x64x128xf32, #tpu.memory_space<vmem>>
      %dma_start3A_80 = tpu.memref_squeeze %dma_start3A_79 : memref<1x64x128xf32, #tpu.memory_space<vmem>> -> memref<64x128xf32, #tpu.memory_space<vmem>>
      tpu.enqueue_dma source(%dma_start3A_80 : memref<64x128xf32, #tpu.memory_space<vmem>>) target(%dma_start3A_76 : memref<64x128xf32, #tpu.memory_space<vmem_shared>>) target_semaphore(%run_scoped3A_68 : memref<!tpu.dma_semaphore, #tpu.memory_space<semaphore_mem>>)
      %dma_wait3A_81 = arith.constant 0 : i32
      %dma_wait3A_82 = arith.constant 0 : i32
      %dma_wait3A_83 = tpu.memref_slice %arg6[%run_scoped3A_28, %dma_wait3A_81, %dma_wait3A_82] : memref<2x112x128xf32, #tpu.memory_space<vmem>> -> memref<1x64x128xf32, #tpu.memory_space<vmem>>
      %dma_wait3A_84 = tpu.memref_squeeze %dma_wait3A_83 : memref<1x64x128xf32, #tpu.memory_space<vmem>> -> memref<64x128xf32, #tpu.memory_space<vmem>>
      %dma_wait3A_85 = arith.constant 0 : i32
      %dma_wait3A_86 = tpu.memref_slice %arg7[%add3A_27, %dma_wait3A_85] : memref<10000x128xf32, #tpu.memory_space<vmem_shared>> -> memref<64x128xf32, #tpu.memory_space<vmem_shared>>
      %dma_wait3A_87 = arith.constant 0 : i32
      %dma_wait3A_88 = tpu.memref_slice %arg7[%add3A_27, %dma_wait3A_87] : memref<10000x128xf32, #tpu.memory_space<vmem_shared>> -> memref<64x128xf32, #tpu.memory_space<vmem_shared>>
      %dma_wait3A_89 = arith.constant 0 : i32
      %dma_wait3A_90 = arith.constant 0 : i32
      %dma_wait3A_91 = tpu.memref_slice %arg6[%run_scoped3A_28, %dma_wait3A_89, %dma_wait3A_90] : memref<2x112x128xf32, #tpu.memory_space<vmem>> -> memref<1x64x128xf32, #tpu.memory_space<vmem>>
      %dma_wait3A_92 = tpu.memref_squeeze %dma_wait3A_91 : memref<1x64x128xf32, #tpu.memory_space<vmem>> -> memref<64x128xf32, #tpu.memory_space<vmem>>
      tpu.wait_dma2 semaphore(%run_scoped3A_68 : memref<!tpu.dma_semaphore, #tpu.memory_space<semaphore_mem>>) src(%dma_wait3A_92 : memref<64x128xf32, #tpu.memory_space<vmem>>) dst(%dma_wait3A_88 : memref<64x128xf32, #tpu.memory_space<vmem_shared>>)
      tpu.yield
    }) : () -> ()
    %eq3A = arith.constant 15 : i32
    %eq3A_29 = arith.cmpi eq, %arg1, %eq3A : i32
    %convert_element_type3A = arith.extui %eq3A_29 : i1 to i32
    %cond3A = arith.constant 0 : i32
    %cond3A_30 = arith.cmpi ne, %convert_element_type3A, %cond3A : i32
    scf.if %cond3A_30 {
      %run_scoped3A_68 = arith.constant 0 : i32
      "tpu.region"() ({
        %run_scoped3A_69 = tpu.sem_alloc : memref<!tpu.dma_semaphore, #tpu.memory_space<semaphore_mem>>
        %dma_start3A_70 = arith.constant 0 : i32
        %dma_start3A_71 = arith.constant 0 : i32
        %dma_start3A_72 = tpu.memref_slice %arg6[%run_scoped3A_68, %dma_start3A_70, %dma_start3A_71] : memref<2x112x128xf32, #tpu.memory_space<vmem>> -> memref<1x16x128xf32, #tpu.memory_space<vmem>>
        %dma_start3A_73 = tpu.memref_squeeze %dma_start3A_72 : memref<1x16x128xf32, #tpu.memory_space<vmem>> -> memref<16x128xf32, #tpu.memory_space<vmem>>
        %dma_start3A_74 = arith.constant 9984 : i32
        %dma_start3A_75 = arith.constant 0 : i32
        %dma_start3A_76 = tpu.memref_slice %arg7[%dma_start3A_74, %dma_start3A_75] : memref<10000x128xf32, #tpu.memory_space<vmem_shared>> -> memref<16x128xf32, #tpu.memory_space<vmem_shared>>
        %dma_start3A_77 = arith.constant 9984 : i32
        %dma_start3A_78 = arith.constant 0 : i32
        %dma_start3A_79 = tpu.memref_slice %arg7[%dma_start3A_77, %dma_start3A_78] : memref<10000x128xf32, #tpu.memory_space<vmem_shared>> -> memref<16x128xf32, #tpu.memory_space<vmem_shared>>
        %dma_start3A_80 = arith.constant 0 : i32
        %dma_start3A_81 = arith.constant 0 : i32
        %dma_start3A_82 = tpu.memref_slice %arg6[%run_scoped3A_68, %dma_start3A_80, %dma_start3A_81] : memref<2x112x128xf32, #tpu.memory_space<vmem>> -> memref<1x16x128xf32, #tpu.memory_space<vmem>>
        %dma_start3A_83 = tpu.memref_squeeze %dma_start3A_82 : memref<1x16x128xf32, #tpu.memory_space<vmem>> -> memref<16x128xf32, #tpu.memory_space<vmem>>
        tpu.enqueue_dma source(%dma_start3A_83 : memref<16x128xf32, #tpu.memory_space<vmem>>) target(%dma_start3A_79 : memref<16x128xf32, #tpu.memory_space<vmem_shared>>) target_semaphore(%run_scoped3A_69 : memref<!tpu.dma_semaphore, #tpu.memory_space<semaphore_mem>>)
        %dma_wait3A_84 = arith.constant 0 : i32
        %dma_wait3A_85 = arith.constant 0 : i32
        %dma_wait3A_86 = tpu.memref_slice %arg6[%run_scoped3A_68, %dma_wait3A_84, %dma_wait3A_85] : memref<2x112x128xf32, #tpu.memory_space<vmem>> -> memref<1x16x128xf32, #tpu.memory_space<vmem>>
        %dma_wait3A_87 = tpu.memref_squeeze %dma_wait3A_86 : memref<1x16x128xf32, #tpu.memory_space<vmem>> -> memref<16x128xf32, #tpu.memory_space<vmem>>
        %dma_wait3A_88 = arith.constant 9984 : i32
        %dma_wait3A_89 = arith.constant 0 : i32
        %dma_wait3A_90 = tpu.memref_slice %arg7[%dma_wait3A_88, %dma_wait3A_89] : memref<10000x128xf32, #tpu.memory_space<vmem_shared>> -> memref<16x128xf32, #tpu.memory_space<vmem_shared>>
        %dma_wait3A_91 = arith.constant 9984 : i32
        %dma_wait3A_92 = arith.constant 0 : i32
        %dma_wait3A_93 = tpu.memref_slice %arg7[%dma_wait3A_91, %dma_wait3A_92] : memref<10000x128xf32, #tpu.memory_space<vmem_shared>> -> memref<16x128xf32, #tpu.memory_space<vmem_shared>>
        %dma_wait3A_94 = arith.constant 0 : i32
        %dma_wait3A_95 = arith.constant 0 : i32
        %dma_wait3A_96 = tpu.memref_slice %arg6[%run_scoped3A_68, %dma_wait3A_94, %dma_wait3A_95] : memref<2x112x128xf32, #tpu.memory_space<vmem>> -> memref<1x16x128xf32, #tpu.memory_space<vmem>>
        %dma_wait3A_97 = tpu.memref_squeeze %dma_wait3A_96 : memref<1x16x128xf32, #tpu.memory_space<vmem>> -> memref<16x128xf32, #tpu.memory_space<vmem>>
        tpu.wait_dma2 semaphore(%run_scoped3A_69 : memref<!tpu.dma_semaphore, #tpu.memory_space<semaphore_mem>>) src(%dma_wait3A_97 : memref<16x128xf32, #tpu.memory_space<vmem>>) dst(%dma_wait3A_93 : memref<16x128xf32, #tpu.memory_space<vmem_shared>>)
        tpu.yield
      }) : () -> ()
    } else {
    }
    "tpu.region"() ({
      %run_scoped3A_68 = tpu.sem_alloc : memref<!tpu.dma_semaphore, #tpu.memory_space<semaphore_mem>>
      %dma_start3A_69 = arith.constant 0 : i32
      %dma_start3A_70 = arith.constant 0 : i32
      %dma_start3A_71 = tpu.memref_slice %arg3[%arg1, %dma_start3A_69, %dma_start3A_70] : memref<16x56x112xi32, #tpu.memory_space<hbm>> -> memref<1x56x112xi32, #tpu.memory_space<hbm>>
      %dma_start3A_72 = tpu.memref_squeeze %dma_start3A_71 : memref<1x56x112xi32, #tpu.memory_space<hbm>> -> memref<56x112xi32, #tpu.memory_space<hbm>>
      %dma_start3A_73 = arith.constant 0 : i32
      %dma_start3A_74 = arith.constant 0 : i32
      %dma_start3A_75 = tpu.memref_slice %arg3[%arg1, %dma_start3A_73, %dma_start3A_74] : memref<16x56x112xi32, #tpu.memory_space<hbm>> -> memref<1x56x112xi32, #tpu.memory_space<hbm>>
      %dma_start3A_76 = tpu.memref_squeeze %dma_start3A_75 : memref<1x56x112xi32, #tpu.memory_space<hbm>> -> memref<56x112xi32, #tpu.memory_space<hbm>>
      tpu.enqueue_dma source(%dma_start3A_76 : memref<56x112xi32, #tpu.memory_space<hbm>>) target(%arg5 : memref<56x112xi32, #tpu.memory_space<vmem>>) target_semaphore(%run_scoped3A_68 : memref<!tpu.dma_semaphore, #tpu.memory_space<semaphore_mem>>)
      %dma_wait3A_77 = arith.constant 0 : i32
      %dma_wait3A_78 = arith.constant 0 : i32
      %dma_wait3A_79 = tpu.memref_slice %arg3[%arg1, %dma_wait3A_77, %dma_wait3A_78] : memref<16x56x112xi32, #tpu.memory_space<hbm>> -> memref<1x56x112xi32, #tpu.memory_space<hbm>>
      %dma_wait3A_80 = tpu.memref_squeeze %dma_wait3A_79 : memref<1x56x112xi32, #tpu.memory_space<hbm>> -> memref<56x112xi32, #tpu.memory_space<hbm>>
      %dma_wait3A_81 = arith.constant 0 : i32
      %dma_wait3A_82 = arith.constant 0 : i32
      %dma_wait3A_83 = tpu.memref_slice %arg3[%arg1, %dma_wait3A_81, %dma_wait3A_82] : memref<16x56x112xi32, #tpu.memory_space<hbm>> -> memref<1x56x112xi32, #tpu.memory_space<hbm>>
      %dma_wait3A_84 = tpu.memref_squeeze %dma_wait3A_83 : memref<1x56x112xi32, #tpu.memory_space<hbm>> -> memref<56x112xi32, #tpu.memory_space<hbm>>
      tpu.wait_dma2 semaphore(%run_scoped3A_68 : memref<!tpu.dma_semaphore, #tpu.memory_space<semaphore_mem>>) src(%dma_wait3A_84 : memref<56x112xi32, #tpu.memory_space<hbm>>) dst(%arg5 : memref<56x112xi32, #tpu.memory_space<vmem>>)
      tpu.yield
    }) : () -> ()
    %barrier3A = arith.constant 0 : index
    tpu.barrier barrier_id(%barrier3A)
    %add3A_31 = arith.constant 0 : i32
    %add3A_32 = arith.addi %multiple_of3A_3, %add3A_31 : i32
    %multiple_of3A_33 = tpu.assume_multiple %add3A_32, 8 : i32
    %dma_start3A = arith.constant 0 : i32
    %dma_start3A_34 = arith.constant 0 : i32
    %dma_start3A_35 = arith.constant 0 : i32
    %dma_start3A_36 = tpu.memref_slice %arg6[%dma_start3A, %dma_start3A_34, %dma_start3A_35] : memref<2x112x128xf32, #tpu.memory_space<vmem>> -> memref<1x112x128xf32, #tpu.memory_space<vmem>>
    %dma_start3A_37 = tpu.memref_squeeze %dma_start3A_36 : memref<1x112x128xf32, #tpu.memory_space<vmem>> -> memref<112x128xf32, #tpu.memory_space<vmem>>
    %dma_start3A_38 = tpu.memref_slice %arg2[%multiple_of3A_33, %multiple_of3A] : memref<100352x256xf32, #tpu.memory_space<hbm>> -> memref<112x128xf32, #tpu.memory_space<hbm>>
    %dma_start3A_39 = arith.constant 0 : i32
    %dma_start3A_40 = arith.constant 0 : i32
    %dma_start3A_41 = tpu.memref_slice %arg6[%dma_start3A, %dma_start3A_39, %dma_start3A_40] : memref<2x112x128xf32, #tpu.memory_space<vmem>> -> memref<1x112x128xf32, #tpu.memory_space<vmem>>
    %dma_start3A_42 = tpu.memref_squeeze %dma_start3A_41 : memref<1x112x128xf32, #tpu.memory_space<vmem>> -> memref<112x128xf32, #tpu.memory_space<vmem>>
    %dma_start3A_43 = tpu.memref_slice %arg2[%multiple_of3A_33, %multiple_of3A] : memref<100352x256xf32, #tpu.memory_space<hbm>> -> memref<112x128xf32, #tpu.memory_space<hbm>>
    tpu.enqueue_dma source(%dma_start3A_43 : memref<112x128xf32, #tpu.memory_space<hbm>>) target(%dma_start3A_42 : memref<112x128xf32, #tpu.memory_space<vmem>>) target_semaphore(%arg8 : memref<!tpu.dma_semaphore, #tpu.memory_space<semaphore_mem>>)
    %scan3A_44 = arith.constant 0 : i32
    %scan3A_45 = arith.constant 0 : i32
    %scan3A_46 = arith.constant 56 : i32
    %scan3A_47 = arith.addi %scan3A_45, %scan3A_46 : i32
    %scan3A_48 = arith.constant 1 : i32
    %scan3A_49 = scf.for %scan3A_68 = %scan3A_45 to %scan3A_47 step %scan3A_48 iter_args(%scan3A_69 = %scan3A_44) -> (i32)  : i32 {
      %rem3A = arith.constant 2 : i32
      %rem3A_70 = arith.remsi %scan3A_68, %rem3A : i32
      %sub3A = arith.constant 1 : i32
      %sub3A_71 = arith.subi %sub3A, %rem3A_70 : i32
      %dma_wait3A_72 = arith.constant 0 : i32
      %dma_wait3A_73 = arith.constant 0 : i32
      %dma_wait3A_74 = tpu.memref_slice %arg6[%rem3A_70, %dma_wait3A_72, %dma_wait3A_73] : memref<2x112x128xf32, #tpu.memory_space<vmem>> -> memref<1x112x128xf32, #tpu.memory_space<vmem>>
      %dma_wait3A_75 = tpu.memref_squeeze %dma_wait3A_74 : memref<1x112x128xf32, #tpu.memory_space<vmem>> -> memref<112x128xf32, #tpu.memory_space<vmem>>
      %dma_wait3A_76 = tpu.memref_slice %arg2[%multiple_of3A_3, %multiple_of3A] : memref<100352x256xf32, #tpu.memory_space<hbm>> -> memref<112x128xf32, #tpu.memory_space<hbm>>
      %dma_wait3A_77 = arith.constant 0 : i32
      %dma_wait3A_78 = arith.constant 0 : i32
      %dma_wait3A_79 = tpu.memref_slice %arg6[%rem3A_70, %dma_wait3A_77, %dma_wait3A_78] : memref<2x112x128xf32, #tpu.memory_space<vmem>> -> memref<1x112x128xf32, #tpu.memory_space<vmem>>
      %dma_wait3A_80 = tpu.memref_squeeze %dma_wait3A_79 : memref<1x112x128xf32, #tpu.memory_space<vmem>> -> memref<112x128xf32, #tpu.memory_space<vmem>>
      %dma_wait3A_81 = tpu.memref_slice %arg2[%multiple_of3A_3, %multiple_of3A] : memref<100352x256xf32, #tpu.memory_space<hbm>> -> memref<112x128xf32, #tpu.memory_space<hbm>>
      tpu.wait_dma2 semaphore(%arg8 : memref<!tpu.dma_semaphore, #tpu.memory_space<semaphore_mem>>) src(%dma_wait3A_81 : memref<112x128xf32, #tpu.memory_space<hbm>>) dst(%dma_wait3A_80 : memref<112x128xf32, #tpu.memory_space<vmem>>)
      %ge3A = arith.constant 1 : i32
      %ge3A_82 = arith.cmpi sge, %scan3A_68, %ge3A : i32
      %convert_element_type3A_83 = arith.extui %ge3A_82 : i1 to i32
      %cond3A_84 = arith.constant 0 : i32
      %cond3A_85 = arith.cmpi ne, %convert_element_type3A_83, %cond3A_84 : i32
      scf.if %cond3A_85 {
        %dma_wait3A_107 = arith.constant 0 : i32
        %dma_wait3A_108 = arith.constant 0 : i32
        %dma_wait3A_109 = arith.constant 0 : i32
        %dma_wait3A_110 = tpu.memref_slice %arg6[%sub3A_71, %dma_wait3A_108, %dma_wait3A_109] : memref<2x112x128xf32, #tpu.memory_space<vmem>> -> memref<1x112x128xf32, #tpu.memory_space<vmem>>
        %dma_wait3A_111 = tpu.memref_squeeze %dma_wait3A_110 : memref<1x112x128xf32, #tpu.memory_space<vmem>> -> memref<112x128xf32, #tpu.memory_space<vmem>>
        %dma_wait3A_112 = arith.constant 0 : i32
        %dma_wait3A_113 = tpu.memref_slice %arg5[%dma_wait3A_107, %dma_wait3A_112] : memref<56x112xi32, #tpu.memory_space<vmem>> -> memref<1x112xi32, #tpu.memory_space<vmem>>
        %dma_wait3A_114 = tpu.memref_squeeze %dma_wait3A_113 : memref<1x112xi32, #tpu.memory_space<vmem>> -> memref<112xi32, #tpu.memory_space<vmem>>
        %dma_wait3A_115 = arith.constant 0 : i32
        %dma_wait3A_116 = arith.constant 0 : i32
        %dma_wait3A_117 = tpu.memref_slice %arg7[%dma_wait3A_115, %dma_wait3A_116] : memref<10000x128xf32, #tpu.memory_space<vmem_shared>> -> memref<10000x128xf32, #tpu.memory_space<vmem_shared>>
        tpu.wait_indirect_dma semaphore(%arg9 : memref<!tpu.dma_semaphore, #tpu.memory_space<semaphore_mem>>) src(%dma_wait3A_111 : memref<112x128xf32, #tpu.memory_space<vmem>>) dst(%dma_wait3A_117 : memref<10000x128xf32, #tpu.memory_space<vmem_shared>>)
      } else {
      }
      %add3A_86 = arith.constant 1 : i32
      %add3A_87 = arith.addi %scan3A_68, %add3A_86 : i32
      %lt3A = arith.constant 56 : i32
      %lt3A_88 = arith.cmpi slt, %add3A_87, %lt3A : i32
      %convert_element_type3A_89 = arith.extui %lt3A_88 : i1 to i32
      %cond3A_90 = arith.constant 0 : i32
      %cond3A_91 = arith.cmpi ne, %convert_element_type3A_89, %cond3A_90 : i32
      scf.if %cond3A_91 {
        %add3A_107 = arith.constant 1 : i32
        %add3A_108 = arith.addi %scan3A_68, %add3A_107 : i32
        %mul3A_109 = arith.constant 112 : i32
        %mul3A_110 = arith.muli %add3A_108, %mul3A_109 : i32
        %add3A_111 = arith.addi %multiple_of3A_3, %mul3A_110 : i32
        %multiple_of3A_112 = tpu.assume_multiple %add3A_111, 8 : i32
        %dma_start3A_113 = arith.constant 0 : i32
        %dma_start3A_114 = arith.constant 0 : i32
        %dma_start3A_115 = tpu.memref_slice %arg6[%sub3A_71, %dma_start3A_113, %dma_start3A_114] : memref<2x112x128xf32, #tpu.memory_space<vmem>> -> memref<1x112x128xf32, #tpu.memory_space<vmem>>
        %dma_start3A_116 = tpu.memref_squeeze %dma_start3A_115 : memref<1x112x128xf32, #tpu.memory_space<vmem>> -> memref<112x128xf32, #tpu.memory_space<vmem>>
        %dma_start3A_117 = tpu.memref_slice %arg2[%multiple_of3A_112, %multiple_of3A] : memref<100352x256xf32, #tpu.memory_space<hbm>> -> memref<112x128xf32, #tpu.memory_space<hbm>>
        %dma_start3A_118 = arith.constant 0 : i32
        %dma_start3A_119 = arith.constant 0 : i32
        %dma_start3A_120 = tpu.memref_slice %arg6[%sub3A_71, %dma_start3A_118, %dma_start3A_119] : memref<2x112x128xf32, #tpu.memory_space<vmem>> -> memref<1x112x128xf32, #tpu.memory_space<vmem>>
        %dma_start3A_121 = tpu.memref_squeeze %dma_start3A_120 : memref<1x112x128xf32, #tpu.memory_space<vmem>> -> memref<112x128xf32, #tpu.memory_space<vmem>>
        %dma_start3A_122 = tpu.memref_slice %arg2[%multiple_of3A_112, %multiple_of3A] : memref<100352x256xf32, #tpu.memory_space<hbm>> -> memref<112x128xf32, #tpu.memory_space<hbm>>
        tpu.enqueue_dma source(%dma_start3A_122 : memref<112x128xf32, #tpu.memory_space<hbm>>) target(%dma_start3A_121 : memref<112x128xf32, #tpu.memory_space<vmem>>) target_semaphore(%arg8 : memref<!tpu.dma_semaphore, #tpu.memory_space<semaphore_mem>>)
      } else {
      }
      %mul3A_92 = arith.constant 1 : i32
      %mul3A_93 = arith.muli %scan3A_68, %mul3A_92 : i32
      %add3A_94 = arith.constant 0 : i32
      %add3A_95 = arith.addi %mul3A_93, %add3A_94 : i32
      %dma_start3A_96 = arith.constant 0 : i32
      %dma_start3A_97 = arith.constant 0 : i32
      %dma_start3A_98 = tpu.memref_slice %arg6[%rem3A_70, %dma_start3A_96, %dma_start3A_97] : memref<2x112x128xf32, #tpu.memory_space<vmem>> -> memref<1x112x128xf32, #tpu.memory_space<vmem>>
      %dma_start3A_99 = tpu.memref_squeeze %dma_start3A_98 : memref<1x112x128xf32, #tpu.memory_space<vmem>> -> memref<112x128xf32, #tpu.memory_space<vmem>>
      %dma_start3A_100 = arith.constant 0 : i32
      %dma_start3A_101 = tpu.memref_slice %arg5[%add3A_95, %dma_start3A_100] : memref<56x112xi32, #tpu.memory_space<vmem>> -> memref<1x112xi32, #tpu.memory_space<vmem>>
      %dma_start3A_102 = tpu.memref_squeeze %dma_start3A_101 : memref<1x112xi32, #tpu.memory_space<vmem>> -> memref<112xi32, #tpu.memory_space<vmem>>
      %dma_start3A_103 = arith.constant 0 : i32
      %dma_start3A_104 = arith.constant 0 : i32
      %dma_start3A_105 = tpu.memref_slice %arg7[%dma_start3A_103, %dma_start3A_104] : memref<10000x128xf32, #tpu.memory_space<vmem_shared>> -> memref<10000x128xf32, #tpu.memory_space<vmem_shared>>
      tpu.enqueue_indirect_dma source(%dma_start3A_99 : memref<112x128xf32, #tpu.memory_space<vmem>>) target(%dma_start3A_105 : memref<10000x128xf32, #tpu.memory_space<vmem_shared>>) offsets(%dma_start3A_102 : memref<112xi32, #tpu.memory_space<vmem>>) semaphore(%arg9 : memref<!tpu.dma_semaphore, #tpu.memory_space<semaphore_mem>>) {add = true}
      %scan3A_106 = arith.constant 0 : i32
      scf.yield %scan3A_106 : i32
    }
    %scan3A_50 = arith.constant 56 : i32
    %dma_wait3A = arith.constant 1 : i32
    %dma_wait3A_51 = arith.constant 0 : i32
    %dma_wait3A_52 = arith.constant 0 : i32
    %dma_wait3A_53 = arith.constant 0 : i32
    %dma_wait3A_54 = tpu.memref_slice %arg6[%dma_wait3A, %dma_wait3A_52, %dma_wait3A_53] : memref<2x112x128xf32, #tpu.memory_space<vmem>> -> memref<1x112x128xf32, #tpu.memory_space<vmem>>
    %dma_wait3A_55 = tpu.memref_squeeze %dma_wait3A_54 : memref<1x112x128xf32, #tpu.memory_space<vmem>> -> memref<112x128xf32, #tpu.memory_space<vmem>>
    %dma_wait3A_56 = arith.constant 0 : i32
    %dma_wait3A_57 = tpu.memref_slice %arg5[%dma_wait3A_51, %dma_wait3A_56] : memref<56x112xi32, #tpu.memory_space<vmem>> -> memref<1x112xi32, #tpu.memory_space<vmem>>
    %dma_wait3A_58 = tpu.memref_squeeze %dma_wait3A_57 : memref<1x112xi32, #tpu.memory_space<vmem>> -> memref<112xi32, #tpu.memory_space<vmem>>
    %dma_wait3A_59 = arith.constant 0 : i32
    %dma_wait3A_60 = arith.constant 0 : i32
    %dma_wait3A_61 = tpu.memref_slice %arg7[%dma_wait3A_59, %dma_wait3A_60] : memref<10000x128xf32, #tpu.memory_space<vmem_shared>> -> memref<10000x128xf32, #tpu.memory_space<vmem_shared>>
    tpu.wait_indirect_dma semaphore(%arg9 : memref<!tpu.dma_semaphore, #tpu.memory_space<semaphore_mem>>) src(%dma_wait3A_55 : memref<112x128xf32, #tpu.memory_space<vmem>>) dst(%dma_wait3A_61 : memref<10000x128xf32, #tpu.memory_space<vmem_shared>>)
    %barrier3A_62 = arith.constant 0 : index
    tpu.barrier barrier_id(%barrier3A_62)
    "tpu.region"() ({
      %run_scoped3A_68 = tpu.sem_alloc : memref<!tpu.dma_semaphore, #tpu.memory_space<semaphore_mem>>
      %dma_start3A_69 = tpu.memref_slice %arg4[%multiple_of3A_12, %multiple_of3A] : memref<10000x256xf32, #tpu.memory_space<hbm>> -> memref<624x128xf32, #tpu.memory_space<hbm>>
      %dma_start3A_70 = arith.constant 0 : i32
      %dma_start3A_71 = tpu.memref_slice %arg7[%multiple_of3A_12, %dma_start3A_70] : memref<10000x128xf32, #tpu.memory_space<vmem_shared>> -> memref<624x128xf32, #tpu.memory_space<vmem_shared>>
      tpu.enqueue_dma source(%dma_start3A_71 : memref<624x128xf32, #tpu.memory_space<vmem_shared>>) target(%dma_start3A_69 : memref<624x128xf32, #tpu.memory_space<hbm>>) target_semaphore(%run_scoped3A_68 : memref<!tpu.dma_semaphore, #tpu.memory_space<semaphore_mem>>)
      %dma_wait3A_72 = tpu.memref_slice %arg4[%multiple_of3A_12, %multiple_of3A] : memref<10000x256xf32, #tpu.memory_space<hbm>> -> memref<624x128xf32, #tpu.memory_space<hbm>>
      %dma_wait3A_73 = arith.constant 0 : i32
      %dma_wait3A_74 = tpu.memref_slice %arg7[%multiple_of3A_12, %dma_wait3A_73] : memref<10000x128xf32, #tpu.memory_space<vmem_shared>> -> memref<624x128xf32, #tpu.memory_space<vmem_shared>>
      tpu.wait_dma2 semaphore(%run_scoped3A_68 : memref<!tpu.dma_semaphore, #tpu.memory_space<semaphore_mem>>) src(%dma_wait3A_74 : memref<624x128xf32, #tpu.memory_space<vmem_shared>>) dst(%dma_wait3A_72 : memref<624x128xf32, #tpu.memory_space<hbm>>)
      tpu.yield
    }) : () -> ()
    %eq3A_63 = arith.constant 15 : i32
    %eq3A_64 = arith.cmpi eq, %arg1, %eq3A_63 : i32
    %convert_element_type3A_65 = arith.extui %eq3A_64 : i1 to i32
    %cond3A_66 = arith.constant 0 : i32
    %cond3A_67 = arith.cmpi ne, %convert_element_type3A_65, %cond3A_66 : i32
    scf.if %cond3A_67 {
      "tpu.region"() ({
        %run_scoped3A_68 = tpu.sem_alloc : memref<!tpu.dma_semaphore, #tpu.memory_space<semaphore_mem>>
        %dma_start3A_69 = arith.constant 9984 : i32
        %dma_start3A_70 = tpu.memref_slice %arg4[%dma_start3A_69, %multiple_of3A] : memref<10000x256xf32, #tpu.memory_space<hbm>> -> memref<16x128xf32, #tpu.memory_space<hbm>>
        %dma_start3A_71 = arith.constant 9984 : i32
        %dma_start3A_72 = arith.constant 0 : i32
        %dma_start3A_73 = tpu.memref_slice %arg7[%dma_start3A_71, %dma_start3A_72] : memref<10000x128xf32, #tpu.memory_space<vmem_shared>> -> memref<16x128xf32, #tpu.memory_space<vmem_shared>>
        tpu.enqueue_dma source(%dma_start3A_73 : memref<16x128xf32, #tpu.memory_space<vmem_shared>>) target(%dma_start3A_70 : memref<16x128xf32, #tpu.memory_space<hbm>>) target_semaphore(%run_scoped3A_68 : memref<!tpu.dma_semaphore, #tpu.memory_space<semaphore_mem>>)
        %dma_wait3A_74 = arith.constant 9984 : i32
        %dma_wait3A_75 = tpu.memref_slice %arg4[%dma_wait3A_74, %multiple_of3A] : memref<10000x256xf32, #tpu.memory_space<hbm>> -> memref<16x128xf32, #tpu.memory_space<hbm>>
        %dma_wait3A_76 = arith.constant 9984 : i32
        %dma_wait3A_77 = arith.constant 0 : i32
        %dma_wait3A_78 = tpu.memref_slice %arg7[%dma_wait3A_76, %dma_wait3A_77] : memref<10000x128xf32, #tpu.memory_space<vmem_shared>> -> memref<16x128xf32, #tpu.memory_space<vmem_shared>>
        tpu.wait_dma2 semaphore(%run_scoped3A_68 : memref<!tpu.dma_semaphore, #tpu.memory_space<semaphore_mem>>) src(%dma_wait3A_78 : memref<16x128xf32, #tpu.memory_space<vmem_shared>>) dst(%dma_wait3A_75 : memref<16x128xf32, #tpu.memory_space<hbm>>)
        tpu.yield
      }) : () -> ()
    } else {
    }
    return
  }
}

#map = affine_map<(d0, d1) -> (0, 0)>
#map1 = affine_map<(d0, d1) -> (0)>
module attributes {stable_mosaic.version = 14 : i64} {
  func.func @_gather_body(%arg0: i32, %arg1: i32, %arg2: memref<10000x16xf32, #tpu.memory_space<hbm>>, %arg3: memref<320000x16xf32, #tpu.memory_space<hbm>>, %arg4: memref<12544x128xi32, #tpu.memory_space<hbm>>, %arg5: memref<12544x128xi32, #tpu.memory_space<hbm>>, %arg6: memref<1605632xf32, #tpu.memory_space<hbm>>, %arg7: memref<1605632xf32, #tpu.memory_space<hbm>>, %arg8: memref<1605632x16xf32, #tpu.memory_space<hbm>>, %arg9: memref<2x8x128xi32, #tpu.memory_space<vmem>>, %arg10: memref<2x8x128xi32, #tpu.memory_space<vmem>>, %arg11: memref<2x1024xf32, #tpu.memory_space<vmem>>, %arg12: memref<2x1024xf32, #tpu.memory_space<vmem>>, %arg13: memref<2x1024x16xf32, #tpu.memory_space<vmem>>, %arg14: memref<2x1024x16xf32, #tpu.memory_space<vmem>>, %arg15: memref<2x1024x16xf32, #tpu.memory_space<vmem>>, %arg16: memref<!tpu.dma_semaphore, #tpu.memory_space<semaphore_mem>>, %arg17: memref<!tpu.dma_semaphore, #tpu.memory_space<semaphore_mem>>, %arg18: memref<!tpu.dma_semaphore, #tpu.memory_space<semaphore_mem>>) attributes {dimension_semantics = [#tpu.dimension_semantics<core_parallel>, #tpu.dimension_semantics<subcore_parallel>], iteration_bounds = array<i64: 2, 16>, scalar_prefetch = 0 : i64, scratch_operands = 10 : i64, tpu.core_type = #tpu.core_type<sc_vector_subcore>, window_params = [{transform_indices = #map}, {transform_indices = #map}, {transform_indices = #map}, {transform_indices = #map}, {transform_indices = #map1}, {transform_indices = #map1}, {transform_indices = #map}]} {
    %mul3A = arith.constant 2 : i32
    %mul3A_0 = arith.muli %arg1, %mul3A : i32
    %add3A = arith.addi %mul3A_0, %arg0 : i32
    %mul3A_1 = arith.constant 50176 : i32
    %mul3A_2 = arith.muli %add3A, %mul3A_1 : i32
    %add3A_3 = arith.constant 0 : i32
    %add3A_4 = arith.addi %mul3A_2, %add3A_3 : i32
    %multiple_of3A = tpu.assume_multiple %add3A_4, 1024 : i32
    %jit3A = arith.constant 128 : i32
    %div3A = arith.divsi %multiple_of3A, %jit3A : i32
    %sign3A = arith.constant 0 : i32
    %sign3A_5 = arith.cmpi sgt, %multiple_of3A, %sign3A : i32
    %sign3A_6 = arith.extui %sign3A_5 : i1 to i32
    %sign3A_7 = arith.constant 0 : i32
    %sign3A_8 = arith.cmpi slt, %multiple_of3A, %sign3A_7 : i32
    %sign3A_9 = arith.extui %sign3A_8 : i1 to i32
    %sign3A_10 = arith.subi %sign3A_6, %sign3A_9 : i32
    %sign3A_11 = arith.constant 0 : i32
    %sign3A_12 = arith.cmpi sgt, %jit3A, %sign3A_11 : i32
    %sign3A_13 = arith.extui %sign3A_12 : i1 to i32
    %sign3A_14 = arith.constant 0 : i32
    %sign3A_15 = arith.cmpi slt, %jit3A, %sign3A_14 : i32
    %sign3A_16 = arith.extui %sign3A_15 : i1 to i32
    %sign3A_17 = arith.subi %sign3A_13, %sign3A_16 : i32
    %ne3A = arith.cmpi ne, %sign3A_10, %sign3A_17 : i32
    %rem3A = arith.remsi %multiple_of3A, %jit3A : i32
    %ne3A_18 = arith.constant 0 : i32
    %ne3A_19 = arith.cmpi ne, %rem3A, %ne3A_18 : i32
    %and3A = arith.andi %ne3A, %ne3A_19 : i1
    %sub3A = arith.constant 1 : i32
    %sub3A_20 = arith.subi %div3A, %sub3A : i32
    %select_n3A = arith.select %and3A, %sub3A_20, %div3A : i32
    %multiple_of3A_21 = tpu.assume_multiple %select_n3A, 8 : i32
    %dma_start3A = arith.constant 0 : i32
    %dma_start3A_22 = arith.constant 0 : i32
    %dma_start3A_23 = arith.constant 0 : i32
    %dma_start3A_24 = tpu.memref_slice %arg9[%dma_start3A, %dma_start3A_22, %dma_start3A_23] : memref<2x8x128xi32, #tpu.memory_space<vmem>> -> memref<1x8x128xi32, #tpu.memory_space<vmem>>
    %dma_start3A_25 = tpu.memref_squeeze %dma_start3A_24 : memref<1x8x128xi32, #tpu.memory_space<vmem>> -> memref<8x128xi32, #tpu.memory_space<vmem>>
    %dma_start3A_26 = arith.constant 0 : i32
    %dma_start3A_27 = tpu.memref_slice %arg4[%multiple_of3A_21, %dma_start3A_26] : memref<12544x128xi32, #tpu.memory_space<hbm>> -> memref<8x128xi32, #tpu.memory_space<hbm>>
    %dma_start3A_28 = arith.constant 0 : i32
    %dma_start3A_29 = arith.constant 0 : i32
    %dma_start3A_30 = tpu.memref_slice %arg9[%dma_start3A, %dma_start3A_28, %dma_start3A_29] : memref<2x8x128xi32, #tpu.memory_space<vmem>> -> memref<1x8x128xi32, #tpu.memory_space<vmem>>
    %dma_start3A_31 = tpu.memref_squeeze %dma_start3A_30 : memref<1x8x128xi32, #tpu.memory_space<vmem>> -> memref<8x128xi32, #tpu.memory_space<vmem>>
    %dma_start3A_32 = arith.constant 0 : i32
    %dma_start3A_33 = tpu.memref_slice %arg4[%multiple_of3A_21, %dma_start3A_32] : memref<12544x128xi32, #tpu.memory_space<hbm>> -> memref<8x128xi32, #tpu.memory_space<hbm>>
    tpu.enqueue_dma source(%dma_start3A_33 : memref<8x128xi32, #tpu.memory_space<hbm>>) target(%dma_start3A_31 : memref<8x128xi32, #tpu.memory_space<vmem>>) target_semaphore(%arg16 : memref<!tpu.dma_semaphore, #tpu.memory_space<semaphore_mem>>)
    %dma_start3A_34 = arith.constant 0 : i32
    %dma_start3A_35 = arith.constant 0 : i32
    %dma_start3A_36 = arith.constant 0 : i32
    %dma_start3A_37 = tpu.memref_slice %arg10[%dma_start3A_34, %dma_start3A_35, %dma_start3A_36] : memref<2x8x128xi32, #tpu.memory_space<vmem>> -> memref<1x8x128xi32, #tpu.memory_space<vmem>>
    %dma_start3A_38 = tpu.memref_squeeze %dma_start3A_37 : memref<1x8x128xi32, #tpu.memory_space<vmem>> -> memref<8x128xi32, #tpu.memory_space<vmem>>
    %dma_start3A_39 = arith.constant 0 : i32
    %dma_start3A_40 = tpu.memref_slice %arg5[%multiple_of3A_21, %dma_start3A_39] : memref<12544x128xi32, #tpu.memory_space<hbm>> -> memref<8x128xi32, #tpu.memory_space<hbm>>
    %dma_start3A_41 = arith.constant 0 : i32
    %dma_start3A_42 = arith.constant 0 : i32
    %dma_start3A_43 = tpu.memref_slice %arg10[%dma_start3A_34, %dma_start3A_41, %dma_start3A_42] : memref<2x8x128xi32, #tpu.memory_space<vmem>> -> memref<1x8x128xi32, #tpu.memory_space<vmem>>
    %dma_start3A_44 = tpu.memref_squeeze %dma_start3A_43 : memref<1x8x128xi32, #tpu.memory_space<vmem>> -> memref<8x128xi32, #tpu.memory_space<vmem>>
    %dma_start3A_45 = arith.constant 0 : i32
    %dma_start3A_46 = tpu.memref_slice %arg5[%multiple_of3A_21, %dma_start3A_45] : memref<12544x128xi32, #tpu.memory_space<hbm>> -> memref<8x128xi32, #tpu.memory_space<hbm>>
    tpu.enqueue_dma source(%dma_start3A_46 : memref<8x128xi32, #tpu.memory_space<hbm>>) target(%dma_start3A_44 : memref<8x128xi32, #tpu.memory_space<vmem>>) target_semaphore(%arg16 : memref<!tpu.dma_semaphore, #tpu.memory_space<semaphore_mem>>)
    %dma_start3A_47 = arith.constant 0 : i32
    %dma_start3A_48 = arith.constant 0 : i32
    %dma_start3A_49 = tpu.memref_slice %arg11[%dma_start3A_47, %dma_start3A_48] : memref<2x1024xf32, #tpu.memory_space<vmem>> -> memref<1x1024xf32, #tpu.memory_space<vmem>>
    %dma_start3A_50 = tpu.memref_squeeze %dma_start3A_49 : memref<1x1024xf32, #tpu.memory_space<vmem>> -> memref<1024xf32, #tpu.memory_space<vmem>>
    %dma_start3A_51 = tpu.memref_slice %arg6[%multiple_of3A] : memref<1605632xf32, #tpu.memory_space<hbm>> -> memref<1024xf32, #tpu.memory_space<hbm>>
    %dma_start3A_52 = arith.constant 0 : i32
    %dma_start3A_53 = tpu.memref_slice %arg11[%dma_start3A_47, %dma_start3A_52] : memref<2x1024xf32, #tpu.memory_space<vmem>> -> memref<1x1024xf32, #tpu.memory_space<vmem>>
    %dma_start3A_54 = tpu.memref_squeeze %dma_start3A_53 : memref<1x1024xf32, #tpu.memory_space<vmem>> -> memref<1024xf32, #tpu.memory_space<vmem>>
    %dma_start3A_55 = tpu.memref_slice %arg6[%multiple_of3A] : memref<1605632xf32, #tpu.memory_space<hbm>> -> memref<1024xf32, #tpu.memory_space<hbm>>
    tpu.enqueue_dma source(%dma_start3A_55 : memref<1024xf32, #tpu.memory_space<hbm>>) target(%dma_start3A_54 : memref<1024xf32, #tpu.memory_space<vmem>>) target_semaphore(%arg16 : memref<!tpu.dma_semaphore, #tpu.memory_space<semaphore_mem>>)
    %dma_start3A_56 = arith.constant 0 : i32
    %dma_start3A_57 = arith.constant 0 : i32
    %dma_start3A_58 = tpu.memref_slice %arg12[%dma_start3A_56, %dma_start3A_57] : memref<2x1024xf32, #tpu.memory_space<vmem>> -> memref<1x1024xf32, #tpu.memory_space<vmem>>
    %dma_start3A_59 = tpu.memref_squeeze %dma_start3A_58 : memref<1x1024xf32, #tpu.memory_space<vmem>> -> memref<1024xf32, #tpu.memory_space<vmem>>
    %dma_start3A_60 = tpu.memref_slice %arg7[%multiple_of3A] : memref<1605632xf32, #tpu.memory_space<hbm>> -> memref<1024xf32, #tpu.memory_space<hbm>>
    %dma_start3A_61 = arith.constant 0 : i32
    %dma_start3A_62 = tpu.memref_slice %arg12[%dma_start3A_56, %dma_start3A_61] : memref<2x1024xf32, #tpu.memory_space<vmem>> -> memref<1x1024xf32, #tpu.memory_space<vmem>>
    %dma_start3A_63 = tpu.memref_squeeze %dma_start3A_62 : memref<1x1024xf32, #tpu.memory_space<vmem>> -> memref<1024xf32, #tpu.memory_space<vmem>>
    %dma_start3A_64 = tpu.memref_slice %arg7[%multiple_of3A] : memref<1605632xf32, #tpu.memory_space<hbm>> -> memref<1024xf32, #tpu.memory_space<hbm>>
    tpu.enqueue_dma source(%dma_start3A_64 : memref<1024xf32, #tpu.memory_space<hbm>>) target(%dma_start3A_63 : memref<1024xf32, #tpu.memory_space<vmem>>) target_semaphore(%arg16 : memref<!tpu.dma_semaphore, #tpu.memory_space<semaphore_mem>>)
    %dma_wait3A = arith.constant 0 : i32
    %dma_wait3A_65 = arith.constant 0 : i32
    %dma_wait3A_66 = arith.constant 0 : i32
    %dma_wait3A_67 = tpu.memref_slice %arg9[%dma_wait3A, %dma_wait3A_65, %dma_wait3A_66] : memref<2x8x128xi32, #tpu.memory_space<vmem>> -> memref<1x8x128xi32, #tpu.memory_space<vmem>>
    %dma_wait3A_68 = tpu.memref_squeeze %dma_wait3A_67 : memref<1x8x128xi32, #tpu.memory_space<vmem>> -> memref<8x128xi32, #tpu.memory_space<vmem>>
    %dma_wait3A_69 = arith.constant 0 : i32
    %dma_wait3A_70 = tpu.memref_slice %arg4[%multiple_of3A_21, %dma_wait3A_69] : memref<12544x128xi32, #tpu.memory_space<hbm>> -> memref<8x128xi32, #tpu.memory_space<hbm>>
    %dma_wait3A_71 = arith.constant 0 : i32
    %dma_wait3A_72 = arith.constant 0 : i32
    %dma_wait3A_73 = tpu.memref_slice %arg9[%dma_wait3A, %dma_wait3A_71, %dma_wait3A_72] : memref<2x8x128xi32, #tpu.memory_space<vmem>> -> memref<1x8x128xi32, #tpu.memory_space<vmem>>
    %dma_wait3A_74 = tpu.memref_squeeze %dma_wait3A_73 : memref<1x8x128xi32, #tpu.memory_space<vmem>> -> memref<8x128xi32, #tpu.memory_space<vmem>>
    %dma_wait3A_75 = arith.constant 0 : i32
    %dma_wait3A_76 = tpu.memref_slice %arg4[%multiple_of3A_21, %dma_wait3A_75] : memref<12544x128xi32, #tpu.memory_space<hbm>> -> memref<8x128xi32, #tpu.memory_space<hbm>>
    tpu.wait_dma2 semaphore(%arg16 : memref<!tpu.dma_semaphore, #tpu.memory_space<semaphore_mem>>) src(%dma_wait3A_76 : memref<8x128xi32, #tpu.memory_space<hbm>>) dst(%dma_wait3A_74 : memref<8x128xi32, #tpu.memory_space<vmem>>)
    %dma_wait3A_77 = arith.constant 0 : i32
    %dma_wait3A_78 = arith.constant 0 : i32
    %dma_wait3A_79 = arith.constant 0 : i32
    %dma_wait3A_80 = tpu.memref_slice %arg10[%dma_wait3A_77, %dma_wait3A_78, %dma_wait3A_79] : memref<2x8x128xi32, #tpu.memory_space<vmem>> -> memref<1x8x128xi32, #tpu.memory_space<vmem>>
    %dma_wait3A_81 = tpu.memref_squeeze %dma_wait3A_80 : memref<1x8x128xi32, #tpu.memory_space<vmem>> -> memref<8x128xi32, #tpu.memory_space<vmem>>
    %dma_wait3A_82 = arith.constant 0 : i32
    %dma_wait3A_83 = tpu.memref_slice %arg5[%multiple_of3A_21, %dma_wait3A_82] : memref<12544x128xi32, #tpu.memory_space<hbm>> -> memref<8x128xi32, #tpu.memory_space<hbm>>
    %dma_wait3A_84 = arith.constant 0 : i32
    %dma_wait3A_85 = arith.constant 0 : i32
    %dma_wait3A_86 = tpu.memref_slice %arg10[%dma_wait3A_77, %dma_wait3A_84, %dma_wait3A_85] : memref<2x8x128xi32, #tpu.memory_space<vmem>> -> memref<1x8x128xi32, #tpu.memory_space<vmem>>
    %dma_wait3A_87 = tpu.memref_squeeze %dma_wait3A_86 : memref<1x8x128xi32, #tpu.memory_space<vmem>> -> memref<8x128xi32, #tpu.memory_space<vmem>>
    %dma_wait3A_88 = arith.constant 0 : i32
    %dma_wait3A_89 = tpu.memref_slice %arg5[%multiple_of3A_21, %dma_wait3A_88] : memref<12544x128xi32, #tpu.memory_space<hbm>> -> memref<8x128xi32, #tpu.memory_space<hbm>>
    tpu.wait_dma2 semaphore(%arg16 : memref<!tpu.dma_semaphore, #tpu.memory_space<semaphore_mem>>) src(%dma_wait3A_89 : memref<8x128xi32, #tpu.memory_space<hbm>>) dst(%dma_wait3A_87 : memref<8x128xi32, #tpu.memory_space<vmem>>)
    %dma_wait3A_90 = arith.constant 0 : i32
    %dma_wait3A_91 = arith.constant 0 : i32
    %dma_wait3A_92 = tpu.memref_slice %arg11[%dma_wait3A_90, %dma_wait3A_91] : memref<2x1024xf32, #tpu.memory_space<vmem>> -> memref<1x1024xf32, #tpu.memory_space<vmem>>
    %dma_wait3A_93 = tpu.memref_squeeze %dma_wait3A_92 : memref<1x1024xf32, #tpu.memory_space<vmem>> -> memref<1024xf32, #tpu.memory_space<vmem>>
    %dma_wait3A_94 = tpu.memref_slice %arg6[%multiple_of3A] : memref<1605632xf32, #tpu.memory_space<hbm>> -> memref<1024xf32, #tpu.memory_space<hbm>>
    %dma_wait3A_95 = arith.constant 0 : i32
    %dma_wait3A_96 = tpu.memref_slice %arg11[%dma_wait3A_90, %dma_wait3A_95] : memref<2x1024xf32, #tpu.memory_space<vmem>> -> memref<1x1024xf32, #tpu.memory_space<vmem>>
    %dma_wait3A_97 = tpu.memref_squeeze %dma_wait3A_96 : memref<1x1024xf32, #tpu.memory_space<vmem>> -> memref<1024xf32, #tpu.memory_space<vmem>>
    %dma_wait3A_98 = tpu.memref_slice %arg6[%multiple_of3A] : memref<1605632xf32, #tpu.memory_space<hbm>> -> memref<1024xf32, #tpu.memory_space<hbm>>
    tpu.wait_dma2 semaphore(%arg16 : memref<!tpu.dma_semaphore, #tpu.memory_space<semaphore_mem>>) src(%dma_wait3A_98 : memref<1024xf32, #tpu.memory_space<hbm>>) dst(%dma_wait3A_97 : memref<1024xf32, #tpu.memory_space<vmem>>)
    %dma_wait3A_99 = arith.constant 0 : i32
    %dma_wait3A_100 = arith.constant 0 : i32
    %dma_wait3A_101 = tpu.memref_slice %arg12[%dma_wait3A_99, %dma_wait3A_100] : memref<2x1024xf32, #tpu.memory_space<vmem>> -> memref<1x1024xf32, #tpu.memory_space<vmem>>
    %dma_wait3A_102 = tpu.memref_squeeze %dma_wait3A_101 : memref<1x1024xf32, #tpu.memory_space<vmem>> -> memref<1024xf32, #tpu.memory_space<vmem>>
    %dma_wait3A_103 = tpu.memref_slice %arg7[%multiple_of3A] : memref<1605632xf32, #tpu.memory_space<hbm>> -> memref<1024xf32, #tpu.memory_space<hbm>>
    %dma_wait3A_104 = arith.constant 0 : i32
    %dma_wait3A_105 = tpu.memref_slice %arg12[%dma_wait3A_99, %dma_wait3A_104] : memref<2x1024xf32, #tpu.memory_space<vmem>> -> memref<1x1024xf32, #tpu.memory_space<vmem>>
    %dma_wait3A_106 = tpu.memref_squeeze %dma_wait3A_105 : memref<1x1024xf32, #tpu.memory_space<vmem>> -> memref<1024xf32, #tpu.memory_space<vmem>>
    %dma_wait3A_107 = tpu.memref_slice %arg7[%multiple_of3A] : memref<1605632xf32, #tpu.memory_space<hbm>> -> memref<1024xf32, #tpu.memory_space<hbm>>
    tpu.wait_dma2 semaphore(%arg16 : memref<!tpu.dma_semaphore, #tpu.memory_space<semaphore_mem>>) src(%dma_wait3A_107 : memref<1024xf32, #tpu.memory_space<hbm>>) dst(%dma_wait3A_106 : memref<1024xf32, #tpu.memory_space<vmem>>)
    %dma_start3A_108 = arith.constant 0 : i32
    %dma_start3A_109 = arith.constant 0 : i32
    %dma_start3A_110 = arith.constant 0 : i32
    %dma_start3A_111 = arith.constant 0 : i32
    %dma_start3A_112 = arith.constant 0 : i32
    %dma_start3A_113 = tpu.memref_slice %arg13[%dma_start3A_110, %dma_start3A_111, %dma_start3A_112] : memref<2x1024x16xf32, #tpu.memory_space<vmem>> -> memref<1x128x16xf32, #tpu.memory_space<vmem>>
    %dma_start3A_114 = tpu.memref_squeeze %dma_start3A_113 : memref<1x128x16xf32, #tpu.memory_space<vmem>> -> memref<128x16xf32, #tpu.memory_space<vmem>>
    %dma_start3A_115 = arith.constant 0 : i32
    %dma_start3A_116 = tpu.memref_slice %arg9[%dma_start3A_108, %dma_start3A_109, %dma_start3A_115] : memref<2x8x128xi32, #tpu.memory_space<vmem>> -> memref<1x1x128xi32, #tpu.memory_space<vmem>>
    %dma_start3A_117 = tpu.memref_squeeze %dma_start3A_116 : memref<1x1x128xi32, #tpu.memory_space<vmem>> -> memref<128xi32, #tpu.memory_space<vmem>>
    %dma_start3A_118 = arith.constant 0 : i32
    %dma_start3A_119 = arith.constant 0 : i32
    %dma_start3A_120 = tpu.memref_slice %arg2[%dma_start3A_118, %dma_start3A_119] : memref<10000x16xf32, #tpu.memory_space<hbm>> -> memref<10000x16xf32, #tpu.memory_space<hbm>>
    tpu.enqueue_indirect_dma source(%dma_start3A_120 : memref<10000x16xf32, #tpu.memory_space<hbm>>) target(%dma_start3A_114 : memref<128x16xf32, #tpu.memory_space<vmem>>) offsets(%dma_start3A_117 : memref<128xi32, #tpu.memory_space<vmem>>) semaphore(%arg17 : memref<!tpu.dma_semaphore, #tpu.memory_space<semaphore_mem>>)
    %dma_start3A_121 = arith.constant 0 : i32
    %dma_start3A_122 = arith.constant 0 : i32
    %dma_start3A_123 = arith.constant 0 : i32
    %dma_start3A_124 = arith.constant 0 : i32
    %dma_start3A_125 = arith.constant 0 : i32
    %dma_start3A_126 = tpu.memref_slice %arg14[%dma_start3A_123, %dma_start3A_124, %dma_start3A_125] : memref<2x1024x16xf32, #tpu.memory_space<vmem>> -> memref<1x128x16xf32, #tpu.memory_space<vmem>>
    %dma_start3A_127 = tpu.memref_squeeze %dma_start3A_126 : memref<1x128x16xf32, #tpu.memory_space<vmem>> -> memref<128x16xf32, #tpu.memory_space<vmem>>
    %dma_start3A_128 = arith.constant 0 : i32
    %dma_start3A_129 = tpu.memref_slice %arg10[%dma_start3A_121, %dma_start3A_122, %dma_start3A_128] : memref<2x8x128xi32, #tpu.memory_space<vmem>> -> memref<1x1x128xi32, #tpu.memory_space<vmem>>
    %dma_start3A_130 = tpu.memref_squeeze %dma_start3A_129 : memref<1x1x128xi32, #tpu.memory_space<vmem>> -> memref<128xi32, #tpu.memory_space<vmem>>
    %dma_start3A_131 = arith.constant 0 : i32
    %dma_start3A_132 = arith.constant 0 : i32
    %dma_start3A_133 = tpu.memref_slice %arg3[%dma_start3A_131, %dma_start3A_132] : memref<320000x16xf32, #tpu.memory_space<hbm>> -> memref<320000x16xf32, #tpu.memory_space<hbm>>
    tpu.enqueue_indirect_dma source(%dma_start3A_133 : memref<320000x16xf32, #tpu.memory_space<hbm>>) target(%dma_start3A_127 : memref<128x16xf32, #tpu.memory_space<vmem>>) offsets(%dma_start3A_130 : memref<128xi32, #tpu.memory_space<vmem>>) semaphore(%arg17 : memref<!tpu.dma_semaphore, #tpu.memory_space<semaphore_mem>>)
    %dma_start3A_134 = arith.constant 0 : i32
    %dma_start3A_135 = arith.constant 1 : i32
    %dma_start3A_136 = arith.constant 0 : i32
    %dma_start3A_137 = arith.constant 128 : i32
    %dma_start3A_138 = arith.constant 0 : i32
    %dma_start3A_139 = tpu.memref_slice %arg13[%dma_start3A_136, %dma_start3A_137, %dma_start3A_138] : memref<2x1024x16xf32, #tpu.memory_space<vmem>> -> memref<1x128x16xf32, #tpu.memory_space<vmem>>
    %dma_start3A_140 = tpu.memref_squeeze %dma_start3A_139 : memref<1x128x16xf32, #tpu.memory_space<vmem>> -> memref<128x16xf32, #tpu.memory_space<vmem>>
    %dma_start3A_141 = arith.constant 0 : i32
    %dma_start3A_142 = tpu.memref_slice %arg9[%dma_start3A_134, %dma_start3A_135, %dma_start3A_141] : memref<2x8x128xi32, #tpu.memory_space<vmem>> -> memref<1x1x128xi32, #tpu.memory_space<vmem>>
    %dma_start3A_143 = tpu.memref_squeeze %dma_start3A_142 : memref<1x1x128xi32, #tpu.memory_space<vmem>> -> memref<128xi32, #tpu.memory_space<vmem>>
    %dma_start3A_144 = arith.constant 0 : i32
    %dma_start3A_145 = arith.constant 0 : i32
    %dma_start3A_146 = tpu.memref_slice %arg2[%dma_start3A_144, %dma_start3A_145] : memref<10000x16xf32, #tpu.memory_space<hbm>> -> memref<10000x16xf32, #tpu.memory_space<hbm>>
    tpu.enqueue_indirect_dma source(%dma_start3A_146 : memref<10000x16xf32, #tpu.memory_space<hbm>>) target(%dma_start3A_140 : memref<128x16xf32, #tpu.memory_space<vmem>>) offsets(%dma_start3A_143 : memref<128xi32, #tpu.memory_space<vmem>>) semaphore(%arg17 : memref<!tpu.dma_semaphore, #tpu.memory_space<semaphore_mem>>)
    %dma_start3A_147 = arith.constant 0 : i32
    %dma_start3A_148 = arith.constant 1 : i32
    %dma_start3A_149 = arith.constant 0 : i32
    %dma_start3A_150 = arith.constant 128 : i32
    %dma_start3A_151 = arith.constant 0 : i32
    %dma_start3A_152 = tpu.memref_slice %arg14[%dma_start3A_149, %dma_start3A_150, %dma_start3A_151] : memref<2x1024x16xf32, #tpu.memory_space<vmem>> -> memref<1x128x16xf32, #tpu.memory_space<vmem>>
    %dma_start3A_153 = tpu.memref_squeeze %dma_start3A_152 : memref<1x128x16xf32, #tpu.memory_space<vmem>> -> memref<128x16xf32, #tpu.memory_space<vmem>>
    %dma_start3A_154 = arith.constant 0 : i32
    %dma_start3A_155 = tpu.memref_slice %arg10[%dma_start3A_147, %dma_start3A_148, %dma_start3A_154] : memref<2x8x128xi32, #tpu.memory_space<vmem>> -> memref<1x1x128xi32, #tpu.memory_space<vmem>>
    %dma_start3A_156 = tpu.memref_squeeze %dma_start3A_155 : memref<1x1x128xi32, #tpu.memory_space<vmem>> -> memref<128xi32, #tpu.memory_space<vmem>>
    %dma_start3A_157 = arith.constant 0 : i32
    %dma_start3A_158 = arith.constant 0 : i32
    %dma_start3A_159 = tpu.memref_slice %arg3[%dma_start3A_157, %dma_start3A_158] : memref<320000x16xf32, #tpu.memory_space<hbm>> -> memref<320000x16xf32, #tpu.memory_space<hbm>>
    tpu.enqueue_indirect_dma source(%dma_start3A_159 : memref<320000x16xf32, #tpu.memory_space<hbm>>) target(%dma_start3A_153 : memref<128x16xf32, #tpu.memory_space<vmem>>) offsets(%dma_start3A_156 : memref<128xi32, #tpu.memory_space<vmem>>) semaphore(%arg17 : memref<!tpu.dma_semaphore, #tpu.memory_space<semaphore_mem>>)
    %dma_start3A_160 = arith.constant 0 : i32
    %dma_start3A_161 = arith.constant 2 : i32
    %dma_start3A_162 = arith.constant 0 : i32
    %dma_start3A_163 = arith.constant 256 : i32
    %dma_start3A_164 = arith.constant 0 : i32
    %dma_start3A_165 = tpu.memref_slice %arg13[%dma_start3A_162, %dma_start3A_163, %dma_start3A_164] : memref<2x1024x16xf32, #tpu.memory_space<vmem>> -> memref<1x128x16xf32, #tpu.memory_space<vmem>>
    %dma_start3A_166 = tpu.memref_squeeze %dma_start3A_165 : memref<1x128x16xf32, #tpu.memory_space<vmem>> -> memref<128x16xf32, #tpu.memory_space<vmem>>
    %dma_start3A_167 = arith.constant 0 : i32
    %dma_start3A_168 = tpu.memref_slice %arg9[%dma_start3A_160, %dma_start3A_161, %dma_start3A_167] : memref<2x8x128xi32, #tpu.memory_space<vmem>> -> memref<1x1x128xi32, #tpu.memory_space<vmem>>
    %dma_start3A_169 = tpu.memref_squeeze %dma_start3A_168 : memref<1x1x128xi32, #tpu.memory_space<vmem>> -> memref<128xi32, #tpu.memory_space<vmem>>
    %dma_start3A_170 = arith.constant 0 : i32
    %dma_start3A_171 = arith.constant 0 : i32
    %dma_start3A_172 = tpu.memref_slice %arg2[%dma_start3A_170, %dma_start3A_171] : memref<10000x16xf32, #tpu.memory_space<hbm>> -> memref<10000x16xf32, #tpu.memory_space<hbm>>
    tpu.enqueue_indirect_dma source(%dma_start3A_172 : memref<10000x16xf32, #tpu.memory_space<hbm>>) target(%dma_start3A_166 : memref<128x16xf32, #tpu.memory_space<vmem>>) offsets(%dma_start3A_169 : memref<128xi32, #tpu.memory_space<vmem>>) semaphore(%arg17 : memref<!tpu.dma_semaphore, #tpu.memory_space<semaphore_mem>>)
    %dma_start3A_173 = arith.constant 0 : i32
    %dma_start3A_174 = arith.constant 2 : i32
    %dma_start3A_175 = arith.constant 0 : i32
    %dma_start3A_176 = arith.constant 256 : i32
    %dma_start3A_177 = arith.constant 0 : i32
    %dma_start3A_178 = tpu.memref_slice %arg14[%dma_start3A_175, %dma_start3A_176, %dma_start3A_177] : memref<2x1024x16xf32, #tpu.memory_space<vmem>> -> memref<1x128x16xf32, #tpu.memory_space<vmem>>
    %dma_start3A_179 = tpu.memref_squeeze %dma_start3A_178 : memref<1x128x16xf32, #tpu.memory_space<vmem>> -> memref<128x16xf32, #tpu.memory_space<vmem>>
    %dma_start3A_180 = arith.constant 0 : i32
    %dma_start3A_181 = tpu.memref_slice %arg10[%dma_start3A_173, %dma_start3A_174, %dma_start3A_180] : memref<2x8x128xi32, #tpu.memory_space<vmem>> -> memref<1x1x128xi32, #tpu.memory_space<vmem>>
    %dma_start3A_182 = tpu.memref_squeeze %dma_start3A_181 : memref<1x1x128xi32, #tpu.memory_space<vmem>> -> memref<128xi32, #tpu.memory_space<vmem>>
    %dma_start3A_183 = arith.constant 0 : i32
    %dma_start3A_184 = arith.constant 0 : i32
    %dma_start3A_185 = tpu.memref_slice %arg3[%dma_start3A_183, %dma_start3A_184] : memref<320000x16xf32, #tpu.memory_space<hbm>> -> memref<320000x16xf32, #tpu.memory_space<hbm>>
    tpu.enqueue_indirect_dma source(%dma_start3A_185 : memref<320000x16xf32, #tpu.memory_space<hbm>>) target(%dma_start3A_179 : memref<128x16xf32, #tpu.memory_space<vmem>>) offsets(%dma_start3A_182 : memref<128xi32, #tpu.memory_space<vmem>>) semaphore(%arg17 : memref<!tpu.dma_semaphore, #tpu.memory_space<semaphore_mem>>)
    %dma_start3A_186 = arith.constant 0 : i32
    %dma_start3A_187 = arith.constant 3 : i32
    %dma_start3A_188 = arith.constant 0 : i32
    %dma_start3A_189 = arith.constant 384 : i32
    %dma_start3A_190 = arith.constant 0 : i32
    %dma_start3A_191 = tpu.memref_slice %arg13[%dma_start3A_188, %dma_start3A_189, %dma_start3A_190] : memref<2x1024x16xf32, #tpu.memory_space<vmem>> -> memref<1x128x16xf32, #tpu.memory_space<vmem>>
    %dma_start3A_192 = tpu.memref_squeeze %dma_start3A_191 : memref<1x128x16xf32, #tpu.memory_space<vmem>> -> memref<128x16xf32, #tpu.memory_space<vmem>>
    %dma_start3A_193 = arith.constant 0 : i32
    %dma_start3A_194 = tpu.memref_slice %arg9[%dma_start3A_186, %dma_start3A_187, %dma_start3A_193] : memref<2x8x128xi32, #tpu.memory_space<vmem>> -> memref<1x1x128xi32, #tpu.memory_space<vmem>>
    %dma_start3A_195 = tpu.memref_squeeze %dma_start3A_194 : memref<1x1x128xi32, #tpu.memory_space<vmem>> -> memref<128xi32, #tpu.memory_space<vmem>>
    %dma_start3A_196 = arith.constant 0 : i32
    %dma_start3A_197 = arith.constant 0 : i32
    %dma_start3A_198 = tpu.memref_slice %arg2[%dma_start3A_196, %dma_start3A_197] : memref<10000x16xf32, #tpu.memory_space<hbm>> -> memref<10000x16xf32, #tpu.memory_space<hbm>>
    tpu.enqueue_indirect_dma source(%dma_start3A_198 : memref<10000x16xf32, #tpu.memory_space<hbm>>) target(%dma_start3A_192 : memref<128x16xf32, #tpu.memory_space<vmem>>) offsets(%dma_start3A_195 : memref<128xi32, #tpu.memory_space<vmem>>) semaphore(%arg17 : memref<!tpu.dma_semaphore, #tpu.memory_space<semaphore_mem>>)
    %dma_start3A_199 = arith.constant 0 : i32
    %dma_start3A_200 = arith.constant 3 : i32
    %dma_start3A_201 = arith.constant 0 : i32
    %dma_start3A_202 = arith.constant 384 : i32
    %dma_start3A_203 = arith.constant 0 : i32
    %dma_start3A_204 = tpu.memref_slice %arg14[%dma_start3A_201, %dma_start3A_202, %dma_start3A_203] : memref<2x1024x16xf32, #tpu.memory_space<vmem>> -> memref<1x128x16xf32, #tpu.memory_space<vmem>>
    %dma_start3A_205 = tpu.memref_squeeze %dma_start3A_204 : memref<1x128x16xf32, #tpu.memory_space<vmem>> -> memref<128x16xf32, #tpu.memory_space<vmem>>
    %dma_start3A_206 = arith.constant 0 : i32
    %dma_start3A_207 = tpu.memref_slice %arg10[%dma_start3A_199, %dma_start3A_200, %dma_start3A_206] : memref<2x8x128xi32, #tpu.memory_space<vmem>> -> memref<1x1x128xi32, #tpu.memory_space<vmem>>
    %dma_start3A_208 = tpu.memref_squeeze %dma_start3A_207 : memref<1x1x128xi32, #tpu.memory_space<vmem>> -> memref<128xi32, #tpu.memory_space<vmem>>
    %dma_start3A_209 = arith.constant 0 : i32
    %dma_start3A_210 = arith.constant 0 : i32
    %dma_start3A_211 = tpu.memref_slice %arg3[%dma_start3A_209, %dma_start3A_210] : memref<320000x16xf32, #tpu.memory_space<hbm>> -> memref<320000x16xf32, #tpu.memory_space<hbm>>
    tpu.enqueue_indirect_dma source(%dma_start3A_211 : memref<320000x16xf32, #tpu.memory_space<hbm>>) target(%dma_start3A_205 : memref<128x16xf32, #tpu.memory_space<vmem>>) offsets(%dma_start3A_208 : memref<128xi32, #tpu.memory_space<vmem>>) semaphore(%arg17 : memref<!tpu.dma_semaphore, #tpu.memory_space<semaphore_mem>>)
    %dma_start3A_212 = arith.constant 0 : i32
    %dma_start3A_213 = arith.constant 4 : i32
    %dma_start3A_214 = arith.constant 0 : i32
    %dma_start3A_215 = arith.constant 512 : i32
    %dma_start3A_216 = arith.constant 0 : i32
    %dma_start3A_217 = tpu.memref_slice %arg13[%dma_start3A_214, %dma_start3A_215, %dma_start3A_216] : memref<2x1024x16xf32, #tpu.memory_space<vmem>> -> memref<1x128x16xf32, #tpu.memory_space<vmem>>
    %dma_start3A_218 = tpu.memref_squeeze %dma_start3A_217 : memref<1x128x16xf32, #tpu.memory_space<vmem>> -> memref<128x16xf32, #tpu.memory_space<vmem>>
    %dma_start3A_219 = arith.constant 0 : i32
    %dma_start3A_220 = tpu.memref_slice %arg9[%dma_start3A_212, %dma_start3A_213, %dma_start3A_219] : memref<2x8x128xi32, #tpu.memory_space<vmem>> -> memref<1x1x128xi32, #tpu.memory_space<vmem>>
    %dma_start3A_221 = tpu.memref_squeeze %dma_start3A_220 : memref<1x1x128xi32, #tpu.memory_space<vmem>> -> memref<128xi32, #tpu.memory_space<vmem>>
    %dma_start3A_222 = arith.constant 0 : i32
    %dma_start3A_223 = arith.constant 0 : i32
    %dma_start3A_224 = tpu.memref_slice %arg2[%dma_start3A_222, %dma_start3A_223] : memref<10000x16xf32, #tpu.memory_space<hbm>> -> memref<10000x16xf32, #tpu.memory_space<hbm>>
    tpu.enqueue_indirect_dma source(%dma_start3A_224 : memref<10000x16xf32, #tpu.memory_space<hbm>>) target(%dma_start3A_218 : memref<128x16xf32, #tpu.memory_space<vmem>>) offsets(%dma_start3A_221 : memref<128xi32, #tpu.memory_space<vmem>>) semaphore(%arg17 : memref<!tpu.dma_semaphore, #tpu.memory_space<semaphore_mem>>)
    %dma_start3A_225 = arith.constant 0 : i32
    %dma_start3A_226 = arith.constant 4 : i32
    %dma_start3A_227 = arith.constant 0 : i32
    %dma_start3A_228 = arith.constant 512 : i32
    %dma_start3A_229 = arith.constant 0 : i32
    %dma_start3A_230 = tpu.memref_slice %arg14[%dma_start3A_227, %dma_start3A_228, %dma_start3A_229] : memref<2x1024x16xf32, #tpu.memory_space<vmem>> -> memref<1x128x16xf32, #tpu.memory_space<vmem>>
    %dma_start3A_231 = tpu.memref_squeeze %dma_start3A_230 : memref<1x128x16xf32, #tpu.memory_space<vmem>> -> memref<128x16xf32, #tpu.memory_space<vmem>>
    %dma_start3A_232 = arith.constant 0 : i32
    %dma_start3A_233 = tpu.memref_slice %arg10[%dma_start3A_225, %dma_start3A_226, %dma_start3A_232] : memref<2x8x128xi32, #tpu.memory_space<vmem>> -> memref<1x1x128xi32, #tpu.memory_space<vmem>>
    %dma_start3A_234 = tpu.memref_squeeze %dma_start3A_233 : memref<1x1x128xi32, #tpu.memory_space<vmem>> -> memref<128xi32, #tpu.memory_space<vmem>>
    %dma_start3A_235 = arith.constant 0 : i32
    %dma_start3A_236 = arith.constant 0 : i32
    %dma_start3A_237 = tpu.memref_slice %arg3[%dma_start3A_235, %dma_start3A_236] : memref<320000x16xf32, #tpu.memory_space<hbm>> -> memref<320000x16xf32, #tpu.memory_space<hbm>>
    tpu.enqueue_indirect_dma source(%dma_start3A_237 : memref<320000x16xf32, #tpu.memory_space<hbm>>) target(%dma_start3A_231 : memref<128x16xf32, #tpu.memory_space<vmem>>) offsets(%dma_start3A_234 : memref<128xi32, #tpu.memory_space<vmem>>) semaphore(%arg17 : memref<!tpu.dma_semaphore, #tpu.memory_space<semaphore_mem>>)
    %dma_start3A_238 = arith.constant 0 : i32
    %dma_start3A_239 = arith.constant 5 : i32
    %dma_start3A_240 = arith.constant 0 : i32
    %dma_start3A_241 = arith.constant 640 : i32
    %dma_start3A_242 = arith.constant 0 : i32
    %dma_start3A_243 = tpu.memref_slice %arg13[%dma_start3A_240, %dma_start3A_241, %dma_start3A_242] : memref<2x1024x16xf32, #tpu.memory_space<vmem>> -> memref<1x128x16xf32, #tpu.memory_space<vmem>>
    %dma_start3A_244 = tpu.memref_squeeze %dma_start3A_243 : memref<1x128x16xf32, #tpu.memory_space<vmem>> -> memref<128x16xf32, #tpu.memory_space<vmem>>
    %dma_start3A_245 = arith.constant 0 : i32
    %dma_start3A_246 = tpu.memref_slice %arg9[%dma_start3A_238, %dma_start3A_239, %dma_start3A_245] : memref<2x8x128xi32, #tpu.memory_space<vmem>> -> memref<1x1x128xi32, #tpu.memory_space<vmem>>
    %dma_start3A_247 = tpu.memref_squeeze %dma_start3A_246 : memref<1x1x128xi32, #tpu.memory_space<vmem>> -> memref<128xi32, #tpu.memory_space<vmem>>
    %dma_start3A_248 = arith.constant 0 : i32
    %dma_start3A_249 = arith.constant 0 : i32
    %dma_start3A_250 = tpu.memref_slice %arg2[%dma_start3A_248, %dma_start3A_249] : memref<10000x16xf32, #tpu.memory_space<hbm>> -> memref<10000x16xf32, #tpu.memory_space<hbm>>
    tpu.enqueue_indirect_dma source(%dma_start3A_250 : memref<10000x16xf32, #tpu.memory_space<hbm>>) target(%dma_start3A_244 : memref<128x16xf32, #tpu.memory_space<vmem>>) offsets(%dma_start3A_247 : memref<128xi32, #tpu.memory_space<vmem>>) semaphore(%arg17 : memref<!tpu.dma_semaphore, #tpu.memory_space<semaphore_mem>>)
    %dma_start3A_251 = arith.constant 0 : i32
    %dma_start3A_252 = arith.constant 5 : i32
    %dma_start3A_253 = arith.constant 0 : i32
    %dma_start3A_254 = arith.constant 640 : i32
    %dma_start3A_255 = arith.constant 0 : i32
    %dma_start3A_256 = tpu.memref_slice %arg14[%dma_start3A_253, %dma_start3A_254, %dma_start3A_255] : memref<2x1024x16xf32, #tpu.memory_space<vmem>> -> memref<1x128x16xf32, #tpu.memory_space<vmem>>
    %dma_start3A_257 = tpu.memref_squeeze %dma_start3A_256 : memref<1x128x16xf32, #tpu.memory_space<vmem>> -> memref<128x16xf32, #tpu.memory_space<vmem>>
    %dma_start3A_258 = arith.constant 0 : i32
    %dma_start3A_259 = tpu.memref_slice %arg10[%dma_start3A_251, %dma_start3A_252, %dma_start3A_258] : memref<2x8x128xi32, #tpu.memory_space<vmem>> -> memref<1x1x128xi32, #tpu.memory_space<vmem>>
    %dma_start3A_260 = tpu.memref_squeeze %dma_start3A_259 : memref<1x1x128xi32, #tpu.memory_space<vmem>> -> memref<128xi32, #tpu.memory_space<vmem>>
    %dma_start3A_261 = arith.constant 0 : i32
    %dma_start3A_262 = arith.constant 0 : i32
    %dma_start3A_263 = tpu.memref_slice %arg3[%dma_start3A_261, %dma_start3A_262] : memref<320000x16xf32, #tpu.memory_space<hbm>> -> memref<320000x16xf32, #tpu.memory_space<hbm>>
    tpu.enqueue_indirect_dma source(%dma_start3A_263 : memref<320000x16xf32, #tpu.memory_space<hbm>>) target(%dma_start3A_257 : memref<128x16xf32, #tpu.memory_space<vmem>>) offsets(%dma_start3A_260 : memref<128xi32, #tpu.memory_space<vmem>>) semaphore(%arg17 : memref<!tpu.dma_semaphore, #tpu.memory_space<semaphore_mem>>)
    %dma_start3A_264 = arith.constant 0 : i32
    %dma_start3A_265 = arith.constant 6 : i32
    %dma_start3A_266 = arith.constant 0 : i32
    %dma_start3A_267 = arith.constant 768 : i32
    %dma_start3A_268 = arith.constant 0 : i32
    %dma_start3A_269 = tpu.memref_slice %arg13[%dma_start3A_266, %dma_start3A_267, %dma_start3A_268] : memref<2x1024x16xf32, #tpu.memory_space<vmem>> -> memref<1x128x16xf32, #tpu.memory_space<vmem>>
    %dma_start3A_270 = tpu.memref_squeeze %dma_start3A_269 : memref<1x128x16xf32, #tpu.memory_space<vmem>> -> memref<128x16xf32, #tpu.memory_space<vmem>>
    %dma_start3A_271 = arith.constant 0 : i32
    %dma_start3A_272 = tpu.memref_slice %arg9[%dma_start3A_264, %dma_start3A_265, %dma_start3A_271] : memref<2x8x128xi32, #tpu.memory_space<vmem>> -> memref<1x1x128xi32, #tpu.memory_space<vmem>>
    %dma_start3A_273 = tpu.memref_squeeze %dma_start3A_272 : memref<1x1x128xi32, #tpu.memory_space<vmem>> -> memref<128xi32, #tpu.memory_space<vmem>>
    %dma_start3A_274 = arith.constant 0 : i32
    %dma_start3A_275 = arith.constant 0 : i32
    %dma_start3A_276 = tpu.memref_slice %arg2[%dma_start3A_274, %dma_start3A_275] : memref<10000x16xf32, #tpu.memory_space<hbm>> -> memref<10000x16xf32, #tpu.memory_space<hbm>>
    tpu.enqueue_indirect_dma source(%dma_start3A_276 : memref<10000x16xf32, #tpu.memory_space<hbm>>) target(%dma_start3A_270 : memref<128x16xf32, #tpu.memory_space<vmem>>) offsets(%dma_start3A_273 : memref<128xi32, #tpu.memory_space<vmem>>) semaphore(%arg17 : memref<!tpu.dma_semaphore, #tpu.memory_space<semaphore_mem>>)
    %dma_start3A_277 = arith.constant 0 : i32
    %dma_start3A_278 = arith.constant 6 : i32
    %dma_start3A_279 = arith.constant 0 : i32
    %dma_start3A_280 = arith.constant 768 : i32
    %dma_start3A_281 = arith.constant 0 : i32
    %dma_start3A_282 = tpu.memref_slice %arg14[%dma_start3A_279, %dma_start3A_280, %dma_start3A_281] : memref<2x1024x16xf32, #tpu.memory_space<vmem>> -> memref<1x128x16xf32, #tpu.memory_space<vmem>>
    %dma_start3A_283 = tpu.memref_squeeze %dma_start3A_282 : memref<1x128x16xf32, #tpu.memory_space<vmem>> -> memref<128x16xf32, #tpu.memory_space<vmem>>
    %dma_start3A_284 = arith.constant 0 : i32
    %dma_start3A_285 = tpu.memref_slice %arg10[%dma_start3A_277, %dma_start3A_278, %dma_start3A_284] : memref<2x8x128xi32, #tpu.memory_space<vmem>> -> memref<1x1x128xi32, #tpu.memory_space<vmem>>
    %dma_start3A_286 = tpu.memref_squeeze %dma_start3A_285 : memref<1x1x128xi32, #tpu.memory_space<vmem>> -> memref<128xi32, #tpu.memory_space<vmem>>
    %dma_start3A_287 = arith.constant 0 : i32
    %dma_start3A_288 = arith.constant 0 : i32
    %dma_start3A_289 = tpu.memref_slice %arg3[%dma_start3A_287, %dma_start3A_288] : memref<320000x16xf32, #tpu.memory_space<hbm>> -> memref<320000x16xf32, #tpu.memory_space<hbm>>
    tpu.enqueue_indirect_dma source(%dma_start3A_289 : memref<320000x16xf32, #tpu.memory_space<hbm>>) target(%dma_start3A_283 : memref<128x16xf32, #tpu.memory_space<vmem>>) offsets(%dma_start3A_286 : memref<128xi32, #tpu.memory_space<vmem>>) semaphore(%arg17 : memref<!tpu.dma_semaphore, #tpu.memory_space<semaphore_mem>>)
    %dma_start3A_290 = arith.constant 0 : i32
    %dma_start3A_291 = arith.constant 7 : i32
    %dma_start3A_292 = arith.constant 0 : i32
    %dma_start3A_293 = arith.constant 896 : i32
    %dma_start3A_294 = arith.constant 0 : i32
    %dma_start3A_295 = tpu.memref_slice %arg13[%dma_start3A_292, %dma_start3A_293, %dma_start3A_294] : memref<2x1024x16xf32, #tpu.memory_space<vmem>> -> memref<1x128x16xf32, #tpu.memory_space<vmem>>
    %dma_start3A_296 = tpu.memref_squeeze %dma_start3A_295 : memref<1x128x16xf32, #tpu.memory_space<vmem>> -> memref<128x16xf32, #tpu.memory_space<vmem>>
    %dma_start3A_297 = arith.constant 0 : i32
    %dma_start3A_298 = tpu.memref_slice %arg9[%dma_start3A_290, %dma_start3A_291, %dma_start3A_297] : memref<2x8x128xi32, #tpu.memory_space<vmem>> -> memref<1x1x128xi32, #tpu.memory_space<vmem>>
    %dma_start3A_299 = tpu.memref_squeeze %dma_start3A_298 : memref<1x1x128xi32, #tpu.memory_space<vmem>> -> memref<128xi32, #tpu.memory_space<vmem>>
    %dma_start3A_300 = arith.constant 0 : i32
    %dma_start3A_301 = arith.constant 0 : i32
    %dma_start3A_302 = tpu.memref_slice %arg2[%dma_start3A_300, %dma_start3A_301] : memref<10000x16xf32, #tpu.memory_space<hbm>> -> memref<10000x16xf32, #tpu.memory_space<hbm>>
    tpu.enqueue_indirect_dma source(%dma_start3A_302 : memref<10000x16xf32, #tpu.memory_space<hbm>>) target(%dma_start3A_296 : memref<128x16xf32, #tpu.memory_space<vmem>>) offsets(%dma_start3A_299 : memref<128xi32, #tpu.memory_space<vmem>>) semaphore(%arg17 : memref<!tpu.dma_semaphore, #tpu.memory_space<semaphore_mem>>)
    %dma_start3A_303 = arith.constant 0 : i32
    %dma_start3A_304 = arith.constant 7 : i32
    %dma_start3A_305 = arith.constant 0 : i32
    %dma_start3A_306 = arith.constant 896 : i32
    %dma_start3A_307 = arith.constant 0 : i32
    %dma_start3A_308 = tpu.memref_slice %arg14[%dma_start3A_305, %dma_start3A_306, %dma_start3A_307] : memref<2x1024x16xf32, #tpu.memory_space<vmem>> -> memref<1x128x16xf32, #tpu.memory_space<vmem>>
    %dma_start3A_309 = tpu.memref_squeeze %dma_start3A_308 : memref<1x128x16xf32, #tpu.memory_space<vmem>> -> memref<128x16xf32, #tpu.memory_space<vmem>>
    %dma_start3A_310 = arith.constant 0 : i32
    %dma_start3A_311 = tpu.memref_slice %arg10[%dma_start3A_303, %dma_start3A_304, %dma_start3A_310] : memref<2x8x128xi32, #tpu.memory_space<vmem>> -> memref<1x1x128xi32, #tpu.memory_space<vmem>>
    %dma_start3A_312 = tpu.memref_squeeze %dma_start3A_311 : memref<1x1x128xi32, #tpu.memory_space<vmem>> -> memref<128xi32, #tpu.memory_space<vmem>>
    %dma_start3A_313 = arith.constant 0 : i32
    %dma_start3A_314 = arith.constant 0 : i32
    %dma_start3A_315 = tpu.memref_slice %arg3[%dma_start3A_313, %dma_start3A_314] : memref<320000x16xf32, #tpu.memory_space<hbm>> -> memref<320000x16xf32, #tpu.memory_space<hbm>>
    tpu.enqueue_indirect_dma source(%dma_start3A_315 : memref<320000x16xf32, #tpu.memory_space<hbm>>) target(%dma_start3A_309 : memref<128x16xf32, #tpu.memory_space<vmem>>) offsets(%dma_start3A_312 : memref<128xi32, #tpu.memory_space<vmem>>) semaphore(%arg17 : memref<!tpu.dma_semaphore, #tpu.memory_space<semaphore_mem>>)
    %add3A_316 = arith.constant 1024 : i32
    %add3A_317 = arith.addi %mul3A_2, %add3A_316 : i32
    %multiple_of3A_318 = tpu.assume_multiple %add3A_317, 1024 : i32
    %jit3A_319 = arith.constant 128 : i32
    %div3A_320 = arith.divsi %multiple_of3A_318, %jit3A_319 : i32
    %sign3A_321 = arith.constant 0 : i32
    %sign3A_322 = arith.cmpi sgt, %multiple_of3A_318, %sign3A_321 : i32
    %sign3A_323 = arith.extui %sign3A_322 : i1 to i32
    %sign3A_324 = arith.constant 0 : i32
    %sign3A_325 = arith.cmpi slt, %multiple_of3A_318, %sign3A_324 : i32
    %sign3A_326 = arith.extui %sign3A_325 : i1 to i32
    %sign3A_327 = arith.subi %sign3A_323, %sign3A_326 : i32
    %sign3A_328 = arith.constant 0 : i32
    %sign3A_329 = arith.cmpi sgt, %jit3A_319, %sign3A_328 : i32
    %sign3A_330 = arith.extui %sign3A_329 : i1 to i32
    %sign3A_331 = arith.constant 0 : i32
    %sign3A_332 = arith.cmpi slt, %jit3A_319, %sign3A_331 : i32
    %sign3A_333 = arith.extui %sign3A_332 : i1 to i32
    %sign3A_334 = arith.subi %sign3A_330, %sign3A_333 : i32
    %ne3A_335 = arith.cmpi ne, %sign3A_327, %sign3A_334 : i32
    %rem3A_336 = arith.remsi %multiple_of3A_318, %jit3A_319 : i32
    %ne3A_337 = arith.constant 0 : i32
    %ne3A_338 = arith.cmpi ne, %rem3A_336, %ne3A_337 : i32
    %and3A_339 = arith.andi %ne3A_335, %ne3A_338 : i1
    %sub3A_340 = arith.constant 1 : i32
    %sub3A_341 = arith.subi %div3A_320, %sub3A_340 : i32
    %select_n3A_342 = arith.select %and3A_339, %sub3A_341, %div3A_320 : i32
    %multiple_of3A_343 = tpu.assume_multiple %select_n3A_342, 8 : i32
    %dma_start3A_344 = arith.constant 1 : i32
    %dma_start3A_345 = arith.constant 0 : i32
    %dma_start3A_346 = arith.constant 0 : i32
    %dma_start3A_347 = tpu.memref_slice %arg9[%dma_start3A_344, %dma_start3A_345, %dma_start3A_346] : memref<2x8x128xi32, #tpu.memory_space<vmem>> -> memref<1x8x128xi32, #tpu.memory_space<vmem>>
    %dma_start3A_348 = tpu.memref_squeeze %dma_start3A_347 : memref<1x8x128xi32, #tpu.memory_space<vmem>> -> memref<8x128xi32, #tpu.memory_space<vmem>>
    %dma_start3A_349 = arith.constant 0 : i32
    %dma_start3A_350 = tpu.memref_slice %arg4[%multiple_of3A_343, %dma_start3A_349] : memref<12544x128xi32, #tpu.memory_space<hbm>> -> memref<8x128xi32, #tpu.memory_space<hbm>>
    %dma_start3A_351 = arith.constant 0 : i32
    %dma_start3A_352 = arith.constant 0 : i32
    %dma_start3A_353 = tpu.memref_slice %arg9[%dma_start3A_344, %dma_start3A_351, %dma_start3A_352] : memref<2x8x128xi32, #tpu.memory_space<vmem>> -> memref<1x8x128xi32, #tpu.memory_space<vmem>>
    %dma_start3A_354 = tpu.memref_squeeze %dma_start3A_353 : memref<1x8x128xi32, #tpu.memory_space<vmem>> -> memref<8x128xi32, #tpu.memory_space<vmem>>
    %dma_start3A_355 = arith.constant 0 : i32
    %dma_start3A_356 = tpu.memref_slice %arg4[%multiple_of3A_343, %dma_start3A_355] : memref<12544x128xi32, #tpu.memory_space<hbm>> -> memref<8x128xi32, #tpu.memory_space<hbm>>
    tpu.enqueue_dma source(%dma_start3A_356 : memref<8x128xi32, #tpu.memory_space<hbm>>) target(%dma_start3A_354 : memref<8x128xi32, #tpu.memory_space<vmem>>) target_semaphore(%arg16 : memref<!tpu.dma_semaphore, #tpu.memory_space<semaphore_mem>>)
    %dma_start3A_357 = arith.constant 1 : i32
    %dma_start3A_358 = arith.constant 0 : i32
    %dma_start3A_359 = arith.constant 0 : i32
    %dma_start3A_360 = tpu.memref_slice %arg10[%dma_start3A_357, %dma_start3A_358, %dma_start3A_359] : memref<2x8x128xi32, #tpu.memory_space<vmem>> -> memref<1x8x128xi32, #tpu.memory_space<vmem>>
    %dma_start3A_361 = tpu.memref_squeeze %dma_start3A_360 : memref<1x8x128xi32, #tpu.memory_space<vmem>> -> memref<8x128xi32, #tpu.memory_space<vmem>>
    %dma_start3A_362 = arith.constant 0 : i32
    %dma_start3A_363 = tpu.memref_slice %arg5[%multiple_of3A_343, %dma_start3A_362] : memref<12544x128xi32, #tpu.memory_space<hbm>> -> memref<8x128xi32, #tpu.memory_space<hbm>>
    %dma_start3A_364 = arith.constant 0 : i32
    %dma_start3A_365 = arith.constant 0 : i32
    %dma_start3A_366 = tpu.memref_slice %arg10[%dma_start3A_357, %dma_start3A_364, %dma_start3A_365] : memref<2x8x128xi32, #tpu.memory_space<vmem>> -> memref<1x8x128xi32, #tpu.memory_space<vmem>>
    %dma_start3A_367 = tpu.memref_squeeze %dma_start3A_366 : memref<1x8x128xi32, #tpu.memory_space<vmem>> -> memref<8x128xi32, #tpu.memory_space<vmem>>
    %dma_start3A_368 = arith.constant 0 : i32
    %dma_start3A_369 = tpu.memref_slice %arg5[%multiple_of3A_343, %dma_start3A_368] : memref<12544x128xi32, #tpu.memory_space<hbm>> -> memref<8x128xi32, #tpu.memory_space<hbm>>
    tpu.enqueue_dma source(%dma_start3A_369 : memref<8x128xi32, #tpu.memory_space<hbm>>) target(%dma_start3A_367 : memref<8x128xi32, #tpu.memory_space<vmem>>) target_semaphore(%arg16 : memref<!tpu.dma_semaphore, #tpu.memory_space<semaphore_mem>>)
    %dma_start3A_370 = arith.constant 1 : i32
    %dma_start3A_371 = arith.constant 0 : i32
    %dma_start3A_372 = tpu.memref_slice %arg11[%dma_start3A_370, %dma_start3A_371] : memref<2x1024xf32, #tpu.memory_space<vmem>> -> memref<1x1024xf32, #tpu.memory_space<vmem>>
    %dma_start3A_373 = tpu.memref_squeeze %dma_start3A_372 : memref<1x1024xf32, #tpu.memory_space<vmem>> -> memref<1024xf32, #tpu.memory_space<vmem>>
    %dma_start3A_374 = tpu.memref_slice %arg6[%multiple_of3A_318] : memref<1605632xf32, #tpu.memory_space<hbm>> -> memref<1024xf32, #tpu.memory_space<hbm>>
    %dma_start3A_375 = arith.constant 0 : i32
    %dma_start3A_376 = tpu.memref_slice %arg11[%dma_start3A_370, %dma_start3A_375] : memref<2x1024xf32, #tpu.memory_space<vmem>> -> memref<1x1024xf32, #tpu.memory_space<vmem>>
    %dma_start3A_377 = tpu.memref_squeeze %dma_start3A_376 : memref<1x1024xf32, #tpu.memory_space<vmem>> -> memref<1024xf32, #tpu.memory_space<vmem>>
    %dma_start3A_378 = tpu.memref_slice %arg6[%multiple_of3A_318] : memref<1605632xf32, #tpu.memory_space<hbm>> -> memref<1024xf32, #tpu.memory_space<hbm>>
    tpu.enqueue_dma source(%dma_start3A_378 : memref<1024xf32, #tpu.memory_space<hbm>>) target(%dma_start3A_377 : memref<1024xf32, #tpu.memory_space<vmem>>) target_semaphore(%arg16 : memref<!tpu.dma_semaphore, #tpu.memory_space<semaphore_mem>>)
    %dma_start3A_379 = arith.constant 1 : i32
    %dma_start3A_380 = arith.constant 0 : i32
    %dma_start3A_381 = tpu.memref_slice %arg12[%dma_start3A_379, %dma_start3A_380] : memref<2x1024xf32, #tpu.memory_space<vmem>> -> memref<1x1024xf32, #tpu.memory_space<vmem>>
    %dma_start3A_382 = tpu.memref_squeeze %dma_start3A_381 : memref<1x1024xf32, #tpu.memory_space<vmem>> -> memref<1024xf32, #tpu.memory_space<vmem>>
    %dma_start3A_383 = tpu.memref_slice %arg7[%multiple_of3A_318] : memref<1605632xf32, #tpu.memory_space<hbm>> -> memref<1024xf32, #tpu.memory_space<hbm>>
    %dma_start3A_384 = arith.constant 0 : i32
    %dma_start3A_385 = tpu.memref_slice %arg12[%dma_start3A_379, %dma_start3A_384] : memref<2x1024xf32, #tpu.memory_space<vmem>> -> memref<1x1024xf32, #tpu.memory_space<vmem>>
    %dma_start3A_386 = tpu.memref_squeeze %dma_start3A_385 : memref<1x1024xf32, #tpu.memory_space<vmem>> -> memref<1024xf32, #tpu.memory_space<vmem>>
    %dma_start3A_387 = tpu.memref_slice %arg7[%multiple_of3A_318] : memref<1605632xf32, #tpu.memory_space<hbm>> -> memref<1024xf32, #tpu.memory_space<hbm>>
    tpu.enqueue_dma source(%dma_start3A_387 : memref<1024xf32, #tpu.memory_space<hbm>>) target(%dma_start3A_386 : memref<1024xf32, #tpu.memory_space<vmem>>) target_semaphore(%arg16 : memref<!tpu.dma_semaphore, #tpu.memory_space<semaphore_mem>>)
    %scan3A = arith.constant 0 : i32
    %scan3A_388 = arith.constant 0 : i32
    %scan3A_389 = arith.constant 49 : i32
    %scan3A_390 = arith.addi %scan3A_388, %scan3A_389 : i32
    %scan3A_391 = arith.constant 1 : i32
    %scan3A_392 = scf.for %scan3A_424 = %scan3A_388 to %scan3A_390 step %scan3A_391 iter_args(%scan3A_425 = %scan3A) -> (i32)  : i32 {
      %rem3A_426 = arith.constant 2 : i32
      %rem3A_427 = arith.remsi %scan3A_424, %rem3A_426 : i32
      %sub3A_428 = arith.constant 1 : i32
      %sub3A_429 = arith.subi %sub3A_428, %rem3A_427 : i32
      %mul3A_430 = arith.constant 1024 : i32
      %mul3A_431 = arith.muli %scan3A_424, %mul3A_430 : i32
      %add3A_432 = arith.addi %mul3A_2, %mul3A_431 : i32
      %multiple_of3A_433 = tpu.assume_multiple %add3A_432, 1024 : i32
      %dma_wait3A_434 = arith.constant 0 : i32
      %dma_wait3A_435 = arith.constant 0 : i32
      %dma_wait3A_436 = arith.constant 0 : i32
      %dma_wait3A_437 = tpu.memref_slice %arg13[%rem3A_427, %dma_wait3A_435, %dma_wait3A_436] : memref<2x1024x16xf32, #tpu.memory_space<vmem>> -> memref<1x128x16xf32, #tpu.memory_space<vmem>>
      %dma_wait3A_438 = tpu.memref_squeeze %dma_wait3A_437 : memref<1x128x16xf32, #tpu.memory_space<vmem>> -> memref<128x16xf32, #tpu.memory_space<vmem>>
      %dma_wait3A_439 = arith.constant 0 : i32
      %dma_wait3A_440 = tpu.memref_slice %arg9[%rem3A_427, %dma_wait3A_434, %dma_wait3A_439] : memref<2x8x128xi32, #tpu.memory_space<vmem>> -> memref<1x1x128xi32, #tpu.memory_space<vmem>>
      %dma_wait3A_441 = tpu.memref_squeeze %dma_wait3A_440 : memref<1x1x128xi32, #tpu.memory_space<vmem>> -> memref<128xi32, #tpu.memory_space<vmem>>
      %dma_wait3A_442 = arith.constant 0 : i32
      %dma_wait3A_443 = arith.constant 0 : i32
      %dma_wait3A_444 = tpu.memref_slice %arg2[%dma_wait3A_442, %dma_wait3A_443] : memref<10000x16xf32, #tpu.memory_space<hbm>> -> memref<10000x16xf32, #tpu.memory_space<hbm>>
      tpu.wait_indirect_dma semaphore(%arg17 : memref<!tpu.dma_semaphore, #tpu.memory_space<semaphore_mem>>) src(%dma_wait3A_444 : memref<10000x16xf32, #tpu.memory_space<hbm>>) dst(%dma_wait3A_438 : memref<128x16xf32, #tpu.memory_space<vmem>>)
      %dma_wait3A_445 = arith.constant 0 : i32
      %dma_wait3A_446 = arith.constant 0 : i32
      %dma_wait3A_447 = arith.constant 0 : i32
      %dma_wait3A_448 = tpu.memref_slice %arg14[%rem3A_427, %dma_wait3A_446, %dma_wait3A_447] : memref<2x1024x16xf32, #tpu.memory_space<vmem>> -> memref<1x128x16xf32, #tpu.memory_space<vmem>>
      %dma_wait3A_449 = tpu.memref_squeeze %dma_wait3A_448 : memref<1x128x16xf32, #tpu.memory_space<vmem>> -> memref<128x16xf32, #tpu.memory_space<vmem>>
      %dma_wait3A_450 = arith.constant 0 : i32
      %dma_wait3A_451 = tpu.memref_slice %arg10[%rem3A_427, %dma_wait3A_445, %dma_wait3A_450] : memref<2x8x128xi32, #tpu.memory_space<vmem>> -> memref<1x1x128xi32, #tpu.memory_space<vmem>>
      %dma_wait3A_452 = tpu.memref_squeeze %dma_wait3A_451 : memref<1x1x128xi32, #tpu.memory_space<vmem>> -> memref<128xi32, #tpu.memory_space<vmem>>
      %dma_wait3A_453 = arith.constant 0 : i32
      %dma_wait3A_454 = arith.constant 0 : i32
      %dma_wait3A_455 = tpu.memref_slice %arg3[%dma_wait3A_453, %dma_wait3A_454] : memref<320000x16xf32, #tpu.memory_space<hbm>> -> memref<320000x16xf32, #tpu.memory_space<hbm>>
      tpu.wait_indirect_dma semaphore(%arg17 : memref<!tpu.dma_semaphore, #tpu.memory_space<semaphore_mem>>) src(%dma_wait3A_455 : memref<320000x16xf32, #tpu.memory_space<hbm>>) dst(%dma_wait3A_449 : memref<128x16xf32, #tpu.memory_space<vmem>>)
      %dma_wait3A_456 = arith.constant 1 : i32
      %dma_wait3A_457 = arith.constant 128 : i32
      %dma_wait3A_458 = arith.constant 0 : i32
      %dma_wait3A_459 = tpu.memref_slice %arg13[%rem3A_427, %dma_wait3A_457, %dma_wait3A_458] : memref<2x1024x16xf32, #tpu.memory_space<vmem>> -> memref<1x128x16xf32, #tpu.memory_space<vmem>>
      %dma_wait3A_460 = tpu.memref_squeeze %dma_wait3A_459 : memref<1x128x16xf32, #tpu.memory_space<vmem>> -> memref<128x16xf32, #tpu.memory_space<vmem>>
      %dma_wait3A_461 = arith.constant 0 : i32
      %dma_wait3A_462 = tpu.memref_slice %arg9[%rem3A_427, %dma_wait3A_456, %dma_wait3A_461] : memref<2x8x128xi32, #tpu.memory_space<vmem>> -> memref<1x1x128xi32, #tpu.memory_space<vmem>>
      %dma_wait3A_463 = tpu.memref_squeeze %dma_wait3A_462 : memref<1x1x128xi32, #tpu.memory_space<vmem>> -> memref<128xi32, #tpu.memory_space<vmem>>
      %dma_wait3A_464 = arith.constant 0 : i32
      %dma_wait3A_465 = arith.constant 0 : i32
      %dma_wait3A_466 = tpu.memref_slice %arg2[%dma_wait3A_464, %dma_wait3A_465] : memref<10000x16xf32, #tpu.memory_space<hbm>> -> memref<10000x16xf32, #tpu.memory_space<hbm>>
      tpu.wait_indirect_dma semaphore(%arg17 : memref<!tpu.dma_semaphore, #tpu.memory_space<semaphore_mem>>) src(%dma_wait3A_466 : memref<10000x16xf32, #tpu.memory_space<hbm>>) dst(%dma_wait3A_460 : memref<128x16xf32, #tpu.memory_space<vmem>>)
      %dma_wait3A_467 = arith.constant 1 : i32
      %dma_wait3A_468 = arith.constant 128 : i32
      %dma_wait3A_469 = arith.constant 0 : i32
      %dma_wait3A_470 = tpu.memref_slice %arg14[%rem3A_427, %dma_wait3A_468, %dma_wait3A_469] : memref<2x1024x16xf32, #tpu.memory_space<vmem>> -> memref<1x128x16xf32, #tpu.memory_space<vmem>>
      %dma_wait3A_471 = tpu.memref_squeeze %dma_wait3A_470 : memref<1x128x16xf32, #tpu.memory_space<vmem>> -> memref<128x16xf32, #tpu.memory_space<vmem>>
      %dma_wait3A_472 = arith.constant 0 : i32
      %dma_wait3A_473 = tpu.memref_slice %arg10[%rem3A_427, %dma_wait3A_467, %dma_wait3A_472] : memref<2x8x128xi32, #tpu.memory_space<vmem>> -> memref<1x1x128xi32, #tpu.memory_space<vmem>>
      %dma_wait3A_474 = tpu.memref_squeeze %dma_wait3A_473 : memref<1x1x128xi32, #tpu.memory_space<vmem>> -> memref<128xi32, #tpu.memory_space<vmem>>
      %dma_wait3A_475 = arith.constant 0 : i32
      %dma_wait3A_476 = arith.constant 0 : i32
      %dma_wait3A_477 = tpu.memref_slice %arg3[%dma_wait3A_475, %dma_wait3A_476] : memref<320000x16xf32, #tpu.memory_space<hbm>> -> memref<320000x16xf32, #tpu.memory_space<hbm>>
      tpu.wait_indirect_dma semaphore(%arg17 : memref<!tpu.dma_semaphore, #tpu.memory_space<semaphore_mem>>) src(%dma_wait3A_477 : memref<320000x16xf32, #tpu.memory_space<hbm>>) dst(%dma_wait3A_471 : memref<128x16xf32, #tpu.memory_space<vmem>>)
      %dma_wait3A_478 = arith.constant 2 : i32
      %dma_wait3A_479 = arith.constant 256 : i32
      %dma_wait3A_480 = arith.constant 0 : i32
      %dma_wait3A_481 = tpu.memref_slice %arg13[%rem3A_427, %dma_wait3A_479, %dma_wait3A_480] : memref<2x1024x16xf32, #tpu.memory_space<vmem>> -> memref<1x128x16xf32, #tpu.memory_space<vmem>>
      %dma_wait3A_482 = tpu.memref_squeeze %dma_wait3A_481 : memref<1x128x16xf32, #tpu.memory_space<vmem>> -> memref<128x16xf32, #tpu.memory_space<vmem>>
      %dma_wait3A_483 = arith.constant 0 : i32
      %dma_wait3A_484 = tpu.memref_slice %arg9[%rem3A_427, %dma_wait3A_478, %dma_wait3A_483] : memref<2x8x128xi32, #tpu.memory_space<vmem>> -> memref<1x1x128xi32, #tpu.memory_space<vmem>>
      %dma_wait3A_485 = tpu.memref_squeeze %dma_wait3A_484 : memref<1x1x128xi32, #tpu.memory_space<vmem>> -> memref<128xi32, #tpu.memory_space<vmem>>
      %dma_wait3A_486 = arith.constant 0 : i32
      %dma_wait3A_487 = arith.constant 0 : i32
      %dma_wait3A_488 = tpu.memref_slice %arg2[%dma_wait3A_486, %dma_wait3A_487] : memref<10000x16xf32, #tpu.memory_space<hbm>> -> memref<10000x16xf32, #tpu.memory_space<hbm>>
      tpu.wait_indirect_dma semaphore(%arg17 : memref<!tpu.dma_semaphore, #tpu.memory_space<semaphore_mem>>) src(%dma_wait3A_488 : memref<10000x16xf32, #tpu.memory_space<hbm>>) dst(%dma_wait3A_482 : memref<128x16xf32, #tpu.memory_space<vmem>>)
      %dma_wait3A_489 = arith.constant 2 : i32
      %dma_wait3A_490 = arith.constant 256 : i32
      %dma_wait3A_491 = arith.constant 0 : i32
      %dma_wait3A_492 = tpu.memref_slice %arg14[%rem3A_427, %dma_wait3A_490, %dma_wait3A_491] : memref<2x1024x16xf32, #tpu.memory_space<vmem>> -> memref<1x128x16xf32, #tpu.memory_space<vmem>>
      %dma_wait3A_493 = tpu.memref_squeeze %dma_wait3A_492 : memref<1x128x16xf32, #tpu.memory_space<vmem>> -> memref<128x16xf32, #tpu.memory_space<vmem>>
      %dma_wait3A_494 = arith.constant 0 : i32
      %dma_wait3A_495 = tpu.memref_slice %arg10[%rem3A_427, %dma_wait3A_489, %dma_wait3A_494] : memref<2x8x128xi32, #tpu.memory_space<vmem>> -> memref<1x1x128xi32, #tpu.memory_space<vmem>>
      %dma_wait3A_496 = tpu.memref_squeeze %dma_wait3A_495 : memref<1x1x128xi32, #tpu.memory_space<vmem>> -> memref<128xi32, #tpu.memory_space<vmem>>
      %dma_wait3A_497 = arith.constant 0 : i32
      %dma_wait3A_498 = arith.constant 0 : i32
      %dma_wait3A_499 = tpu.memref_slice %arg3[%dma_wait3A_497, %dma_wait3A_498] : memref<320000x16xf32, #tpu.memory_space<hbm>> -> memref<320000x16xf32, #tpu.memory_space<hbm>>
      tpu.wait_indirect_dma semaphore(%arg17 : memref<!tpu.dma_semaphore, #tpu.memory_space<semaphore_mem>>) src(%dma_wait3A_499 : memref<320000x16xf32, #tpu.memory_space<hbm>>) dst(%dma_wait3A_493 : memref<128x16xf32, #tpu.memory_space<vmem>>)
      %dma_wait3A_500 = arith.constant 3 : i32
      %dma_wait3A_501 = arith.constant 384 : i32
      %dma_wait3A_502 = arith.constant 0 : i32
      %dma_wait3A_503 = tpu.memref_slice %arg13[%rem3A_427, %dma_wait3A_501, %dma_wait3A_502] : memref<2x1024x16xf32, #tpu.memory_space<vmem>> -> memref<1x128x16xf32, #tpu.memory_space<vmem>>
      %dma_wait3A_504 = tpu.memref_squeeze %dma_wait3A_503 : memref<1x128x16xf32, #tpu.memory_space<vmem>> -> memref<128x16xf32, #tpu.memory_space<vmem>>
      %dma_wait3A_505 = arith.constant 0 : i32
      %dma_wait3A_506 = tpu.memref_slice %arg9[%rem3A_427, %dma_wait3A_500, %dma_wait3A_505] : memref<2x8x128xi32, #tpu.memory_space<vmem>> -> memref<1x1x128xi32, #tpu.memory_space<vmem>>
      %dma_wait3A_507 = tpu.memref_squeeze %dma_wait3A_506 : memref<1x1x128xi32, #tpu.memory_space<vmem>> -> memref<128xi32, #tpu.memory_space<vmem>>
      %dma_wait3A_508 = arith.constant 0 : i32
      %dma_wait3A_509 = arith.constant 0 : i32
      %dma_wait3A_510 = tpu.memref_slice %arg2[%dma_wait3A_508, %dma_wait3A_509] : memref<10000x16xf32, #tpu.memory_space<hbm>> -> memref<10000x16xf32, #tpu.memory_space<hbm>>
      tpu.wait_indirect_dma semaphore(%arg17 : memref<!tpu.dma_semaphore, #tpu.memory_space<semaphore_mem>>) src(%dma_wait3A_510 : memref<10000x16xf32, #tpu.memory_space<hbm>>) dst(%dma_wait3A_504 : memref<128x16xf32, #tpu.memory_space<vmem>>)
      %dma_wait3A_511 = arith.constant 3 : i32
      %dma_wait3A_512 = arith.constant 384 : i32
      %dma_wait3A_513 = arith.constant 0 : i32
      %dma_wait3A_514 = tpu.memref_slice %arg14[%rem3A_427, %dma_wait3A_512, %dma_wait3A_513] : memref<2x1024x16xf32, #tpu.memory_space<vmem>> -> memref<1x128x16xf32, #tpu.memory_space<vmem>>
      %dma_wait3A_515 = tpu.memref_squeeze %dma_wait3A_514 : memref<1x128x16xf32, #tpu.memory_space<vmem>> -> memref<128x16xf32, #tpu.memory_space<vmem>>
      %dma_wait3A_516 = arith.constant 0 : i32
      %dma_wait3A_517 = tpu.memref_slice %arg10[%rem3A_427, %dma_wait3A_511, %dma_wait3A_516] : memref<2x8x128xi32, #tpu.memory_space<vmem>> -> memref<1x1x128xi32, #tpu.memory_space<vmem>>
      %dma_wait3A_518 = tpu.memref_squeeze %dma_wait3A_517 : memref<1x1x128xi32, #tpu.memory_space<vmem>> -> memref<128xi32, #tpu.memory_space<vmem>>
      %dma_wait3A_519 = arith.constant 0 : i32
      %dma_wait3A_520 = arith.constant 0 : i32
      %dma_wait3A_521 = tpu.memref_slice %arg3[%dma_wait3A_519, %dma_wait3A_520] : memref<320000x16xf32, #tpu.memory_space<hbm>> -> memref<320000x16xf32, #tpu.memory_space<hbm>>
      tpu.wait_indirect_dma semaphore(%arg17 : memref<!tpu.dma_semaphore, #tpu.memory_space<semaphore_mem>>) src(%dma_wait3A_521 : memref<320000x16xf32, #tpu.memory_space<hbm>>) dst(%dma_wait3A_515 : memref<128x16xf32, #tpu.memory_space<vmem>>)
      %dma_wait3A_522 = arith.constant 4 : i32
      %dma_wait3A_523 = arith.constant 512 : i32
      %dma_wait3A_524 = arith.constant 0 : i32
      %dma_wait3A_525 = tpu.memref_slice %arg13[%rem3A_427, %dma_wait3A_523, %dma_wait3A_524] : memref<2x1024x16xf32, #tpu.memory_space<vmem>> -> memref<1x128x16xf32, #tpu.memory_space<vmem>>
      %dma_wait3A_526 = tpu.memref_squeeze %dma_wait3A_525 : memref<1x128x16xf32, #tpu.memory_space<vmem>> -> memref<128x16xf32, #tpu.memory_space<vmem>>
      %dma_wait3A_527 = arith.constant 0 : i32
      %dma_wait3A_528 = tpu.memref_slice %arg9[%rem3A_427, %dma_wait3A_522, %dma_wait3A_527] : memref<2x8x128xi32, #tpu.memory_space<vmem>> -> memref<1x1x128xi32, #tpu.memory_space<vmem>>
      %dma_wait3A_529 = tpu.memref_squeeze %dma_wait3A_528 : memref<1x1x128xi32, #tpu.memory_space<vmem>> -> memref<128xi32, #tpu.memory_space<vmem>>
      %dma_wait3A_530 = arith.constant 0 : i32
      %dma_wait3A_531 = arith.constant 0 : i32
      %dma_wait3A_532 = tpu.memref_slice %arg2[%dma_wait3A_530, %dma_wait3A_531] : memref<10000x16xf32, #tpu.memory_space<hbm>> -> memref<10000x16xf32, #tpu.memory_space<hbm>>
      tpu.wait_indirect_dma semaphore(%arg17 : memref<!tpu.dma_semaphore, #tpu.memory_space<semaphore_mem>>) src(%dma_wait3A_532 : memref<10000x16xf32, #tpu.memory_space<hbm>>) dst(%dma_wait3A_526 : memref<128x16xf32, #tpu.memory_space<vmem>>)
      %dma_wait3A_533 = arith.constant 4 : i32
      %dma_wait3A_534 = arith.constant 512 : i32
      %dma_wait3A_535 = arith.constant 0 : i32
      %dma_wait3A_536 = tpu.memref_slice %arg14[%rem3A_427, %dma_wait3A_534, %dma_wait3A_535] : memref<2x1024x16xf32, #tpu.memory_space<vmem>> -> memref<1x128x16xf32, #tpu.memory_space<vmem>>
      %dma_wait3A_537 = tpu.memref_squeeze %dma_wait3A_536 : memref<1x128x16xf32, #tpu.memory_space<vmem>> -> memref<128x16xf32, #tpu.memory_space<vmem>>
      %dma_wait3A_538 = arith.constant 0 : i32
      %dma_wait3A_539 = tpu.memref_slice %arg10[%rem3A_427, %dma_wait3A_533, %dma_wait3A_538] : memref<2x8x128xi32, #tpu.memory_space<vmem>> -> memref<1x1x128xi32, #tpu.memory_space<vmem>>
      %dma_wait3A_540 = tpu.memref_squeeze %dma_wait3A_539 : memref<1x1x128xi32, #tpu.memory_space<vmem>> -> memref<128xi32, #tpu.memory_space<vmem>>
      %dma_wait3A_541 = arith.constant 0 : i32
      %dma_wait3A_542 = arith.constant 0 : i32
      %dma_wait3A_543 = tpu.memref_slice %arg3[%dma_wait3A_541, %dma_wait3A_542] : memref<320000x16xf32, #tpu.memory_space<hbm>> -> memref<320000x16xf32, #tpu.memory_space<hbm>>
      tpu.wait_indirect_dma semaphore(%arg17 : memref<!tpu.dma_semaphore, #tpu.memory_space<semaphore_mem>>) src(%dma_wait3A_543 : memref<320000x16xf32, #tpu.memory_space<hbm>>) dst(%dma_wait3A_537 : memref<128x16xf32, #tpu.memory_space<vmem>>)
      %dma_wait3A_544 = arith.constant 5 : i32
      %dma_wait3A_545 = arith.constant 640 : i32
      %dma_wait3A_546 = arith.constant 0 : i32
      %dma_wait3A_547 = tpu.memref_slice %arg13[%rem3A_427, %dma_wait3A_545, %dma_wait3A_546] : memref<2x1024x16xf32, #tpu.memory_space<vmem>> -> memref<1x128x16xf32, #tpu.memory_space<vmem>>
      %dma_wait3A_548 = tpu.memref_squeeze %dma_wait3A_547 : memref<1x128x16xf32, #tpu.memory_space<vmem>> -> memref<128x16xf32, #tpu.memory_space<vmem>>
      %dma_wait3A_549 = arith.constant 0 : i32
      %dma_wait3A_550 = tpu.memref_slice %arg9[%rem3A_427, %dma_wait3A_544, %dma_wait3A_549] : memref<2x8x128xi32, #tpu.memory_space<vmem>> -> memref<1x1x128xi32, #tpu.memory_space<vmem>>
      %dma_wait3A_551 = tpu.memref_squeeze %dma_wait3A_550 : memref<1x1x128xi32, #tpu.memory_space<vmem>> -> memref<128xi32, #tpu.memory_space<vmem>>
      %dma_wait3A_552 = arith.constant 0 : i32
      %dma_wait3A_553 = arith.constant 0 : i32
      %dma_wait3A_554 = tpu.memref_slice %arg2[%dma_wait3A_552, %dma_wait3A_553] : memref<10000x16xf32, #tpu.memory_space<hbm>> -> memref<10000x16xf32, #tpu.memory_space<hbm>>
      tpu.wait_indirect_dma semaphore(%arg17 : memref<!tpu.dma_semaphore, #tpu.memory_space<semaphore_mem>>) src(%dma_wait3A_554 : memref<10000x16xf32, #tpu.memory_space<hbm>>) dst(%dma_wait3A_548 : memref<128x16xf32, #tpu.memory_space<vmem>>)
      %dma_wait3A_555 = arith.constant 5 : i32
      %dma_wait3A_556 = arith.constant 640 : i32
      %dma_wait3A_557 = arith.constant 0 : i32
      %dma_wait3A_558 = tpu.memref_slice %arg14[%rem3A_427, %dma_wait3A_556, %dma_wait3A_557] : memref<2x1024x16xf32, #tpu.memory_space<vmem>> -> memref<1x128x16xf32, #tpu.memory_space<vmem>>
      %dma_wait3A_559 = tpu.memref_squeeze %dma_wait3A_558 : memref<1x128x16xf32, #tpu.memory_space<vmem>> -> memref<128x16xf32, #tpu.memory_space<vmem>>
      %dma_wait3A_560 = arith.constant 0 : i32
      %dma_wait3A_561 = tpu.memref_slice %arg10[%rem3A_427, %dma_wait3A_555, %dma_wait3A_560] : memref<2x8x128xi32, #tpu.memory_space<vmem>> -> memref<1x1x128xi32, #tpu.memory_space<vmem>>
      %dma_wait3A_562 = tpu.memref_squeeze %dma_wait3A_561 : memref<1x1x128xi32, #tpu.memory_space<vmem>> -> memref<128xi32, #tpu.memory_space<vmem>>
      %dma_wait3A_563 = arith.constant 0 : i32
      %dma_wait3A_564 = arith.constant 0 : i32
      %dma_wait3A_565 = tpu.memref_slice %arg3[%dma_wait3A_563, %dma_wait3A_564] : memref<320000x16xf32, #tpu.memory_space<hbm>> -> memref<320000x16xf32, #tpu.memory_space<hbm>>
      tpu.wait_indirect_dma semaphore(%arg17 : memref<!tpu.dma_semaphore, #tpu.memory_space<semaphore_mem>>) src(%dma_wait3A_565 : memref<320000x16xf32, #tpu.memory_space<hbm>>) dst(%dma_wait3A_559 : memref<128x16xf32, #tpu.memory_space<vmem>>)
      %dma_wait3A_566 = arith.constant 6 : i32
      %dma_wait3A_567 = arith.constant 768 : i32
      %dma_wait3A_568 = arith.constant 0 : i32
      %dma_wait3A_569 = tpu.memref_slice %arg13[%rem3A_427, %dma_wait3A_567, %dma_wait3A_568] : memref<2x1024x16xf32, #tpu.memory_space<vmem>> -> memref<1x128x16xf32, #tpu.memory_space<vmem>>
      %dma_wait3A_570 = tpu.memref_squeeze %dma_wait3A_569 : memref<1x128x16xf32, #tpu.memory_space<vmem>> -> memref<128x16xf32, #tpu.memory_space<vmem>>
      %dma_wait3A_571 = arith.constant 0 : i32
      %dma_wait3A_572 = tpu.memref_slice %arg9[%rem3A_427, %dma_wait3A_566, %dma_wait3A_571] : memref<2x8x128xi32, #tpu.memory_space<vmem>> -> memref<1x1x128xi32, #tpu.memory_space<vmem>>
      %dma_wait3A_573 = tpu.memref_squeeze %dma_wait3A_572 : memref<1x1x128xi32, #tpu.memory_space<vmem>> -> memref<128xi32, #tpu.memory_space<vmem>>
      %dma_wait3A_574 = arith.constant 0 : i32
      %dma_wait3A_575 = arith.constant 0 : i32
      %dma_wait3A_576 = tpu.memref_slice %arg2[%dma_wait3A_574, %dma_wait3A_575] : memref<10000x16xf32, #tpu.memory_space<hbm>> -> memref<10000x16xf32, #tpu.memory_space<hbm>>
      tpu.wait_indirect_dma semaphore(%arg17 : memref<!tpu.dma_semaphore, #tpu.memory_space<semaphore_mem>>) src(%dma_wait3A_576 : memref<10000x16xf32, #tpu.memory_space<hbm>>) dst(%dma_wait3A_570 : memref<128x16xf32, #tpu.memory_space<vmem>>)
      %dma_wait3A_577 = arith.constant 6 : i32
      %dma_wait3A_578 = arith.constant 768 : i32
      %dma_wait3A_579 = arith.constant 0 : i32
      %dma_wait3A_580 = tpu.memref_slice %arg14[%rem3A_427, %dma_wait3A_578, %dma_wait3A_579] : memref<2x1024x16xf32, #tpu.memory_space<vmem>> -> memref<1x128x16xf32, #tpu.memory_space<vmem>>
      %dma_wait3A_581 = tpu.memref_squeeze %dma_wait3A_580 : memref<1x128x16xf32, #tpu.memory_space<vmem>> -> memref<128x16xf32, #tpu.memory_space<vmem>>
      %dma_wait3A_582 = arith.constant 0 : i32
      %dma_wait3A_583 = tpu.memref_slice %arg10[%rem3A_427, %dma_wait3A_577, %dma_wait3A_582] : memref<2x8x128xi32, #tpu.memory_space<vmem>> -> memref<1x1x128xi32, #tpu.memory_space<vmem>>
      %dma_wait3A_584 = tpu.memref_squeeze %dma_wait3A_583 : memref<1x1x128xi32, #tpu.memory_space<vmem>> -> memref<128xi32, #tpu.memory_space<vmem>>
      %dma_wait3A_585 = arith.constant 0 : i32
      %dma_wait3A_586 = arith.constant 0 : i32
      %dma_wait3A_587 = tpu.memref_slice %arg3[%dma_wait3A_585, %dma_wait3A_586] : memref<320000x16xf32, #tpu.memory_space<hbm>> -> memref<320000x16xf32, #tpu.memory_space<hbm>>
      tpu.wait_indirect_dma semaphore(%arg17 : memref<!tpu.dma_semaphore, #tpu.memory_space<semaphore_mem>>) src(%dma_wait3A_587 : memref<320000x16xf32, #tpu.memory_space<hbm>>) dst(%dma_wait3A_581 : memref<128x16xf32, #tpu.memory_space<vmem>>)
      %dma_wait3A_588 = arith.constant 7 : i32
      %dma_wait3A_589 = arith.constant 896 : i32
      %dma_wait3A_590 = arith.constant 0 : i32
      %dma_wait3A_591 = tpu.memref_slice %arg13[%rem3A_427, %dma_wait3A_589, %dma_wait3A_590] : memref<2x1024x16xf32, #tpu.memory_space<vmem>> -> memref<1x128x16xf32, #tpu.memory_space<vmem>>
      %dma_wait3A_592 = tpu.memref_squeeze %dma_wait3A_591 : memref<1x128x16xf32, #tpu.memory_space<vmem>> -> memref<128x16xf32, #tpu.memory_space<vmem>>
      %dma_wait3A_593 = arith.constant 0 : i32
      %dma_wait3A_594 = tpu.memref_slice %arg9[%rem3A_427, %dma_wait3A_588, %dma_wait3A_593] : memref<2x8x128xi32, #tpu.memory_space<vmem>> -> memref<1x1x128xi32, #tpu.memory_space<vmem>>
      %dma_wait3A_595 = tpu.memref_squeeze %dma_wait3A_594 : memref<1x1x128xi32, #tpu.memory_space<vmem>> -> memref<128xi32, #tpu.memory_space<vmem>>
      %dma_wait3A_596 = arith.constant 0 : i32
      %dma_wait3A_597 = arith.constant 0 : i32
      %dma_wait3A_598 = tpu.memref_slice %arg2[%dma_wait3A_596, %dma_wait3A_597] : memref<10000x16xf32, #tpu.memory_space<hbm>> -> memref<10000x16xf32, #tpu.memory_space<hbm>>
      tpu.wait_indirect_dma semaphore(%arg17 : memref<!tpu.dma_semaphore, #tpu.memory_space<semaphore_mem>>) src(%dma_wait3A_598 : memref<10000x16xf32, #tpu.memory_space<hbm>>) dst(%dma_wait3A_592 : memref<128x16xf32, #tpu.memory_space<vmem>>)
      %dma_wait3A_599 = arith.constant 7 : i32
      %dma_wait3A_600 = arith.constant 896 : i32
      %dma_wait3A_601 = arith.constant 0 : i32
      %dma_wait3A_602 = tpu.memref_slice %arg14[%rem3A_427, %dma_wait3A_600, %dma_wait3A_601] : memref<2x1024x16xf32, #tpu.memory_space<vmem>> -> memref<1x128x16xf32, #tpu.memory_space<vmem>>
      %dma_wait3A_603 = tpu.memref_squeeze %dma_wait3A_602 : memref<1x128x16xf32, #tpu.memory_space<vmem>> -> memref<128x16xf32, #tpu.memory_space<vmem>>
      %dma_wait3A_604 = arith.constant 0 : i32
      %dma_wait3A_605 = tpu.memref_slice %arg10[%rem3A_427, %dma_wait3A_599, %dma_wait3A_604] : memref<2x8x128xi32, #tpu.memory_space<vmem>> -> memref<1x1x128xi32, #tpu.memory_space<vmem>>
      %dma_wait3A_606 = tpu.memref_squeeze %dma_wait3A_605 : memref<1x1x128xi32, #tpu.memory_space<vmem>> -> memref<128xi32, #tpu.memory_space<vmem>>
      %dma_wait3A_607 = arith.constant 0 : i32
      %dma_wait3A_608 = arith.constant 0 : i32
      %dma_wait3A_609 = tpu.memref_slice %arg3[%dma_wait3A_607, %dma_wait3A_608] : memref<320000x16xf32, #tpu.memory_space<hbm>> -> memref<320000x16xf32, #tpu.memory_space<hbm>>
      tpu.wait_indirect_dma semaphore(%arg17 : memref<!tpu.dma_semaphore, #tpu.memory_space<semaphore_mem>>) src(%dma_wait3A_609 : memref<320000x16xf32, #tpu.memory_space<hbm>>) dst(%dma_wait3A_603 : memref<128x16xf32, #tpu.memory_space<vmem>>)
      %add3A_610 = arith.constant 1 : i32
      %add3A_611 = arith.addi %scan3A_424, %add3A_610 : i32
      %lt3A = arith.constant 49 : i32
      %lt3A_612 = arith.cmpi slt, %add3A_611, %lt3A : i32
      %convert_element_type3A = arith.extui %lt3A_612 : i1 to i32
      %cond3A = arith.constant 0 : i32
      %cond3A_613 = arith.cmpi ne, %convert_element_type3A, %cond3A : i32
      scf.if %cond3A_613 {
        %multiple_of3A_645 = tpu.assume_multiple %mul3A_2, 1024 : i32
        %jit3A_646 = arith.constant 128 : i32
        %div3A_647 = arith.divsi %multiple_of3A_645, %jit3A_646 : i32
        %sign3A_648 = arith.constant 0 : i32
        %sign3A_649 = arith.cmpi sgt, %multiple_of3A_645, %sign3A_648 : i32
        %sign3A_650 = arith.extui %sign3A_649 : i1 to i32
        %sign3A_651 = arith.constant 0 : i32
        %sign3A_652 = arith.cmpi slt, %multiple_of3A_645, %sign3A_651 : i32
        %sign3A_653 = arith.extui %sign3A_652 : i1 to i32
        %sign3A_654 = arith.subi %sign3A_650, %sign3A_653 : i32
        %sign3A_655 = arith.constant 0 : i32
        %sign3A_656 = arith.cmpi sgt, %jit3A_646, %sign3A_655 : i32
        %sign3A_657 = arith.extui %sign3A_656 : i1 to i32
        %sign3A_658 = arith.constant 0 : i32
        %sign3A_659 = arith.cmpi slt, %jit3A_646, %sign3A_658 : i32
        %sign3A_660 = arith.extui %sign3A_659 : i1 to i32
        %sign3A_661 = arith.subi %sign3A_657, %sign3A_660 : i32
        %ne3A_662 = arith.cmpi ne, %sign3A_654, %sign3A_661 : i32
        %rem3A_663 = arith.remsi %multiple_of3A_645, %jit3A_646 : i32
        %ne3A_664 = arith.constant 0 : i32
        %ne3A_665 = arith.cmpi ne, %rem3A_663, %ne3A_664 : i32
        %and3A_666 = arith.andi %ne3A_662, %ne3A_665 : i1
        %sub3A_667 = arith.constant 1 : i32
        %sub3A_668 = arith.subi %div3A_647, %sub3A_667 : i32
        %select_n3A_669 = arith.select %and3A_666, %sub3A_668, %div3A_647 : i32
        %multiple_of3A_670 = tpu.assume_multiple %select_n3A_669, 8 : i32
        %dma_wait3A_671 = arith.constant 0 : i32
        %dma_wait3A_672 = arith.constant 0 : i32
        %dma_wait3A_673 = tpu.memref_slice %arg9[%sub3A_429, %dma_wait3A_671, %dma_wait3A_672] : memref<2x8x128xi32, #tpu.memory_space<vmem>> -> memref<1x8x128xi32, #tpu.memory_space<vmem>>
        %dma_wait3A_674 = tpu.memref_squeeze %dma_wait3A_673 : memref<1x8x128xi32, #tpu.memory_space<vmem>> -> memref<8x128xi32, #tpu.memory_space<vmem>>
        %dma_wait3A_675 = arith.constant 0 : i32
        %dma_wait3A_676 = tpu.memref_slice %arg4[%multiple_of3A_670, %dma_wait3A_675] : memref<12544x128xi32, #tpu.memory_space<hbm>> -> memref<8x128xi32, #tpu.memory_space<hbm>>
        %dma_wait3A_677 = arith.constant 0 : i32
        %dma_wait3A_678 = arith.constant 0 : i32
        %dma_wait3A_679 = tpu.memref_slice %arg9[%sub3A_429, %dma_wait3A_677, %dma_wait3A_678] : memref<2x8x128xi32, #tpu.memory_space<vmem>> -> memref<1x8x128xi32, #tpu.memory_space<vmem>>
        %dma_wait3A_680 = tpu.memref_squeeze %dma_wait3A_679 : memref<1x8x128xi32, #tpu.memory_space<vmem>> -> memref<8x128xi32, #tpu.memory_space<vmem>>
        %dma_wait3A_681 = arith.constant 0 : i32
        %dma_wait3A_682 = tpu.memref_slice %arg4[%multiple_of3A_670, %dma_wait3A_681] : memref<12544x128xi32, #tpu.memory_space<hbm>> -> memref<8x128xi32, #tpu.memory_space<hbm>>
        tpu.wait_dma2 semaphore(%arg16 : memref<!tpu.dma_semaphore, #tpu.memory_space<semaphore_mem>>) src(%dma_wait3A_682 : memref<8x128xi32, #tpu.memory_space<hbm>>) dst(%dma_wait3A_680 : memref<8x128xi32, #tpu.memory_space<vmem>>)
        %dma_wait3A_683 = arith.constant 0 : i32
        %dma_wait3A_684 = arith.constant 0 : i32
        %dma_wait3A_685 = tpu.memref_slice %arg10[%sub3A_429, %dma_wait3A_683, %dma_wait3A_684] : memref<2x8x128xi32, #tpu.memory_space<vmem>> -> memref<1x8x128xi32, #tpu.memory_space<vmem>>
        %dma_wait3A_686 = tpu.memref_squeeze %dma_wait3A_685 : memref<1x8x128xi32, #tpu.memory_space<vmem>> -> memref<8x128xi32, #tpu.memory_space<vmem>>
        %dma_wait3A_687 = arith.constant 0 : i32
        %dma_wait3A_688 = tpu.memref_slice %arg5[%multiple_of3A_670, %dma_wait3A_687] : memref<12544x128xi32, #tpu.memory_space<hbm>> -> memref<8x128xi32, #tpu.memory_space<hbm>>
        %dma_wait3A_689 = arith.constant 0 : i32
        %dma_wait3A_690 = arith.constant 0 : i32
        %dma_wait3A_691 = tpu.memref_slice %arg10[%sub3A_429, %dma_wait3A_689, %dma_wait3A_690] : memref<2x8x128xi32, #tpu.memory_space<vmem>> -> memref<1x8x128xi32, #tpu.memory_space<vmem>>
        %dma_wait3A_692 = tpu.memref_squeeze %dma_wait3A_691 : memref<1x8x128xi32, #tpu.memory_space<vmem>> -> memref<8x128xi32, #tpu.memory_space<vmem>>
        %dma_wait3A_693 = arith.constant 0 : i32
        %dma_wait3A_694 = tpu.memref_slice %arg5[%multiple_of3A_670, %dma_wait3A_693] : memref<12544x128xi32, #tpu.memory_space<hbm>> -> memref<8x128xi32, #tpu.memory_space<hbm>>
        tpu.wait_dma2 semaphore(%arg16 : memref<!tpu.dma_semaphore, #tpu.memory_space<semaphore_mem>>) src(%dma_wait3A_694 : memref<8x128xi32, #tpu.memory_space<hbm>>) dst(%dma_wait3A_692 : memref<8x128xi32, #tpu.memory_space<vmem>>)
        %dma_wait3A_695 = arith.constant 0 : i32
        %dma_wait3A_696 = tpu.memref_slice %arg11[%sub3A_429, %dma_wait3A_695] : memref<2x1024xf32, #tpu.memory_space<vmem>> -> memref<1x1024xf32, #tpu.memory_space<vmem>>
        %dma_wait3A_697 = tpu.memref_squeeze %dma_wait3A_696 : memref<1x1024xf32, #tpu.memory_space<vmem>> -> memref<1024xf32, #tpu.memory_space<vmem>>
        %dma_wait3A_698 = tpu.memref_slice %arg6[%multiple_of3A_645] : memref<1605632xf32, #tpu.memory_space<hbm>> -> memref<1024xf32, #tpu.memory_space<hbm>>
        %dma_wait3A_699 = arith.constant 0 : i32
        %dma_wait3A_700 = tpu.memref_slice %arg11[%sub3A_429, %dma_wait3A_699] : memref<2x1024xf32, #tpu.memory_space<vmem>> -> memref<1x1024xf32, #tpu.memory_space<vmem>>
        %dma_wait3A_701 = tpu.memref_squeeze %dma_wait3A_700 : memref<1x1024xf32, #tpu.memory_space<vmem>> -> memref<1024xf32, #tpu.memory_space<vmem>>
        %dma_wait3A_702 = tpu.memref_slice %arg6[%multiple_of3A_645] : memref<1605632xf32, #tpu.memory_space<hbm>> -> memref<1024xf32, #tpu.memory_space<hbm>>
        tpu.wait_dma2 semaphore(%arg16 : memref<!tpu.dma_semaphore, #tpu.memory_space<semaphore_mem>>) src(%dma_wait3A_702 : memref<1024xf32, #tpu.memory_space<hbm>>) dst(%dma_wait3A_701 : memref<1024xf32, #tpu.memory_space<vmem>>)
        %dma_wait3A_703 = arith.constant 0 : i32
        %dma_wait3A_704 = tpu.memref_slice %arg12[%sub3A_429, %dma_wait3A_703] : memref<2x1024xf32, #tpu.memory_space<vmem>> -> memref<1x1024xf32, #tpu.memory_space<vmem>>
        %dma_wait3A_705 = tpu.memref_squeeze %dma_wait3A_704 : memref<1x1024xf32, #tpu.memory_space<vmem>> -> memref<1024xf32, #tpu.memory_space<vmem>>
        %dma_wait3A_706 = tpu.memref_slice %arg7[%multiple_of3A_645] : memref<1605632xf32, #tpu.memory_space<hbm>> -> memref<1024xf32, #tpu.memory_space<hbm>>
        %dma_wait3A_707 = arith.constant 0 : i32
        %dma_wait3A_708 = tpu.memref_slice %arg12[%sub3A_429, %dma_wait3A_707] : memref<2x1024xf32, #tpu.memory_space<vmem>> -> memref<1x1024xf32, #tpu.memory_space<vmem>>
        %dma_wait3A_709 = tpu.memref_squeeze %dma_wait3A_708 : memref<1x1024xf32, #tpu.memory_space<vmem>> -> memref<1024xf32, #tpu.memory_space<vmem>>
        %dma_wait3A_710 = tpu.memref_slice %arg7[%multiple_of3A_645] : memref<1605632xf32, #tpu.memory_space<hbm>> -> memref<1024xf32, #tpu.memory_space<hbm>>
        tpu.wait_dma2 semaphore(%arg16 : memref<!tpu.dma_semaphore, #tpu.memory_space<semaphore_mem>>) src(%dma_wait3A_710 : memref<1024xf32, #tpu.memory_space<hbm>>) dst(%dma_wait3A_709 : memref<1024xf32, #tpu.memory_space<vmem>>)
        %dma_start3A_711 = arith.constant 0 : i32
        %dma_start3A_712 = arith.constant 0 : i32
        %dma_start3A_713 = arith.constant 0 : i32
        %dma_start3A_714 = tpu.memref_slice %arg13[%sub3A_429, %dma_start3A_712, %dma_start3A_713] : memref<2x1024x16xf32, #tpu.memory_space<vmem>> -> memref<1x128x16xf32, #tpu.memory_space<vmem>>
        %dma_start3A_715 = tpu.memref_squeeze %dma_start3A_714 : memref<1x128x16xf32, #tpu.memory_space<vmem>> -> memref<128x16xf32, #tpu.memory_space<vmem>>
        %dma_start3A_716 = arith.constant 0 : i32
        %dma_start3A_717 = tpu.memref_slice %arg9[%sub3A_429, %dma_start3A_711, %dma_start3A_716] : memref<2x8x128xi32, #tpu.memory_space<vmem>> -> memref<1x1x128xi32, #tpu.memory_space<vmem>>
        %dma_start3A_718 = tpu.memref_squeeze %dma_start3A_717 : memref<1x1x128xi32, #tpu.memory_space<vmem>> -> memref<128xi32, #tpu.memory_space<vmem>>
        %dma_start3A_719 = arith.constant 0 : i32
        %dma_start3A_720 = arith.constant 0 : i32
        %dma_start3A_721 = tpu.memref_slice %arg2[%dma_start3A_719, %dma_start3A_720] : memref<10000x16xf32, #tpu.memory_space<hbm>> -> memref<10000x16xf32, #tpu.memory_space<hbm>>
        tpu.enqueue_indirect_dma source(%dma_start3A_721 : memref<10000x16xf32, #tpu.memory_space<hbm>>) target(%dma_start3A_715 : memref<128x16xf32, #tpu.memory_space<vmem>>) offsets(%dma_start3A_718 : memref<128xi32, #tpu.memory_space<vmem>>) semaphore(%arg17 : memref<!tpu.dma_semaphore, #tpu.memory_space<semaphore_mem>>)
        %dma_start3A_722 = arith.constant 0 : i32
        %dma_start3A_723 = arith.constant 0 : i32
        %dma_start3A_724 = arith.constant 0 : i32
        %dma_start3A_725 = tpu.memref_slice %arg14[%sub3A_429, %dma_start3A_723, %dma_start3A_724] : memref<2x1024x16xf32, #tpu.memory_space<vmem>> -> memref<1x128x16xf32, #tpu.memory_space<vmem>>
        %dma_start3A_726 = tpu.memref_squeeze %dma_start3A_725 : memref<1x128x16xf32, #tpu.memory_space<vmem>> -> memref<128x16xf32, #tpu.memory_space<vmem>>
        %dma_start3A_727 = arith.constant 0 : i32
        %dma_start3A_728 = tpu.memref_slice %arg10[%sub3A_429, %dma_start3A_722, %dma_start3A_727] : memref<2x8x128xi32, #tpu.memory_space<vmem>> -> memref<1x1x128xi32, #tpu.memory_space<vmem>>
        %dma_start3A_729 = tpu.memref_squeeze %dma_start3A_728 : memref<1x1x128xi32, #tpu.memory_space<vmem>> -> memref<128xi32, #tpu.memory_space<vmem>>
        %dma_start3A_730 = arith.constant 0 : i32
        %dma_start3A_731 = arith.constant 0 : i32
        %dma_start3A_732 = tpu.memref_slice %arg3[%dma_start3A_730, %dma_start3A_731] : memref<320000x16xf32, #tpu.memory_space<hbm>> -> memref<320000x16xf32, #tpu.memory_space<hbm>>
        tpu.enqueue_indirect_dma source(%dma_start3A_732 : memref<320000x16xf32, #tpu.memory_space<hbm>>) target(%dma_start3A_726 : memref<128x16xf32, #tpu.memory_space<vmem>>) offsets(%dma_start3A_729 : memref<128xi32, #tpu.memory_space<vmem>>) semaphore(%arg17 : memref<!tpu.dma_semaphore, #tpu.memory_space<semaphore_mem>>)
        %dma_start3A_733 = arith.constant 1 : i32
        %dma_start3A_734 = arith.constant 128 : i32
        %dma_start3A_735 = arith.constant 0 : i32
        %dma_start3A_736 = tpu.memref_slice %arg13[%sub3A_429, %dma_start3A_734, %dma_start3A_735] : memref<2x1024x16xf32, #tpu.memory_space<vmem>> -> memref<1x128x16xf32, #tpu.memory_space<vmem>>
        %dma_start3A_737 = tpu.memref_squeeze %dma_start3A_736 : memref<1x128x16xf32, #tpu.memory_space<vmem>> -> memref<128x16xf32, #tpu.memory_space<vmem>>
        %dma_start3A_738 = arith.constant 0 : i32
        %dma_start3A_739 = tpu.memref_slice %arg9[%sub3A_429, %dma_start3A_733, %dma_start3A_738] : memref<2x8x128xi32, #tpu.memory_space<vmem>> -> memref<1x1x128xi32, #tpu.memory_space<vmem>>
        %dma_start3A_740 = tpu.memref_squeeze %dma_start3A_739 : memref<1x1x128xi32, #tpu.memory_space<vmem>> -> memref<128xi32, #tpu.memory_space<vmem>>
        %dma_start3A_741 = arith.constant 0 : i32
        %dma_start3A_742 = arith.constant 0 : i32
        %dma_start3A_743 = tpu.memref_slice %arg2[%dma_start3A_741, %dma_start3A_742] : memref<10000x16xf32, #tpu.memory_space<hbm>> -> memref<10000x16xf32, #tpu.memory_space<hbm>>
        tpu.enqueue_indirect_dma source(%dma_start3A_743 : memref<10000x16xf32, #tpu.memory_space<hbm>>) target(%dma_start3A_737 : memref<128x16xf32, #tpu.memory_space<vmem>>) offsets(%dma_start3A_740 : memref<128xi32, #tpu.memory_space<vmem>>) semaphore(%arg17 : memref<!tpu.dma_semaphore, #tpu.memory_space<semaphore_mem>>)
        %dma_start3A_744 = arith.constant 1 : i32
        %dma_start3A_745 = arith.constant 128 : i32
        %dma_start3A_746 = arith.constant 0 : i32
        %dma_start3A_747 = tpu.memref_slice %arg14[%sub3A_429, %dma_start3A_745, %dma_start3A_746] : memref<2x1024x16xf32, #tpu.memory_space<vmem>> -> memref<1x128x16xf32, #tpu.memory_space<vmem>>
        %dma_start3A_748 = tpu.memref_squeeze %dma_start3A_747 : memref<1x128x16xf32, #tpu.memory_space<vmem>> -> memref<128x16xf32, #tpu.memory_space<vmem>>
        %dma_start3A_749 = arith.constant 0 : i32
        %dma_start3A_750 = tpu.memref_slice %arg10[%sub3A_429, %dma_start3A_744, %dma_start3A_749] : memref<2x8x128xi32, #tpu.memory_space<vmem>> -> memref<1x1x128xi32, #tpu.memory_space<vmem>>
        %dma_start3A_751 = tpu.memref_squeeze %dma_start3A_750 : memref<1x1x128xi32, #tpu.memory_space<vmem>> -> memref<128xi32, #tpu.memory_space<vmem>>
        %dma_start3A_752 = arith.constant 0 : i32
        %dma_start3A_753 = arith.constant 0 : i32
        %dma_start3A_754 = tpu.memref_slice %arg3[%dma_start3A_752, %dma_start3A_753] : memref<320000x16xf32, #tpu.memory_space<hbm>> -> memref<320000x16xf32, #tpu.memory_space<hbm>>
        tpu.enqueue_indirect_dma source(%dma_start3A_754 : memref<320000x16xf32, #tpu.memory_space<hbm>>) target(%dma_start3A_748 : memref<128x16xf32, #tpu.memory_space<vmem>>) offsets(%dma_start3A_751 : memref<128xi32, #tpu.memory_space<vmem>>) semaphore(%arg17 : memref<!tpu.dma_semaphore, #tpu.memory_space<semaphore_mem>>)
        %dma_start3A_755 = arith.constant 2 : i32
        %dma_start3A_756 = arith.constant 256 : i32
        %dma_start3A_757 = arith.constant 0 : i32
        %dma_start3A_758 = tpu.memref_slice %arg13[%sub3A_429, %dma_start3A_756, %dma_start3A_757] : memref<2x1024x16xf32, #tpu.memory_space<vmem>> -> memref<1x128x16xf32, #tpu.memory_space<vmem>>
        %dma_start3A_759 = tpu.memref_squeeze %dma_start3A_758 : memref<1x128x16xf32, #tpu.memory_space<vmem>> -> memref<128x16xf32, #tpu.memory_space<vmem>>
        %dma_start3A_760 = arith.constant 0 : i32
        %dma_start3A_761 = tpu.memref_slice %arg9[%sub3A_429, %dma_start3A_755, %dma_start3A_760] : memref<2x8x128xi32, #tpu.memory_space<vmem>> -> memref<1x1x128xi32, #tpu.memory_space<vmem>>
        %dma_start3A_762 = tpu.memref_squeeze %dma_start3A_761 : memref<1x1x128xi32, #tpu.memory_space<vmem>> -> memref<128xi32, #tpu.memory_space<vmem>>
        %dma_start3A_763 = arith.constant 0 : i32
        %dma_start3A_764 = arith.constant 0 : i32
        %dma_start3A_765 = tpu.memref_slice %arg2[%dma_start3A_763, %dma_start3A_764] : memref<10000x16xf32, #tpu.memory_space<hbm>> -> memref<10000x16xf32, #tpu.memory_space<hbm>>
        tpu.enqueue_indirect_dma source(%dma_start3A_765 : memref<10000x16xf32, #tpu.memory_space<hbm>>) target(%dma_start3A_759 : memref<128x16xf32, #tpu.memory_space<vmem>>) offsets(%dma_start3A_762 : memref<128xi32, #tpu.memory_space<vmem>>) semaphore(%arg17 : memref<!tpu.dma_semaphore, #tpu.memory_space<semaphore_mem>>)
        %dma_start3A_766 = arith.constant 2 : i32
        %dma_start3A_767 = arith.constant 256 : i32
        %dma_start3A_768 = arith.constant 0 : i32
        %dma_start3A_769 = tpu.memref_slice %arg14[%sub3A_429, %dma_start3A_767, %dma_start3A_768] : memref<2x1024x16xf32, #tpu.memory_space<vmem>> -> memref<1x128x16xf32, #tpu.memory_space<vmem>>
        %dma_start3A_770 = tpu.memref_squeeze %dma_start3A_769 : memref<1x128x16xf32, #tpu.memory_space<vmem>> -> memref<128x16xf32, #tpu.memory_space<vmem>>
        %dma_start3A_771 = arith.constant 0 : i32
        %dma_start3A_772 = tpu.memref_slice %arg10[%sub3A_429, %dma_start3A_766, %dma_start3A_771] : memref<2x8x128xi32, #tpu.memory_space<vmem>> -> memref<1x1x128xi32, #tpu.memory_space<vmem>>
        %dma_start3A_773 = tpu.memref_squeeze %dma_start3A_772 : memref<1x1x128xi32, #tpu.memory_space<vmem>> -> memref<128xi32, #tpu.memory_space<vmem>>
        %dma_start3A_774 = arith.constant 0 : i32
        %dma_start3A_775 = arith.constant 0 : i32
        %dma_start3A_776 = tpu.memref_slice %arg3[%dma_start3A_774, %dma_start3A_775] : memref<320000x16xf32, #tpu.memory_space<hbm>> -> memref<320000x16xf32, #tpu.memory_space<hbm>>
        tpu.enqueue_indirect_dma source(%dma_start3A_776 : memref<320000x16xf32, #tpu.memory_space<hbm>>) target(%dma_start3A_770 : memref<128x16xf32, #tpu.memory_space<vmem>>) offsets(%dma_start3A_773 : memref<128xi32, #tpu.memory_space<vmem>>) semaphore(%arg17 : memref<!tpu.dma_semaphore, #tpu.memory_space<semaphore_mem>>)
        %dma_start3A_777 = arith.constant 3 : i32
        %dma_start3A_778 = arith.constant 384 : i32
        %dma_start3A_779 = arith.constant 0 : i32
        %dma_start3A_780 = tpu.memref_slice %arg13[%sub3A_429, %dma_start3A_778, %dma_start3A_779] : memref<2x1024x16xf32, #tpu.memory_space<vmem>> -> memref<1x128x16xf32, #tpu.memory_space<vmem>>
        %dma_start3A_781 = tpu.memref_squeeze %dma_start3A_780 : memref<1x128x16xf32, #tpu.memory_space<vmem>> -> memref<128x16xf32, #tpu.memory_space<vmem>>
        %dma_start3A_782 = arith.constant 0 : i32
        %dma_start3A_783 = tpu.memref_slice %arg9[%sub3A_429, %dma_start3A_777, %dma_start3A_782] : memref<2x8x128xi32, #tpu.memory_space<vmem>> -> memref<1x1x128xi32, #tpu.memory_space<vmem>>
        %dma_start3A_784 = tpu.memref_squeeze %dma_start3A_783 : memref<1x1x128xi32, #tpu.memory_space<vmem>> -> memref<128xi32, #tpu.memory_space<vmem>>
        %dma_start3A_785 = arith.constant 0 : i32
        %dma_start3A_786 = arith.constant 0 : i32
        %dma_start3A_787 = tpu.memref_slice %arg2[%dma_start3A_785, %dma_start3A_786] : memref<10000x16xf32, #tpu.memory_space<hbm>> -> memref<10000x16xf32, #tpu.memory_space<hbm>>
        tpu.enqueue_indirect_dma source(%dma_start3A_787 : memref<10000x16xf32, #tpu.memory_space<hbm>>) target(%dma_start3A_781 : memref<128x16xf32, #tpu.memory_space<vmem>>) offsets(%dma_start3A_784 : memref<128xi32, #tpu.memory_space<vmem>>) semaphore(%arg17 : memref<!tpu.dma_semaphore, #tpu.memory_space<semaphore_mem>>)
        %dma_start3A_788 = arith.constant 3 : i32
        %dma_start3A_789 = arith.constant 384 : i32
        %dma_start3A_790 = arith.constant 0 : i32
        %dma_start3A_791 = tpu.memref_slice %arg14[%sub3A_429, %dma_start3A_789, %dma_start3A_790] : memref<2x1024x16xf32, #tpu.memory_space<vmem>> -> memref<1x128x16xf32, #tpu.memory_space<vmem>>
        %dma_start3A_792 = tpu.memref_squeeze %dma_start3A_791 : memref<1x128x16xf32, #tpu.memory_space<vmem>> -> memref<128x16xf32, #tpu.memory_space<vmem>>
        %dma_start3A_793 = arith.constant 0 : i32
        %dma_start3A_794 = tpu.memref_slice %arg10[%sub3A_429, %dma_start3A_788, %dma_start3A_793] : memref<2x8x128xi32, #tpu.memory_space<vmem>> -> memref<1x1x128xi32, #tpu.memory_space<vmem>>
        %dma_start3A_795 = tpu.memref_squeeze %dma_start3A_794 : memref<1x1x128xi32, #tpu.memory_space<vmem>> -> memref<128xi32, #tpu.memory_space<vmem>>
        %dma_start3A_796 = arith.constant 0 : i32
        %dma_start3A_797 = arith.constant 0 : i32
        %dma_start3A_798 = tpu.memref_slice %arg3[%dma_start3A_796, %dma_start3A_797] : memref<320000x16xf32, #tpu.memory_space<hbm>> -> memref<320000x16xf32, #tpu.memory_space<hbm>>
        tpu.enqueue_indirect_dma source(%dma_start3A_798 : memref<320000x16xf32, #tpu.memory_space<hbm>>) target(%dma_start3A_792 : memref<128x16xf32, #tpu.memory_space<vmem>>) offsets(%dma_start3A_795 : memref<128xi32, #tpu.memory_space<vmem>>) semaphore(%arg17 : memref<!tpu.dma_semaphore, #tpu.memory_space<semaphore_mem>>)
        %dma_start3A_799 = arith.constant 4 : i32
        %dma_start3A_800 = arith.constant 512 : i32
        %dma_start3A_801 = arith.constant 0 : i32
        %dma_start3A_802 = tpu.memref_slice %arg13[%sub3A_429, %dma_start3A_800, %dma_start3A_801] : memref<2x1024x16xf32, #tpu.memory_space<vmem>> -> memref<1x128x16xf32, #tpu.memory_space<vmem>>
        %dma_start3A_803 = tpu.memref_squeeze %dma_start3A_802 : memref<1x128x16xf32, #tpu.memory_space<vmem>> -> memref<128x16xf32, #tpu.memory_space<vmem>>
        %dma_start3A_804 = arith.constant 0 : i32
        %dma_start3A_805 = tpu.memref_slice %arg9[%sub3A_429, %dma_start3A_799, %dma_start3A_804] : memref<2x8x128xi32, #tpu.memory_space<vmem>> -> memref<1x1x128xi32, #tpu.memory_space<vmem>>
        %dma_start3A_806 = tpu.memref_squeeze %dma_start3A_805 : memref<1x1x128xi32, #tpu.memory_space<vmem>> -> memref<128xi32, #tpu.memory_space<vmem>>
        %dma_start3A_807 = arith.constant 0 : i32
        %dma_start3A_808 = arith.constant 0 : i32
        %dma_start3A_809 = tpu.memref_slice %arg2[%dma_start3A_807, %dma_start3A_808] : memref<10000x16xf32, #tpu.memory_space<hbm>> -> memref<10000x16xf32, #tpu.memory_space<hbm>>
        tpu.enqueue_indirect_dma source(%dma_start3A_809 : memref<10000x16xf32, #tpu.memory_space<hbm>>) target(%dma_start3A_803 : memref<128x16xf32, #tpu.memory_space<vmem>>) offsets(%dma_start3A_806 : memref<128xi32, #tpu.memory_space<vmem>>) semaphore(%arg17 : memref<!tpu.dma_semaphore, #tpu.memory_space<semaphore_mem>>)
        %dma_start3A_810 = arith.constant 4 : i32
        %dma_start3A_811 = arith.constant 512 : i32
        %dma_start3A_812 = arith.constant 0 : i32
        %dma_start3A_813 = tpu.memref_slice %arg14[%sub3A_429, %dma_start3A_811, %dma_start3A_812] : memref<2x1024x16xf32, #tpu.memory_space<vmem>> -> memref<1x128x16xf32, #tpu.memory_space<vmem>>
        %dma_start3A_814 = tpu.memref_squeeze %dma_start3A_813 : memref<1x128x16xf32, #tpu.memory_space<vmem>> -> memref<128x16xf32, #tpu.memory_space<vmem>>
        %dma_start3A_815 = arith.constant 0 : i32
        %dma_start3A_816 = tpu.memref_slice %arg10[%sub3A_429, %dma_start3A_810, %dma_start3A_815] : memref<2x8x128xi32, #tpu.memory_space<vmem>> -> memref<1x1x128xi32, #tpu.memory_space<vmem>>
        %dma_start3A_817 = tpu.memref_squeeze %dma_start3A_816 : memref<1x1x128xi32, #tpu.memory_space<vmem>> -> memref<128xi32, #tpu.memory_space<vmem>>
        %dma_start3A_818 = arith.constant 0 : i32
        %dma_start3A_819 = arith.constant 0 : i32
        %dma_start3A_820 = tpu.memref_slice %arg3[%dma_start3A_818, %dma_start3A_819] : memref<320000x16xf32, #tpu.memory_space<hbm>> -> memref<320000x16xf32, #tpu.memory_space<hbm>>
        tpu.enqueue_indirect_dma source(%dma_start3A_820 : memref<320000x16xf32, #tpu.memory_space<hbm>>) target(%dma_start3A_814 : memref<128x16xf32, #tpu.memory_space<vmem>>) offsets(%dma_start3A_817 : memref<128xi32, #tpu.memory_space<vmem>>) semaphore(%arg17 : memref<!tpu.dma_semaphore, #tpu.memory_space<semaphore_mem>>)
        %dma_start3A_821 = arith.constant 5 : i32
        %dma_start3A_822 = arith.constant 640 : i32
        %dma_start3A_823 = arith.constant 0 : i32
        %dma_start3A_824 = tpu.memref_slice %arg13[%sub3A_429, %dma_start3A_822, %dma_start3A_823] : memref<2x1024x16xf32, #tpu.memory_space<vmem>> -> memref<1x128x16xf32, #tpu.memory_space<vmem>>
        %dma_start3A_825 = tpu.memref_squeeze %dma_start3A_824 : memref<1x128x16xf32, #tpu.memory_space<vmem>> -> memref<128x16xf32, #tpu.memory_space<vmem>>
        %dma_start3A_826 = arith.constant 0 : i32
        %dma_start3A_827 = tpu.memref_slice %arg9[%sub3A_429, %dma_start3A_821, %dma_start3A_826] : memref<2x8x128xi32, #tpu.memory_space<vmem>> -> memref<1x1x128xi32, #tpu.memory_space<vmem>>
        %dma_start3A_828 = tpu.memref_squeeze %dma_start3A_827 : memref<1x1x128xi32, #tpu.memory_space<vmem>> -> memref<128xi32, #tpu.memory_space<vmem>>
        %dma_start3A_829 = arith.constant 0 : i32
        %dma_start3A_830 = arith.constant 0 : i32
        %dma_start3A_831 = tpu.memref_slice %arg2[%dma_start3A_829, %dma_start3A_830] : memref<10000x16xf32, #tpu.memory_space<hbm>> -> memref<10000x16xf32, #tpu.memory_space<hbm>>
        tpu.enqueue_indirect_dma source(%dma_start3A_831 : memref<10000x16xf32, #tpu.memory_space<hbm>>) target(%dma_start3A_825 : memref<128x16xf32, #tpu.memory_space<vmem>>) offsets(%dma_start3A_828 : memref<128xi32, #tpu.memory_space<vmem>>) semaphore(%arg17 : memref<!tpu.dma_semaphore, #tpu.memory_space<semaphore_mem>>)
        %dma_start3A_832 = arith.constant 5 : i32
        %dma_start3A_833 = arith.constant 640 : i32
        %dma_start3A_834 = arith.constant 0 : i32
        %dma_start3A_835 = tpu.memref_slice %arg14[%sub3A_429, %dma_start3A_833, %dma_start3A_834] : memref<2x1024x16xf32, #tpu.memory_space<vmem>> -> memref<1x128x16xf32, #tpu.memory_space<vmem>>
        %dma_start3A_836 = tpu.memref_squeeze %dma_start3A_835 : memref<1x128x16xf32, #tpu.memory_space<vmem>> -> memref<128x16xf32, #tpu.memory_space<vmem>>
        %dma_start3A_837 = arith.constant 0 : i32
        %dma_start3A_838 = tpu.memref_slice %arg10[%sub3A_429, %dma_start3A_832, %dma_start3A_837] : memref<2x8x128xi32, #tpu.memory_space<vmem>> -> memref<1x1x128xi32, #tpu.memory_space<vmem>>
        %dma_start3A_839 = tpu.memref_squeeze %dma_start3A_838 : memref<1x1x128xi32, #tpu.memory_space<vmem>> -> memref<128xi32, #tpu.memory_space<vmem>>
        %dma_start3A_840 = arith.constant 0 : i32
        %dma_start3A_841 = arith.constant 0 : i32
        %dma_start3A_842 = tpu.memref_slice %arg3[%dma_start3A_840, %dma_start3A_841] : memref<320000x16xf32, #tpu.memory_space<hbm>> -> memref<320000x16xf32, #tpu.memory_space<hbm>>
        tpu.enqueue_indirect_dma source(%dma_start3A_842 : memref<320000x16xf32, #tpu.memory_space<hbm>>) target(%dma_start3A_836 : memref<128x16xf32, #tpu.memory_space<vmem>>) offsets(%dma_start3A_839 : memref<128xi32, #tpu.memory_space<vmem>>) semaphore(%arg17 : memref<!tpu.dma_semaphore, #tpu.memory_space<semaphore_mem>>)
        %dma_start3A_843 = arith.constant 6 : i32
        %dma_start3A_844 = arith.constant 768 : i32
        %dma_start3A_845 = arith.constant 0 : i32
        %dma_start3A_846 = tpu.memref_slice %arg13[%sub3A_429, %dma_start3A_844, %dma_start3A_845] : memref<2x1024x16xf32, #tpu.memory_space<vmem>> -> memref<1x128x16xf32, #tpu.memory_space<vmem>>
        %dma_start3A_847 = tpu.memref_squeeze %dma_start3A_846 : memref<1x128x16xf32, #tpu.memory_space<vmem>> -> memref<128x16xf32, #tpu.memory_space<vmem>>
        %dma_start3A_848 = arith.constant 0 : i32
        %dma_start3A_849 = tpu.memref_slice %arg9[%sub3A_429, %dma_start3A_843, %dma_start3A_848] : memref<2x8x128xi32, #tpu.memory_space<vmem>> -> memref<1x1x128xi32, #tpu.memory_space<vmem>>
        %dma_start3A_850 = tpu.memref_squeeze %dma_start3A_849 : memref<1x1x128xi32, #tpu.memory_space<vmem>> -> memref<128xi32, #tpu.memory_space<vmem>>
        %dma_start3A_851 = arith.constant 0 : i32
        %dma_start3A_852 = arith.constant 0 : i32
        %dma_start3A_853 = tpu.memref_slice %arg2[%dma_start3A_851, %dma_start3A_852] : memref<10000x16xf32, #tpu.memory_space<hbm>> -> memref<10000x16xf32, #tpu.memory_space<hbm>>
        tpu.enqueue_indirect_dma source(%dma_start3A_853 : memref<10000x16xf32, #tpu.memory_space<hbm>>) target(%dma_start3A_847 : memref<128x16xf32, #tpu.memory_space<vmem>>) offsets(%dma_start3A_850 : memref<128xi32, #tpu.memory_space<vmem>>) semaphore(%arg17 : memref<!tpu.dma_semaphore, #tpu.memory_space<semaphore_mem>>)
        %dma_start3A_854 = arith.constant 6 : i32
        %dma_start3A_855 = arith.constant 768 : i32
        %dma_start3A_856 = arith.constant 0 : i32
        %dma_start3A_857 = tpu.memref_slice %arg14[%sub3A_429, %dma_start3A_855, %dma_start3A_856] : memref<2x1024x16xf32, #tpu.memory_space<vmem>> -> memref<1x128x16xf32, #tpu.memory_space<vmem>>
        %dma_start3A_858 = tpu.memref_squeeze %dma_start3A_857 : memref<1x128x16xf32, #tpu.memory_space<vmem>> -> memref<128x16xf32, #tpu.memory_space<vmem>>
        %dma_start3A_859 = arith.constant 0 : i32
        %dma_start3A_860 = tpu.memref_slice %arg10[%sub3A_429, %dma_start3A_854, %dma_start3A_859] : memref<2x8x128xi32, #tpu.memory_space<vmem>> -> memref<1x1x128xi32, #tpu.memory_space<vmem>>
        %dma_start3A_861 = tpu.memref_squeeze %dma_start3A_860 : memref<1x1x128xi32, #tpu.memory_space<vmem>> -> memref<128xi32, #tpu.memory_space<vmem>>
        %dma_start3A_862 = arith.constant 0 : i32
        %dma_start3A_863 = arith.constant 0 : i32
        %dma_start3A_864 = tpu.memref_slice %arg3[%dma_start3A_862, %dma_start3A_863] : memref<320000x16xf32, #tpu.memory_space<hbm>> -> memref<320000x16xf32, #tpu.memory_space<hbm>>
        tpu.enqueue_indirect_dma source(%dma_start3A_864 : memref<320000x16xf32, #tpu.memory_space<hbm>>) target(%dma_start3A_858 : memref<128x16xf32, #tpu.memory_space<vmem>>) offsets(%dma_start3A_861 : memref<128xi32, #tpu.memory_space<vmem>>) semaphore(%arg17 : memref<!tpu.dma_semaphore, #tpu.memory_space<semaphore_mem>>)
        %dma_start3A_865 = arith.constant 7 : i32
        %dma_start3A_866 = arith.constant 896 : i32
        %dma_start3A_867 = arith.constant 0 : i32
        %dma_start3A_868 = tpu.memref_slice %arg13[%sub3A_429, %dma_start3A_866, %dma_start3A_867] : memref<2x1024x16xf32, #tpu.memory_space<vmem>> -> memref<1x128x16xf32, #tpu.memory_space<vmem>>
        %dma_start3A_869 = tpu.memref_squeeze %dma_start3A_868 : memref<1x128x16xf32, #tpu.memory_space<vmem>> -> memref<128x16xf32, #tpu.memory_space<vmem>>
        %dma_start3A_870 = arith.constant 0 : i32
        %dma_start3A_871 = tpu.memref_slice %arg9[%sub3A_429, %dma_start3A_865, %dma_start3A_870] : memref<2x8x128xi32, #tpu.memory_space<vmem>> -> memref<1x1x128xi32, #tpu.memory_space<vmem>>
        %dma_start3A_872 = tpu.memref_squeeze %dma_start3A_871 : memref<1x1x128xi32, #tpu.memory_space<vmem>> -> memref<128xi32, #tpu.memory_space<vmem>>
        %dma_start3A_873 = arith.constant 0 : i32
        %dma_start3A_874 = arith.constant 0 : i32
        %dma_start3A_875 = tpu.memref_slice %arg2[%dma_start3A_873, %dma_start3A_874] : memref<10000x16xf32, #tpu.memory_space<hbm>> -> memref<10000x16xf32, #tpu.memory_space<hbm>>
        tpu.enqueue_indirect_dma source(%dma_start3A_875 : memref<10000x16xf32, #tpu.memory_space<hbm>>) target(%dma_start3A_869 : memref<128x16xf32, #tpu.memory_space<vmem>>) offsets(%dma_start3A_872 : memref<128xi32, #tpu.memory_space<vmem>>) semaphore(%arg17 : memref<!tpu.dma_semaphore, #tpu.memory_space<semaphore_mem>>)
        %dma_start3A_876 = arith.constant 7 : i32
        %dma_start3A_877 = arith.constant 896 : i32
        %dma_start3A_878 = arith.constant 0 : i32
        %dma_start3A_879 = tpu.memref_slice %arg14[%sub3A_429, %dma_start3A_877, %dma_start3A_878] : memref<2x1024x16xf32, #tpu.memory_space<vmem>> -> memref<1x128x16xf32, #tpu.memory_space<vmem>>
        %dma_start3A_880 = tpu.memref_squeeze %dma_start3A_879 : memref<1x128x16xf32, #tpu.memory_space<vmem>> -> memref<128x16xf32, #tpu.memory_space<vmem>>
        %dma_start3A_881 = arith.constant 0 : i32
        %dma_start3A_882 = tpu.memref_slice %arg10[%sub3A_429, %dma_start3A_876, %dma_start3A_881] : memref<2x8x128xi32, #tpu.memory_space<vmem>> -> memref<1x1x128xi32, #tpu.memory_space<vmem>>
        %dma_start3A_883 = tpu.memref_squeeze %dma_start3A_882 : memref<1x1x128xi32, #tpu.memory_space<vmem>> -> memref<128xi32, #tpu.memory_space<vmem>>
        %dma_start3A_884 = arith.constant 0 : i32
        %dma_start3A_885 = arith.constant 0 : i32
        %dma_start3A_886 = tpu.memref_slice %arg3[%dma_start3A_884, %dma_start3A_885] : memref<320000x16xf32, #tpu.memory_space<hbm>> -> memref<320000x16xf32, #tpu.memory_space<hbm>>
        tpu.enqueue_indirect_dma source(%dma_start3A_886 : memref<320000x16xf32, #tpu.memory_space<hbm>>) target(%dma_start3A_880 : memref<128x16xf32, #tpu.memory_space<vmem>>) offsets(%dma_start3A_883 : memref<128xi32, #tpu.memory_space<vmem>>) semaphore(%arg17 : memref<!tpu.dma_semaphore, #tpu.memory_space<semaphore_mem>>)
      } else {
      }
      %ge3A = arith.constant 2 : i32
      %ge3A_614 = arith.cmpi sge, %scan3A_424, %ge3A : i32
      %convert_element_type3A_615 = arith.extui %ge3A_614 : i1 to i32
      %cond3A_616 = arith.constant 0 : i32
      %cond3A_617 = arith.cmpi ne, %convert_element_type3A_615, %cond3A_616 : i32
      scf.if %cond3A_617 {
        %dma_wait3A_645 = arith.constant 0 : i32
        %dma_wait3A_646 = arith.constant 0 : i32
        %dma_wait3A_647 = tpu.memref_slice %arg15[%rem3A_427, %dma_wait3A_645, %dma_wait3A_646] : memref<2x1024x16xf32, #tpu.memory_space<vmem>> -> memref<1x1024x16xf32, #tpu.memory_space<vmem>>
        %dma_wait3A_648 = tpu.memref_squeeze %dma_wait3A_647 : memref<1x1024x16xf32, #tpu.memory_space<vmem>> -> memref<1024x16xf32, #tpu.memory_space<vmem>>
        %dma_wait3A_649 = arith.constant 0 : i32
        %dma_wait3A_650 = arith.constant 0 : i32
        %dma_wait3A_651 = tpu.memref_slice %arg8[%dma_wait3A_649, %dma_wait3A_650] : memref<1605632x16xf32, #tpu.memory_space<hbm>> -> memref<1024x16xf32, #tpu.memory_space<hbm>>
        %dma_wait3A_652 = arith.constant 0 : i32
        %dma_wait3A_653 = arith.constant 0 : i32
        %dma_wait3A_654 = tpu.memref_slice %arg8[%dma_wait3A_652, %dma_wait3A_653] : memref<1605632x16xf32, #tpu.memory_space<hbm>> -> memref<1024x16xf32, #tpu.memory_space<hbm>>
        %dma_wait3A_655 = arith.constant 0 : i32
        %dma_wait3A_656 = arith.constant 0 : i32
        %dma_wait3A_657 = tpu.memref_slice %arg15[%rem3A_427, %dma_wait3A_655, %dma_wait3A_656] : memref<2x1024x16xf32, #tpu.memory_space<vmem>> -> memref<1x1024x16xf32, #tpu.memory_space<vmem>>
        %dma_wait3A_658 = tpu.memref_squeeze %dma_wait3A_657 : memref<1x1024x16xf32, #tpu.memory_space<vmem>> -> memref<1024x16xf32, #tpu.memory_space<vmem>>
        tpu.wait_dma2 semaphore(%arg18 : memref<!tpu.dma_semaphore, #tpu.memory_space<semaphore_mem>>) src(%dma_wait3A_658 : memref<1024x16xf32, #tpu.memory_space<vmem>>) dst(%dma_wait3A_654 : memref<1024x16xf32, #tpu.memory_space<hbm>>)
      } else {
      }
      %scan3A_618 = arith.constant 0 : i32
      %scan3A_619 = arith.constant 0 : i32
      %scan3A_620 = arith.constant 64 : i32
      %scan3A_621 = arith.addi %scan3A_619, %scan3A_620 : i32
      %scan3A_622 = arith.constant 1 : i32
      %scan3A_623 = scf.for %scan3A_645 = %scan3A_619 to %scan3A_621 step %scan3A_622 iter_args(%scan3A_646 = %scan3A_618) -> (i32)  : i32 {
        %mul3A_647 = arith.constant 16 : i32
        %mul3A_648 = arith.muli %scan3A_645, %mul3A_647 : i32
        %get3A = arith.index_cast %rem3A_427 : i32 to index
        %get3A_649 = arith.index_cast %mul3A_648 : i32 to index
        %get3A_650 = tpu.vector_load %arg11[%get3A, %get3A_649] {strides = array<i32>} : memref<2x1024xf32, #tpu.memory_space<vmem>>, vector<1x16xf32>,
        %get3A_651 = vector.shape_cast %get3A_650 : vector<1x16xf32> to vector<16xf32>
        %mul3A_652 = arith.constant 16 : i32
        %mul3A_653 = arith.muli %scan3A_645, %mul3A_652 : i32
        %get3A_654 = arith.index_cast %rem3A_427 : i32 to index
        %get3A_655 = arith.index_cast %mul3A_653 : i32 to index
        %get3A_656 = tpu.vector_load %arg12[%get3A_654, %get3A_655] {strides = array<i32>} : memref<2x1024xf32, #tpu.memory_space<vmem>>, vector<1x16xf32>,
        %get3A_657 = vector.shape_cast %get3A_656 : vector<1x16xf32> to vector<16xf32>
        %mul3A_658 = arith.constant 16 : i32
        %mul3A_659 = arith.muli %scan3A_645, %mul3A_658 : i32
        %add3A_660 = arith.constant 0 : i32
        %add3A_661 = arith.addi %mul3A_659, %add3A_660 : i32
        %slice3A = vector.extract_strided_slice %get3A_651 {offsets = [0], sizes = [1], strides = [1]} : vector<16xf32> to vector<1xf32>
        %squeeze3A = vector.extract %slice3A[0] : f32 from vector<1xf32>
        %get3A_662 = arith.index_cast %rem3A_427 : i32 to index
        %get3A_663 = arith.index_cast %add3A_661 : i32 to index
        %get3A_664 = arith.constant 0 : index
        %get3A_665 = tpu.vector_load %arg13[%get3A_662, %get3A_663, %get3A_664] {strides = array<i32>} : memref<2x1024x16xf32, #tpu.memory_space<vmem>>, vector<1x1x16xf32>,
        %get3A_666 = vector.shape_cast %get3A_665 : vector<1x1x16xf32> to vector<16xf32>
        %mul3A_667 = vector.broadcast %squeeze3A : f32 to vector<16xf32>
        %mul3A_668 = arith.mulf %mul3A_667, %get3A_666 : vector<16xf32>
        %slice3A_669 = vector.extract_strided_slice %get3A_657 {offsets = [0], sizes = [1], strides = [1]} : vector<16xf32> to vector<1xf32>
        %squeeze3A_670 = vector.extract %slice3A_669[0] : f32 from vector<1xf32>
        %get3A_671 = arith.index_cast %rem3A_427 : i32 to index
        %get3A_672 = arith.index_cast %add3A_661 : i32 to index
        %get3A_673 = arith.constant 0 : index
        %get3A_674 = tpu.vector_load %arg14[%get3A_671, %get3A_672, %get3A_673] {strides = array<i32>} : memref<2x1024x16xf32, #tpu.memory_space<vmem>>, vector<1x1x16xf32>,
        %get3A_675 = vector.shape_cast %get3A_674 : vector<1x1x16xf32> to vector<16xf32>
        %mul3A_676 = vector.broadcast %squeeze3A_670 : f32 to vector<16xf32>
        %mul3A_677 = arith.mulf %mul3A_676, %get3A_675 : vector<16xf32>
        %add3A_678 = arith.addf %mul3A_668, %mul3A_677 : vector<16xf32>
        %swap3A = arith.index_cast %rem3A_427 : i32 to index
        %swap3A_679 = arith.index_cast %add3A_661 : i32 to index
        %swap3A_680 = arith.constant 0 : index
        %swap3A_681 = tpu.vector_load %arg15[%swap3A, %swap3A_679, %swap3A_680] {strides = array<i32>} : memref<2x1024x16xf32, #tpu.memory_space<vmem>>, vector<1x1x16xf32>,
        %swap3A_682 = vector.shape_cast %swap3A_681 : vector<1x1x16xf32> to vector<16xf32>
        %swap3A_683 = vector.shape_cast %add3A_678 : vector<16xf32> to vector<1x1x16xf32>
        tpu.vector_store %arg15[%swap3A, %swap3A_679, %swap3A_680], %swap3A_683 {strides = array<i32>} : memref<2x1024x16xf32, #tpu.memory_space<vmem>>, vector<1x1x16xf32>,
        %mul3A_684 = arith.constant 16 : i32
        %mul3A_685 = arith.muli %scan3A_645, %mul3A_684 : i32
        %add3A_686 = arith.constant 1 : i32
        %add3A_687 = arith.addi %mul3A_685, %add3A_686 : i32
        %slice3A_688 = vector.extract_strided_slice %get3A_651 {offsets = [1], sizes = [1], strides = [1]} : vector<16xf32> to vector<1xf32>
        %squeeze3A_689 = vector.extract %slice3A_688[0] : f32 from vector<1xf32>
        %get3A_690 = arith.index_cast %rem3A_427 : i32 to index
        %get3A_691 = arith.index_cast %add3A_687 : i32 to index
        %get3A_692 = arith.constant 0 : index
        %get3A_693 = tpu.vector_load %arg13[%get3A_690, %get3A_691, %get3A_692] {strides = array<i32>} : memref<2x1024x16xf32, #tpu.memory_space<vmem>>, vector<1x1x16xf32>,
        %get3A_694 = vector.shape_cast %get3A_693 : vector<1x1x16xf32> to vector<16xf32>
        %mul3A_695 = vector.broadcast %squeeze3A_689 : f32 to vector<16xf32>
        %mul3A_696 = arith.mulf %mul3A_695, %get3A_694 : vector<16xf32>
        %slice3A_697 = vector.extract_strided_slice %get3A_657 {offsets = [1], sizes = [1], strides = [1]} : vector<16xf32> to vector<1xf32>
        %squeeze3A_698 = vector.extract %slice3A_697[0] : f32 from vector<1xf32>
        %get3A_699 = arith.index_cast %rem3A_427 : i32 to index
        %get3A_700 = arith.index_cast %add3A_687 : i32 to index
        %get3A_701 = arith.constant 0 : index
        %get3A_702 = tpu.vector_load %arg14[%get3A_699, %get3A_700, %get3A_701] {strides = array<i32>} : memref<2x1024x16xf32, #tpu.memory_space<vmem>>, vector<1x1x16xf32>,
        %get3A_703 = vector.shape_cast %get3A_702 : vector<1x1x16xf32> to vector<16xf32>
        %mul3A_704 = vector.broadcast %squeeze3A_698 : f32 to vector<16xf32>
        %mul3A_705 = arith.mulf %mul3A_704, %get3A_703 : vector<16xf32>
        %add3A_706 = arith.addf %mul3A_696, %mul3A_705 : vector<16xf32>
        %swap3A_707 = arith.index_cast %rem3A_427 : i32 to index
        %swap3A_708 = arith.index_cast %add3A_687 : i32 to index
        %swap3A_709 = arith.constant 0 : index
        %swap3A_710 = tpu.vector_load %arg15[%swap3A_707, %swap3A_708, %swap3A_709] {strides = array<i32>} : memref<2x1024x16xf32, #tpu.memory_space<vmem>>, vector<1x1x16xf32>,
        %swap3A_711 = vector.shape_cast %swap3A_710 : vector<1x1x16xf32> to vector<16xf32>
        %swap3A_712 = vector.shape_cast %add3A_706 : vector<16xf32> to vector<1x1x16xf32>
        tpu.vector_store %arg15[%swap3A_707, %swap3A_708, %swap3A_709], %swap3A_712 {strides = array<i32>} : memref<2x1024x16xf32, #tpu.memory_space<vmem>>, vector<1x1x16xf32>,
        %mul3A_713 = arith.constant 16 : i32
        %mul3A_714 = arith.muli %scan3A_645, %mul3A_713 : i32
        %add3A_715 = arith.constant 2 : i32
        %add3A_716 = arith.addi %mul3A_714, %add3A_715 : i32
        %slice3A_717 = vector.extract_strided_slice %get3A_651 {offsets = [2], sizes = [1], strides = [1]} : vector<16xf32> to vector<1xf32>
        %squeeze3A_718 = vector.extract %slice3A_717[0] : f32 from vector<1xf32>
        %get3A_719 = arith.index_cast %rem3A_427 : i32 to index
        %get3A_720 = arith.index_cast %add3A_716 : i32 to index
        %get3A_721 = arith.constant 0 : index
        %get3A_722 = tpu.vector_load %arg13[%get3A_719, %get3A_720, %get3A_721] {strides = array<i32>} : memref<2x1024x16xf32, #tpu.memory_space<vmem>>, vector<1x1x16xf32>,
        %get3A_723 = vector.shape_cast %get3A_722 : vector<1x1x16xf32> to vector<16xf32>
        %mul3A_724 = vector.broadcast %squeeze3A_718 : f32 to vector<16xf32>
        %mul3A_725 = arith.mulf %mul3A_724, %get3A_723 : vector<16xf32>
        %slice3A_726 = vector.extract_strided_slice %get3A_657 {offsets = [2], sizes = [1], strides = [1]} : vector<16xf32> to vector<1xf32>
        %squeeze3A_727 = vector.extract %slice3A_726[0] : f32 from vector<1xf32>
        %get3A_728 = arith.index_cast %rem3A_427 : i32 to index
        %get3A_729 = arith.index_cast %add3A_716 : i32 to index
        %get3A_730 = arith.constant 0 : index
        %get3A_731 = tpu.vector_load %arg14[%get3A_728, %get3A_729, %get3A_730] {strides = array<i32>} : memref<2x1024x16xf32, #tpu.memory_space<vmem>>, vector<1x1x16xf32>,
        %get3A_732 = vector.shape_cast %get3A_731 : vector<1x1x16xf32> to vector<16xf32>
        %mul3A_733 = vector.broadcast %squeeze3A_727 : f32 to vector<16xf32>
        %mul3A_734 = arith.mulf %mul3A_733, %get3A_732 : vector<16xf32>
        %add3A_735 = arith.addf %mul3A_725, %mul3A_734 : vector<16xf32>
        %swap3A_736 = arith.index_cast %rem3A_427 : i32 to index
        %swap3A_737 = arith.index_cast %add3A_716 : i32 to index
        %swap3A_738 = arith.constant 0 : index
        %swap3A_739 = tpu.vector_load %arg15[%swap3A_736, %swap3A_737, %swap3A_738] {strides = array<i32>} : memref<2x1024x16xf32, #tpu.memory_space<vmem>>, vector<1x1x16xf32>,
        %swap3A_740 = vector.shape_cast %swap3A_739 : vector<1x1x16xf32> to vector<16xf32>
        %swap3A_741 = vector.shape_cast %add3A_735 : vector<16xf32> to vector<1x1x16xf32>
        tpu.vector_store %arg15[%swap3A_736, %swap3A_737, %swap3A_738], %swap3A_741 {strides = array<i32>} : memref<2x1024x16xf32, #tpu.memory_space<vmem>>, vector<1x1x16xf32>,
        %mul3A_742 = arith.constant 16 : i32
        %mul3A_743 = arith.muli %scan3A_645, %mul3A_742 : i32
        %add3A_744 = arith.constant 3 : i32
        %add3A_745 = arith.addi %mul3A_743, %add3A_744 : i32
        %slice3A_746 = vector.extract_strided_slice %get3A_651 {offsets = [3], sizes = [1], strides = [1]} : vector<16xf32> to vector<1xf32>
        %squeeze3A_747 = vector.extract %slice3A_746[0] : f32 from vector<1xf32>
        %get3A_748 = arith.index_cast %rem3A_427 : i32 to index
        %get3A_749 = arith.index_cast %add3A_745 : i32 to index
        %get3A_750 = arith.constant 0 : index
        %get3A_751 = tpu.vector_load %arg13[%get3A_748, %get3A_749, %get3A_750] {strides = array<i32>} : memref<2x1024x16xf32, #tpu.memory_space<vmem>>, vector<1x1x16xf32>,
        %get3A_752 = vector.shape_cast %get3A_751 : vector<1x1x16xf32> to vector<16xf32>
        %mul3A_753 = vector.broadcast %squeeze3A_747 : f32 to vector<16xf32>
        %mul3A_754 = arith.mulf %mul3A_753, %get3A_752 : vector<16xf32>
        %slice3A_755 = vector.extract_strided_slice %get3A_657 {offsets = [3], sizes = [1], strides = [1]} : vector<16xf32> to vector<1xf32>
        %squeeze3A_756 = vector.extract %slice3A_755[0] : f32 from vector<1xf32>
        %get3A_757 = arith.index_cast %rem3A_427 : i32 to index
        %get3A_758 = arith.index_cast %add3A_745 : i32 to index
        %get3A_759 = arith.constant 0 : index
        %get3A_760 = tpu.vector_load %arg14[%get3A_757, %get3A_758, %get3A_759] {strides = array<i32>} : memref<2x1024x16xf32, #tpu.memory_space<vmem>>, vector<1x1x16xf32>,
        %get3A_761 = vector.shape_cast %get3A_760 : vector<1x1x16xf32> to vector<16xf32>
        %mul3A_762 = vector.broadcast %squeeze3A_756 : f32 to vector<16xf32>
        %mul3A_763 = arith.mulf %mul3A_762, %get3A_761 : vector<16xf32>
        %add3A_764 = arith.addf %mul3A_754, %mul3A_763 : vector<16xf32>
        %swap3A_765 = arith.index_cast %rem3A_427 : i32 to index
        %swap3A_766 = arith.index_cast %add3A_745 : i32 to index
        %swap3A_767 = arith.constant 0 : index
        %swap3A_768 = tpu.vector_load %arg15[%swap3A_765, %swap3A_766, %swap3A_767] {strides = array<i32>} : memref<2x1024x16xf32, #tpu.memory_space<vmem>>, vector<1x1x16xf32>,
        %swap3A_769 = vector.shape_cast %swap3A_768 : vector<1x1x16xf32> to vector<16xf32>
        %swap3A_770 = vector.shape_cast %add3A_764 : vector<16xf32> to vector<1x1x16xf32>
        tpu.vector_store %arg15[%swap3A_765, %swap3A_766, %swap3A_767], %swap3A_770 {strides = array<i32>} : memref<2x1024x16xf32, #tpu.memory_space<vmem>>, vector<1x1x16xf32>,
        %mul3A_771 = arith.constant 16 : i32
        %mul3A_772 = arith.muli %scan3A_645, %mul3A_771 : i32
        %add3A_773 = arith.constant 4 : i32
        %add3A_774 = arith.addi %mul3A_772, %add3A_773 : i32
        %slice3A_775 = vector.extract_strided_slice %get3A_651 {offsets = [4], sizes = [1], strides = [1]} : vector<16xf32> to vector<1xf32>
        %squeeze3A_776 = vector.extract %slice3A_775[0] : f32 from vector<1xf32>
        %get3A_777 = arith.index_cast %rem3A_427 : i32 to index
        %get3A_778 = arith.index_cast %add3A_774 : i32 to index
        %get3A_779 = arith.constant 0 : index
        %get3A_780 = tpu.vector_load %arg13[%get3A_777, %get3A_778, %get3A_779] {strides = array<i32>} : memref<2x1024x16xf32, #tpu.memory_space<vmem>>, vector<1x1x16xf32>,
        %get3A_781 = vector.shape_cast %get3A_780 : vector<1x1x16xf32> to vector<16xf32>
        %mul3A_782 = vector.broadcast %squeeze3A_776 : f32 to vector<16xf32>
        %mul3A_783 = arith.mulf %mul3A_782, %get3A_781 : vector<16xf32>
        %slice3A_784 = vector.extract_strided_slice %get3A_657 {offsets = [4], sizes = [1], strides = [1]} : vector<16xf32> to vector<1xf32>
        %squeeze3A_785 = vector.extract %slice3A_784[0] : f32 from vector<1xf32>
        %get3A_786 = arith.index_cast %rem3A_427 : i32 to index
        %get3A_787 = arith.index_cast %add3A_774 : i32 to index
        %get3A_788 = arith.constant 0 : index
        %get3A_789 = tpu.vector_load %arg14[%get3A_786, %get3A_787, %get3A_788] {strides = array<i32>} : memref<2x1024x16xf32, #tpu.memory_space<vmem>>, vector<1x1x16xf32>,
        %get3A_790 = vector.shape_cast %get3A_789 : vector<1x1x16xf32> to vector<16xf32>
        %mul3A_791 = vector.broadcast %squeeze3A_785 : f32 to vector<16xf32>
        %mul3A_792 = arith.mulf %mul3A_791, %get3A_790 : vector<16xf32>
        %add3A_793 = arith.addf %mul3A_783, %mul3A_792 : vector<16xf32>
        %swap3A_794 = arith.index_cast %rem3A_427 : i32 to index
        %swap3A_795 = arith.index_cast %add3A_774 : i32 to index
        %swap3A_796 = arith.constant 0 : index
        %swap3A_797 = tpu.vector_load %arg15[%swap3A_794, %swap3A_795, %swap3A_796] {strides = array<i32>} : memref<2x1024x16xf32, #tpu.memory_space<vmem>>, vector<1x1x16xf32>,
        %swap3A_798 = vector.shape_cast %swap3A_797 : vector<1x1x16xf32> to vector<16xf32>
        %swap3A_799 = vector.shape_cast %add3A_793 : vector<16xf32> to vector<1x1x16xf32>
        tpu.vector_store %arg15[%swap3A_794, %swap3A_795, %swap3A_796], %swap3A_799 {strides = array<i32>} : memref<2x1024x16xf32, #tpu.memory_space<vmem>>, vector<1x1x16xf32>,
        %mul3A_800 = arith.constant 16 : i32
        %mul3A_801 = arith.muli %scan3A_645, %mul3A_800 : i32
        %add3A_802 = arith.constant 5 : i32
        %add3A_803 = arith.addi %mul3A_801, %add3A_802 : i32
        %slice3A_804 = vector.extract_strided_slice %get3A_651 {offsets = [5], sizes = [1], strides = [1]} : vector<16xf32> to vector<1xf32>
        %squeeze3A_805 = vector.extract %slice3A_804[0] : f32 from vector<1xf32>
        %get3A_806 = arith.index_cast %rem3A_427 : i32 to index
        %get3A_807 = arith.index_cast %add3A_803 : i32 to index
        %get3A_808 = arith.constant 0 : index
        %get3A_809 = tpu.vector_load %arg13[%get3A_806, %get3A_807, %get3A_808] {strides = array<i32>} : memref<2x1024x16xf32, #tpu.memory_space<vmem>>, vector<1x1x16xf32>,
        %get3A_810 = vector.shape_cast %get3A_809 : vector<1x1x16xf32> to vector<16xf32>
        %mul3A_811 = vector.broadcast %squeeze3A_805 : f32 to vector<16xf32>
        %mul3A_812 = arith.mulf %mul3A_811, %get3A_810 : vector<16xf32>
        %slice3A_813 = vector.extract_strided_slice %get3A_657 {offsets = [5], sizes = [1], strides = [1]} : vector<16xf32> to vector<1xf32>
        %squeeze3A_814 = vector.extract %slice3A_813[0] : f32 from vector<1xf32>
        %get3A_815 = arith.index_cast %rem3A_427 : i32 to index
        %get3A_816 = arith.index_cast %add3A_803 : i32 to index
        %get3A_817 = arith.constant 0 : index
        %get3A_818 = tpu.vector_load %arg14[%get3A_815, %get3A_816, %get3A_817] {strides = array<i32>} : memref<2x1024x16xf32, #tpu.memory_space<vmem>>, vector<1x1x16xf32>,
        %get3A_819 = vector.shape_cast %get3A_818 : vector<1x1x16xf32> to vector<16xf32>
        %mul3A_820 = vector.broadcast %squeeze3A_814 : f32 to vector<16xf32>
        %mul3A_821 = arith.mulf %mul3A_820, %get3A_819 : vector<16xf32>
        %add3A_822 = arith.addf %mul3A_812, %mul3A_821 : vector<16xf32>
        %swap3A_823 = arith.index_cast %rem3A_427 : i32 to index
        %swap3A_824 = arith.index_cast %add3A_803 : i32 to index
        %swap3A_825 = arith.constant 0 : index
        %swap3A_826 = tpu.vector_load %arg15[%swap3A_823, %swap3A_824, %swap3A_825] {strides = array<i32>} : memref<2x1024x16xf32, #tpu.memory_space<vmem>>, vector<1x1x16xf32>,
        %swap3A_827 = vector.shape_cast %swap3A_826 : vector<1x1x16xf32> to vector<16xf32>
        %swap3A_828 = vector.shape_cast %add3A_822 : vector<16xf32> to vector<1x1x16xf32>
        tpu.vector_store %arg15[%swap3A_823, %swap3A_824, %swap3A_825], %swap3A_828 {strides = array<i32>} : memref<2x1024x16xf32, #tpu.memory_space<vmem>>, vector<1x1x16xf32>,
        %mul3A_829 = arith.constant 16 : i32
        %mul3A_830 = arith.muli %scan3A_645, %mul3A_829 : i32
        %add3A_831 = arith.constant 6 : i32
        %add3A_832 = arith.addi %mul3A_830, %add3A_831 : i32
        %slice3A_833 = vector.extract_strided_slice %get3A_651 {offsets = [6], sizes = [1], strides = [1]} : vector<16xf32> to vector<1xf32>
        %squeeze3A_834 = vector.extract %slice3A_833[0] : f32 from vector<1xf32>
        %get3A_835 = arith.index_cast %rem3A_427 : i32 to index
        %get3A_836 = arith.index_cast %add3A_832 : i32 to index
        %get3A_837 = arith.constant 0 : index
        %get3A_838 = tpu.vector_load %arg13[%get3A_835, %get3A_836, %get3A_837] {strides = array<i32>} : memref<2x1024x16xf32, #tpu.memory_space<vmem>>, vector<1x1x16xf32>,
        %get3A_839 = vector.shape_cast %get3A_838 : vector<1x1x16xf32> to vector<16xf32>
        %mul3A_840 = vector.broadcast %squeeze3A_834 : f32 to vector<16xf32>
        %mul3A_841 = arith.mulf %mul3A_840, %get3A_839 : vector<16xf32>
        %slice3A_842 = vector.extract_strided_slice %get3A_657 {offsets = [6], sizes = [1], strides = [1]} : vector<16xf32> to vector<1xf32>
        %squeeze3A_843 = vector.extract %slice3A_842[0] : f32 from vector<1xf32>
        %get3A_844 = arith.index_cast %rem3A_427 : i32 to index
        %get3A_845 = arith.index_cast %add3A_832 : i32 to index
        %get3A_846 = arith.constant 0 : index
        %get3A_847 = tpu.vector_load %arg14[%get3A_844, %get3A_845, %get3A_846] {strides = array<i32>} : memref<2x1024x16xf32, #tpu.memory_space<vmem>>, vector<1x1x16xf32>,
        %get3A_848 = vector.shape_cast %get3A_847 : vector<1x1x16xf32> to vector<16xf32>
        %mul3A_849 = vector.broadcast %squeeze3A_843 : f32 to vector<16xf32>
        %mul3A_850 = arith.mulf %mul3A_849, %get3A_848 : vector<16xf32>
        %add3A_851 = arith.addf %mul3A_841, %mul3A_850 : vector<16xf32>
        %swap3A_852 = arith.index_cast %rem3A_427 : i32 to index
        %swap3A_853 = arith.index_cast %add3A_832 : i32 to index
        %swap3A_854 = arith.constant 0 : index
        %swap3A_855 = tpu.vector_load %arg15[%swap3A_852, %swap3A_853, %swap3A_854] {strides = array<i32>} : memref<2x1024x16xf32, #tpu.memory_space<vmem>>, vector<1x1x16xf32>,
        %swap3A_856 = vector.shape_cast %swap3A_855 : vector<1x1x16xf32> to vector<16xf32>
        %swap3A_857 = vector.shape_cast %add3A_851 : vector<16xf32> to vector<1x1x16xf32>
        tpu.vector_store %arg15[%swap3A_852, %swap3A_853, %swap3A_854], %swap3A_857 {strides = array<i32>} : memref<2x1024x16xf32, #tpu.memory_space<vmem>>, vector<1x1x16xf32>,
        %mul3A_858 = arith.constant 16 : i32
        %mul3A_859 = arith.muli %scan3A_645, %mul3A_858 : i32
        %add3A_860 = arith.constant 7 : i32
        %add3A_861 = arith.addi %mul3A_859, %add3A_860 : i32
        %slice3A_862 = vector.extract_strided_slice %get3A_651 {offsets = [7], sizes = [1], strides = [1]} : vector<16xf32> to vector<1xf32>
        %squeeze3A_863 = vector.extract %slice3A_862[0] : f32 from vector<1xf32>
        %get3A_864 = arith.index_cast %rem3A_427 : i32 to index
        %get3A_865 = arith.index_cast %add3A_861 : i32 to index
        %get3A_866 = arith.constant 0 : index
        %get3A_867 = tpu.vector_load %arg13[%get3A_864, %get3A_865, %get3A_866] {strides = array<i32>} : memref<2x1024x16xf32, #tpu.memory_space<vmem>>, vector<1x1x16xf32>,
        %get3A_868 = vector.shape_cast %get3A_867 : vector<1x1x16xf32> to vector<16xf32>
        %mul3A_869 = vector.broadcast %squeeze3A_863 : f32 to vector<16xf32>
        %mul3A_870 = arith.mulf %mul3A_869, %get3A_868 : vector<16xf32>
        %slice3A_871 = vector.extract_strided_slice %get3A_657 {offsets = [7], sizes = [1], strides = [1]} : vector<16xf32> to vector<1xf32>
        %squeeze3A_872 = vector.extract %slice3A_871[0] : f32 from vector<1xf32>
        %get3A_873 = arith.index_cast %rem3A_427 : i32 to index
        %get3A_874 = arith.index_cast %add3A_861 : i32 to index
        %get3A_875 = arith.constant 0 : index
        %get3A_876 = tpu.vector_load %arg14[%get3A_873, %get3A_874, %get3A_875] {strides = array<i32>} : memref<2x1024x16xf32, #tpu.memory_space<vmem>>, vector<1x1x16xf32>,
        %get3A_877 = vector.shape_cast %get3A_876 : vector<1x1x16xf32> to vector<16xf32>
        %mul3A_878 = vector.broadcast %squeeze3A_872 : f32 to vector<16xf32>
        %mul3A_879 = arith.mulf %mul3A_878, %get3A_877 : vector<16xf32>
        %add3A_880 = arith.addf %mul3A_870, %mul3A_879 : vector<16xf32>
        %swap3A_881 = arith.index_cast %rem3A_427 : i32 to index
        %swap3A_882 = arith.index_cast %add3A_861 : i32 to index
        %swap3A_883 = arith.constant 0 : index
        %swap3A_884 = tpu.vector_load %arg15[%swap3A_881, %swap3A_882, %swap3A_883] {strides = array<i32>} : memref<2x1024x16xf32, #tpu.memory_space<vmem>>, vector<1x1x16xf32>,
        %swap3A_885 = vector.shape_cast %swap3A_884 : vector<1x1x16xf32> to vector<16xf32>
        %swap3A_886 = vector.shape_cast %add3A_880 : vector<16xf32> to vector<1x1x16xf32>
        tpu.vector_store %arg15[%swap3A_881, %swap3A_882, %swap3A_883], %swap3A_886 {strides = array<i32>} : memref<2x1024x16xf32, #tpu.memory_space<vmem>>, vector<1x1x16xf32>,
        %mul3A_887 = arith.constant 16 : i32
        %mul3A_888 = arith.muli %scan3A_645, %mul3A_887 : i32
        %add3A_889 = arith.constant 8 : i32
        %add3A_890 = arith.addi %mul3A_888, %add3A_889 : i32
        %slice3A_891 = vector.extract_strided_slice %get3A_651 {offsets = [8], sizes = [1], strides = [1]} : vector<16xf32> to vector<1xf32>
        %squeeze3A_892 = vector.extract %slice3A_891[0] : f32 from vector<1xf32>
        %get3A_893 = arith.index_cast %rem3A_427 : i32 to index
        %get3A_894 = arith.index_cast %add3A_890 : i32 to index
        %get3A_895 = arith.constant 0 : index
        %get3A_896 = tpu.vector_load %arg13[%get3A_893, %get3A_894, %get3A_895] {strides = array<i32>} : memref<2x1024x16xf32, #tpu.memory_space<vmem>>, vector<1x1x16xf32>,
        %get3A_897 = vector.shape_cast %get3A_896 : vector<1x1x16xf32> to vector<16xf32>
        %mul3A_898 = vector.broadcast %squeeze3A_892 : f32 to vector<16xf32>
        %mul3A_899 = arith.mulf %mul3A_898, %get3A_897 : vector<16xf32>
        %slice3A_900 = vector.extract_strided_slice %get3A_657 {offsets = [8], sizes = [1], strides = [1]} : vector<16xf32> to vector<1xf32>
        %squeeze3A_901 = vector.extract %slice3A_900[0] : f32 from vector<1xf32>
        %get3A_902 = arith.index_cast %rem3A_427 : i32 to index
        %get3A_903 = arith.index_cast %add3A_890 : i32 to index
        %get3A_904 = arith.constant 0 : index
        %get3A_905 = tpu.vector_load %arg14[%get3A_902, %get3A_903, %get3A_904] {strides = array<i32>} : memref<2x1024x16xf32, #tpu.memory_space<vmem>>, vector<1x1x16xf32>,
        %get3A_906 = vector.shape_cast %get3A_905 : vector<1x1x16xf32> to vector<16xf32>
        %mul3A_907 = vector.broadcast %squeeze3A_901 : f32 to vector<16xf32>
        %mul3A_908 = arith.mulf %mul3A_907, %get3A_906 : vector<16xf32>
        %add3A_909 = arith.addf %mul3A_899, %mul3A_908 : vector<16xf32>
        %swap3A_910 = arith.index_cast %rem3A_427 : i32 to index
        %swap3A_911 = arith.index_cast %add3A_890 : i32 to index
        %swap3A_912 = arith.constant 0 : index
        %swap3A_913 = tpu.vector_load %arg15[%swap3A_910, %swap3A_911, %swap3A_912] {strides = array<i32>} : memref<2x1024x16xf32, #tpu.memory_space<vmem>>, vector<1x1x16xf32>,
        %swap3A_914 = vector.shape_cast %swap3A_913 : vector<1x1x16xf32> to vector<16xf32>
        %swap3A_915 = vector.shape_cast %add3A_909 : vector<16xf32> to vector<1x1x16xf32>
        tpu.vector_store %arg15[%swap3A_910, %swap3A_911, %swap3A_912], %swap3A_915 {strides = array<i32>} : memref<2x1024x16xf32, #tpu.memory_space<vmem>>, vector<1x1x16xf32>,
        %mul3A_916 = arith.constant 16 : i32
        %mul3A_917 = arith.muli %scan3A_645, %mul3A_916 : i32
        %add3A_918 = arith.constant 9 : i32
        %add3A_919 = arith.addi %mul3A_917, %add3A_918 : i32
        %slice3A_920 = vector.extract_strided_slice %get3A_651 {offsets = [9], sizes = [1], strides = [1]} : vector<16xf32> to vector<1xf32>
        %squeeze3A_921 = vector.extract %slice3A_920[0] : f32 from vector<1xf32>
        %get3A_922 = arith.index_cast %rem3A_427 : i32 to index
        %get3A_923 = arith.index_cast %add3A_919 : i32 to index
        %get3A_924 = arith.constant 0 : index
        %get3A_925 = tpu.vector_load %arg13[%get3A_922, %get3A_923, %get3A_924] {strides = array<i32>} : memref<2x1024x16xf32, #tpu.memory_space<vmem>>, vector<1x1x16xf32>,
        %get3A_926 = vector.shape_cast %get3A_925 : vector<1x1x16xf32> to vector<16xf32>
        %mul3A_927 = vector.broadcast %squeeze3A_921 : f32 to vector<16xf32>
        %mul3A_928 = arith.mulf %mul3A_927, %get3A_926 : vector<16xf32>
        %slice3A_929 = vector.extract_strided_slice %get3A_657 {offsets = [9], sizes = [1], strides = [1]} : vector<16xf32> to vector<1xf32>
        %squeeze3A_930 = vector.extract %slice3A_929[0] : f32 from vector<1xf32>
        %get3A_931 = arith.index_cast %rem3A_427 : i32 to index
        %get3A_932 = arith.index_cast %add3A_919 : i32 to index
        %get3A_933 = arith.constant 0 : index
        %get3A_934 = tpu.vector_load %arg14[%get3A_931, %get3A_932, %get3A_933] {strides = array<i32>} : memref<2x1024x16xf32, #tpu.memory_space<vmem>>, vector<1x1x16xf32>,
        %get3A_935 = vector.shape_cast %get3A_934 : vector<1x1x16xf32> to vector<16xf32>
        %mul3A_936 = vector.broadcast %squeeze3A_930 : f32 to vector<16xf32>
        %mul3A_937 = arith.mulf %mul3A_936, %get3A_935 : vector<16xf32>
        %add3A_938 = arith.addf %mul3A_928, %mul3A_937 : vector<16xf32>
        %swap3A_939 = arith.index_cast %rem3A_427 : i32 to index
        %swap3A_940 = arith.index_cast %add3A_919 : i32 to index
        %swap3A_941 = arith.constant 0 : index
        %swap3A_942 = tpu.vector_load %arg15[%swap3A_939, %swap3A_940, %swap3A_941] {strides = array<i32>} : memref<2x1024x16xf32, #tpu.memory_space<vmem>>, vector<1x1x16xf32>,
        %swap3A_943 = vector.shape_cast %swap3A_942 : vector<1x1x16xf32> to vector<16xf32>
        %swap3A_944 = vector.shape_cast %add3A_938 : vector<16xf32> to vector<1x1x16xf32>
        tpu.vector_store %arg15[%swap3A_939, %swap3A_940, %swap3A_941], %swap3A_944 {strides = array<i32>} : memref<2x1024x16xf32, #tpu.memory_space<vmem>>, vector<1x1x16xf32>,
        %mul3A_945 = arith.constant 16 : i32
        %mul3A_946 = arith.muli %scan3A_645, %mul3A_945 : i32
        %add3A_947 = arith.constant 10 : i32
        %add3A_948 = arith.addi %mul3A_946, %add3A_947 : i32
        %slice3A_949 = vector.extract_strided_slice %get3A_651 {offsets = [10], sizes = [1], strides = [1]} : vector<16xf32> to vector<1xf32>
        %squeeze3A_950 = vector.extract %slice3A_949[0] : f32 from vector<1xf32>
        %get3A_951 = arith.index_cast %rem3A_427 : i32 to index
        %get3A_952 = arith.index_cast %add3A_948 : i32 to index
        %get3A_953 = arith.constant 0 : index
        %get3A_954 = tpu.vector_load %arg13[%get3A_951, %get3A_952, %get3A_953] {strides = array<i32>} : memref<2x1024x16xf32, #tpu.memory_space<vmem>>, vector<1x1x16xf32>,
        %get3A_955 = vector.shape_cast %get3A_954 : vector<1x1x16xf32> to vector<16xf32>
        %mul3A_956 = vector.broadcast %squeeze3A_950 : f32 to vector<16xf32>
        %mul3A_957 = arith.mulf %mul3A_956, %get3A_955 : vector<16xf32>
        %slice3A_958 = vector.extract_strided_slice %get3A_657 {offsets = [10], sizes = [1], strides = [1]} : vector<16xf32> to vector<1xf32>
        %squeeze3A_959 = vector.extract %slice3A_958[0] : f32 from vector<1xf32>
        %get3A_960 = arith.index_cast %rem3A_427 : i32 to index
        %get3A_961 = arith.index_cast %add3A_948 : i32 to index
        %get3A_962 = arith.constant 0 : index
        %get3A_963 = tpu.vector_load %arg14[%get3A_960, %get3A_961, %get3A_962] {strides = array<i32>} : memref<2x1024x16xf32, #tpu.memory_space<vmem>>, vector<1x1x16xf32>,
        %get3A_964 = vector.shape_cast %get3A_963 : vector<1x1x16xf32> to vector<16xf32>
        %mul3A_965 = vector.broadcast %squeeze3A_959 : f32 to vector<16xf32>
        %mul3A_966 = arith.mulf %mul3A_965, %get3A_964 : vector<16xf32>
        %add3A_967 = arith.addf %mul3A_957, %mul3A_966 : vector<16xf32>
        %swap3A_968 = arith.index_cast %rem3A_427 : i32 to index
        %swap3A_969 = arith.index_cast %add3A_948 : i32 to index
        %swap3A_970 = arith.constant 0 : index
        %swap3A_971 = tpu.vector_load %arg15[%swap3A_968, %swap3A_969, %swap3A_970] {strides = array<i32>} : memref<2x1024x16xf32, #tpu.memory_space<vmem>>, vector<1x1x16xf32>,
        %swap3A_972 = vector.shape_cast %swap3A_971 : vector<1x1x16xf32> to vector<16xf32>
        %swap3A_973 = vector.shape_cast %add3A_967 : vector<16xf32> to vector<1x1x16xf32>
        tpu.vector_store %arg15[%swap3A_968, %swap3A_969, %swap3A_970], %swap3A_973 {strides = array<i32>} : memref<2x1024x16xf32, #tpu.memory_space<vmem>>, vector<1x1x16xf32>,
        %mul3A_974 = arith.constant 16 : i32
        %mul3A_975 = arith.muli %scan3A_645, %mul3A_974 : i32
        %add3A_976 = arith.constant 11 : i32
        %add3A_977 = arith.addi %mul3A_975, %add3A_976 : i32
        %slice3A_978 = vector.extract_strided_slice %get3A_651 {offsets = [11], sizes = [1], strides = [1]} : vector<16xf32> to vector<1xf32>
        %squeeze3A_979 = vector.extract %slice3A_978[0] : f32 from vector<1xf32>
        %get3A_980 = arith.index_cast %rem3A_427 : i32 to index
        %get3A_981 = arith.index_cast %add3A_977 : i32 to index
        %get3A_982 = arith.constant 0 : index
        %get3A_983 = tpu.vector_load %arg13[%get3A_980, %get3A_981, %get3A_982] {strides = array<i32>} : memref<2x1024x16xf32, #tpu.memory_space<vmem>>, vector<1x1x16xf32>,
        %get3A_984 = vector.shape_cast %get3A_983 : vector<1x1x16xf32> to vector<16xf32>
        %mul3A_985 = vector.broadcast %squeeze3A_979 : f32 to vector<16xf32>
        %mul3A_986 = arith.mulf %mul3A_985, %get3A_984 : vector<16xf32>
        %slice3A_987 = vector.extract_strided_slice %get3A_657 {offsets = [11], sizes = [1], strides = [1]} : vector<16xf32> to vector<1xf32>
        %squeeze3A_988 = vector.extract %slice3A_987[0] : f32 from vector<1xf32>
        %get3A_989 = arith.index_cast %rem3A_427 : i32 to index
        %get3A_990 = arith.index_cast %add3A_977 : i32 to index
        %get3A_991 = arith.constant 0 : index
        %get3A_992 = tpu.vector_load %arg14[%get3A_989, %get3A_990, %get3A_991] {strides = array<i32>} : memref<2x1024x16xf32, #tpu.memory_space<vmem>>, vector<1x1x16xf32>,
        %get3A_993 = vector.shape_cast %get3A_992 : vector<1x1x16xf32> to vector<16xf32>
        %mul3A_994 = vector.broadcast %squeeze3A_988 : f32 to vector<16xf32>
        %mul3A_995 = arith.mulf %mul3A_994, %get3A_993 : vector<16xf32>
        %add3A_996 = arith.addf %mul3A_986, %mul3A_995 : vector<16xf32>
        %swap3A_997 = arith.index_cast %rem3A_427 : i32 to index
        %swap3A_998 = arith.index_cast %add3A_977 : i32 to index
        %swap3A_999 = arith.constant 0 : index
        %swap3A_1000 = tpu.vector_load %arg15[%swap3A_997, %swap3A_998, %swap3A_999] {strides = array<i32>} : memref<2x1024x16xf32, #tpu.memory_space<vmem>>, vector<1x1x16xf32>,
        %swap3A_1001 = vector.shape_cast %swap3A_1000 : vector<1x1x16xf32> to vector<16xf32>
        %swap3A_1002 = vector.shape_cast %add3A_996 : vector<16xf32> to vector<1x1x16xf32>
        tpu.vector_store %arg15[%swap3A_997, %swap3A_998, %swap3A_999], %swap3A_1002 {strides = array<i32>} : memref<2x1024x16xf32, #tpu.memory_space<vmem>>, vector<1x1x16xf32>,
        %mul3A_1003 = arith.constant 16 : i32
        %mul3A_1004 = arith.muli %scan3A_645, %mul3A_1003 : i32
        %add3A_1005 = arith.constant 12 : i32
        %add3A_1006 = arith.addi %mul3A_1004, %add3A_1005 : i32
        %slice3A_1007 = vector.extract_strided_slice %get3A_651 {offsets = [12], sizes = [1], strides = [1]} : vector<16xf32> to vector<1xf32>
        %squeeze3A_1008 = vector.extract %slice3A_1007[0] : f32 from vector<1xf32>
        %get3A_1009 = arith.index_cast %rem3A_427 : i32 to index
        %get3A_1010 = arith.index_cast %add3A_1006 : i32 to index
        %get3A_1011 = arith.constant 0 : index
        %get3A_1012 = tpu.vector_load %arg13[%get3A_1009, %get3A_1010, %get3A_1011] {strides = array<i32>} : memref<2x1024x16xf32, #tpu.memory_space<vmem>>, vector<1x1x16xf32>,
        %get3A_1013 = vector.shape_cast %get3A_1012 : vector<1x1x16xf32> to vector<16xf32>
        %mul3A_1014 = vector.broadcast %squeeze3A_1008 : f32 to vector<16xf32>
        %mul3A_1015 = arith.mulf %mul3A_1014, %get3A_1013 : vector<16xf32>
        %slice3A_1016 = vector.extract_strided_slice %get3A_657 {offsets = [12], sizes = [1], strides = [1]} : vector<16xf32> to vector<1xf32>
        %squeeze3A_1017 = vector.extract %slice3A_1016[0] : f32 from vector<1xf32>
        %get3A_1018 = arith.index_cast %rem3A_427 : i32 to index
        %get3A_1019 = arith.index_cast %add3A_1006 : i32 to index
        %get3A_1020 = arith.constant 0 : index
        %get3A_1021 = tpu.vector_load %arg14[%get3A_1018, %get3A_1019, %get3A_1020] {strides = array<i32>} : memref<2x1024x16xf32, #tpu.memory_space<vmem>>, vector<1x1x16xf32>,
        %get3A_1022 = vector.shape_cast %get3A_1021 : vector<1x1x16xf32> to vector<16xf32>
        %mul3A_1023 = vector.broadcast %squeeze3A_1017 : f32 to vector<16xf32>
        %mul3A_1024 = arith.mulf %mul3A_1023, %get3A_1022 : vector<16xf32>
        %add3A_1025 = arith.addf %mul3A_1015, %mul3A_1024 : vector<16xf32>
        %swap3A_1026 = arith.index_cast %rem3A_427 : i32 to index
        %swap3A_1027 = arith.index_cast %add3A_1006 : i32 to index
        %swap3A_1028 = arith.constant 0 : index
        %swap3A_1029 = tpu.vector_load %arg15[%swap3A_1026, %swap3A_1027, %swap3A_1028] {strides = array<i32>} : memref<2x1024x16xf32, #tpu.memory_space<vmem>>, vector<1x1x16xf32>,
        %swap3A_1030 = vector.shape_cast %swap3A_1029 : vector<1x1x16xf32> to vector<16xf32>
        %swap3A_1031 = vector.shape_cast %add3A_1025 : vector<16xf32> to vector<1x1x16xf32>
        tpu.vector_store %arg15[%swap3A_1026, %swap3A_1027, %swap3A_1028], %swap3A_1031 {strides = array<i32>} : memref<2x1024x16xf32, #tpu.memory_space<vmem>>, vector<1x1x16xf32>,
        %mul3A_1032 = arith.constant 16 : i32
        %mul3A_1033 = arith.muli %scan3A_645, %mul3A_1032 : i32
        %add3A_1034 = arith.constant 13 : i32
        %add3A_1035 = arith.addi %mul3A_1033, %add3A_1034 : i32
        %slice3A_1036 = vector.extract_strided_slice %get3A_651 {offsets = [13], sizes = [1], strides = [1]} : vector<16xf32> to vector<1xf32>
        %squeeze3A_1037 = vector.extract %slice3A_1036[0] : f32 from vector<1xf32>
        %get3A_1038 = arith.index_cast %rem3A_427 : i32 to index
        %get3A_1039 = arith.index_cast %add3A_1035 : i32 to index
        %get3A_1040 = arith.constant 0 : index
        %get3A_1041 = tpu.vector_load %arg13[%get3A_1038, %get3A_1039, %get3A_1040] {strides = array<i32>} : memref<2x1024x16xf32, #tpu.memory_space<vmem>>, vector<1x1x16xf32>,
        %get3A_1042 = vector.shape_cast %get3A_1041 : vector<1x1x16xf32> to vector<16xf32>
        %mul3A_1043 = vector.broadcast %squeeze3A_1037 : f32 to vector<16xf32>
        %mul3A_1044 = arith.mulf %mul3A_1043, %get3A_1042 : vector<16xf32>
        %slice3A_1045 = vector.extract_strided_slice %get3A_657 {offsets = [13], sizes = [1], strides = [1]} : vector<16xf32> to vector<1xf32>
        %squeeze3A_1046 = vector.extract %slice3A_1045[0] : f32 from vector<1xf32>
        %get3A_1047 = arith.index_cast %rem3A_427 : i32 to index
        %get3A_1048 = arith.index_cast %add3A_1035 : i32 to index
        %get3A_1049 = arith.constant 0 : index
        %get3A_1050 = tpu.vector_load %arg14[%get3A_1047, %get3A_1048, %get3A_1049] {strides = array<i32>} : memref<2x1024x16xf32, #tpu.memory_space<vmem>>, vector<1x1x16xf32>,
        %get3A_1051 = vector.shape_cast %get3A_1050 : vector<1x1x16xf32> to vector<16xf32>
        %mul3A_1052 = vector.broadcast %squeeze3A_1046 : f32 to vector<16xf32>
        %mul3A_1053 = arith.mulf %mul3A_1052, %get3A_1051 : vector<16xf32>
        %add3A_1054 = arith.addf %mul3A_1044, %mul3A_1053 : vector<16xf32>
        %swap3A_1055 = arith.index_cast %rem3A_427 : i32 to index
        %swap3A_1056 = arith.index_cast %add3A_1035 : i32 to index
        %swap3A_1057 = arith.constant 0 : index
        %swap3A_1058 = tpu.vector_load %arg15[%swap3A_1055, %swap3A_1056, %swap3A_1057] {strides = array<i32>} : memref<2x1024x16xf32, #tpu.memory_space<vmem>>, vector<1x1x16xf32>,
        %swap3A_1059 = vector.shape_cast %swap3A_1058 : vector<1x1x16xf32> to vector<16xf32>
        %swap3A_1060 = vector.shape_cast %add3A_1054 : vector<16xf32> to vector<1x1x16xf32>
        tpu.vector_store %arg15[%swap3A_1055, %swap3A_1056, %swap3A_1057], %swap3A_1060 {strides = array<i32>} : memref<2x1024x16xf32, #tpu.memory_space<vmem>>, vector<1x1x16xf32>,
        %mul3A_1061 = arith.constant 16 : i32
        %mul3A_1062 = arith.muli %scan3A_645, %mul3A_1061 : i32
        %add3A_1063 = arith.constant 14 : i32
        %add3A_1064 = arith.addi %mul3A_1062, %add3A_1063 : i32
        %slice3A_1065 = vector.extract_strided_slice %get3A_651 {offsets = [14], sizes = [1], strides = [1]} : vector<16xf32> to vector<1xf32>
        %squeeze3A_1066 = vector.extract %slice3A_1065[0] : f32 from vector<1xf32>
        %get3A_1067 = arith.index_cast %rem3A_427 : i32 to index
        %get3A_1068 = arith.index_cast %add3A_1064 : i32 to index
        %get3A_1069 = arith.constant 0 : index
        %get3A_1070 = tpu.vector_load %arg13[%get3A_1067, %get3A_1068, %get3A_1069] {strides = array<i32>} : memref<2x1024x16xf32, #tpu.memory_space<vmem>>, vector<1x1x16xf32>,
        %get3A_1071 = vector.shape_cast %get3A_1070 : vector<1x1x16xf32> to vector<16xf32>
        %mul3A_1072 = vector.broadcast %squeeze3A_1066 : f32 to vector<16xf32>
        %mul3A_1073 = arith.mulf %mul3A_1072, %get3A_1071 : vector<16xf32>
        %slice3A_1074 = vector.extract_strided_slice %get3A_657 {offsets = [14], sizes = [1], strides = [1]} : vector<16xf32> to vector<1xf32>
        %squeeze3A_1075 = vector.extract %slice3A_1074[0] : f32 from vector<1xf32>
        %get3A_1076 = arith.index_cast %rem3A_427 : i32 to index
        %get3A_1077 = arith.index_cast %add3A_1064 : i32 to index
        %get3A_1078 = arith.constant 0 : index
        %get3A_1079 = tpu.vector_load %arg14[%get3A_1076, %get3A_1077, %get3A_1078] {strides = array<i32>} : memref<2x1024x16xf32, #tpu.memory_space<vmem>>, vector<1x1x16xf32>,
        %get3A_1080 = vector.shape_cast %get3A_1079 : vector<1x1x16xf32> to vector<16xf32>
        %mul3A_1081 = vector.broadcast %squeeze3A_1075 : f32 to vector<16xf32>
        %mul3A_1082 = arith.mulf %mul3A_1081, %get3A_1080 : vector<16xf32>
        %add3A_1083 = arith.addf %mul3A_1073, %mul3A_1082 : vector<16xf32>
        %swap3A_1084 = arith.index_cast %rem3A_427 : i32 to index
        %swap3A_1085 = arith.index_cast %add3A_1064 : i32 to index
        %swap3A_1086 = arith.constant 0 : index
        %swap3A_1087 = tpu.vector_load %arg15[%swap3A_1084, %swap3A_1085, %swap3A_1086] {strides = array<i32>} : memref<2x1024x16xf32, #tpu.memory_space<vmem>>, vector<1x1x16xf32>,
        %swap3A_1088 = vector.shape_cast %swap3A_1087 : vector<1x1x16xf32> to vector<16xf32>
        %swap3A_1089 = vector.shape_cast %add3A_1083 : vector<16xf32> to vector<1x1x16xf32>
        tpu.vector_store %arg15[%swap3A_1084, %swap3A_1085, %swap3A_1086], %swap3A_1089 {strides = array<i32>} : memref<2x1024x16xf32, #tpu.memory_space<vmem>>, vector<1x1x16xf32>,
        %mul3A_1090 = arith.constant 16 : i32
        %mul3A_1091 = arith.muli %scan3A_645, %mul3A_1090 : i32
        %add3A_1092 = arith.constant 15 : i32
        %add3A_1093 = arith.addi %mul3A_1091, %add3A_1092 : i32
        %slice3A_1094 = vector.extract_strided_slice %get3A_651 {offsets = [15], sizes = [1], strides = [1]} : vector<16xf32> to vector<1xf32>
        %squeeze3A_1095 = vector.extract %slice3A_1094[0] : f32 from vector<1xf32>
        %get3A_1096 = arith.index_cast %rem3A_427 : i32 to index
        %get3A_1097 = arith.index_cast %add3A_1093 : i32 to index
        %get3A_1098 = arith.constant 0 : index
        %get3A_1099 = tpu.vector_load %arg13[%get3A_1096, %get3A_1097, %get3A_1098] {strides = array<i32>} : memref<2x1024x16xf32, #tpu.memory_space<vmem>>, vector<1x1x16xf32>,
        %get3A_1100 = vector.shape_cast %get3A_1099 : vector<1x1x16xf32> to vector<16xf32>
        %mul3A_1101 = vector.broadcast %squeeze3A_1095 : f32 to vector<16xf32>
        %mul3A_1102 = arith.mulf %mul3A_1101, %get3A_1100 : vector<16xf32>
        %slice3A_1103 = vector.extract_strided_slice %get3A_657 {offsets = [15], sizes = [1], strides = [1]} : vector<16xf32> to vector<1xf32>
        %squeeze3A_1104 = vector.extract %slice3A_1103[0] : f32 from vector<1xf32>
        %get3A_1105 = arith.index_cast %rem3A_427 : i32 to index
        %get3A_1106 = arith.index_cast %add3A_1093 : i32 to index
        %get3A_1107 = arith.constant 0 : index
        %get3A_1108 = tpu.vector_load %arg14[%get3A_1105, %get3A_1106, %get3A_1107] {strides = array<i32>} : memref<2x1024x16xf32, #tpu.memory_space<vmem>>, vector<1x1x16xf32>,
        %get3A_1109 = vector.shape_cast %get3A_1108 : vector<1x1x16xf32> to vector<16xf32>
        %mul3A_1110 = vector.broadcast %squeeze3A_1104 : f32 to vector<16xf32>
        %mul3A_1111 = arith.mulf %mul3A_1110, %get3A_1109 : vector<16xf32>
        %add3A_1112 = arith.addf %mul3A_1102, %mul3A_1111 : vector<16xf32>
        %swap3A_1113 = arith.index_cast %rem3A_427 : i32 to index
        %swap3A_1114 = arith.index_cast %add3A_1093 : i32 to index
        %swap3A_1115 = arith.constant 0 : index
        %swap3A_1116 = tpu.vector_load %arg15[%swap3A_1113, %swap3A_1114, %swap3A_1115] {strides = array<i32>} : memref<2x1024x16xf32, #tpu.memory_space<vmem>>, vector<1x1x16xf32>,
        %swap3A_1117 = vector.shape_cast %swap3A_1116 : vector<1x1x16xf32> to vector<16xf32>
        %swap3A_1118 = vector.shape_cast %add3A_1112 : vector<16xf32> to vector<1x1x16xf32>
        tpu.vector_store %arg15[%swap3A_1113, %swap3A_1114, %swap3A_1115], %swap3A_1118 {strides = array<i32>} : memref<2x1024x16xf32, #tpu.memory_space<vmem>>, vector<1x1x16xf32>,
        %scan3A_1119 = arith.constant 0 : i32
        scf.yield %scan3A_1119 : i32
      }
      %scan3A_624 = arith.constant 64 : i32
      %dma_start3A_625 = arith.constant 0 : i32
      %dma_start3A_626 = arith.constant 0 : i32
      %dma_start3A_627 = tpu.memref_slice %arg15[%rem3A_427, %dma_start3A_625, %dma_start3A_626] : memref<2x1024x16xf32, #tpu.memory_space<vmem>> -> memref<1x1024x16xf32, #tpu.memory_space<vmem>>
      %dma_start3A_628 = tpu.memref_squeeze %dma_start3A_627 : memref<1x1024x16xf32, #tpu.memory_space<vmem>> -> memref<1024x16xf32, #tpu.memory_space<vmem>>
      %dma_start3A_629 = arith.constant 0 : i32
      %dma_start3A_630 = tpu.memref_slice %arg8[%multiple_of3A_433, %dma_start3A_629] : memref<1605632x16xf32, #tpu.memory_space<hbm>> -> memref<1024x16xf32, #tpu.memory_space<hbm>>
      %dma_start3A_631 = arith.constant 0 : i32
      %dma_start3A_632 = tpu.memref_slice %arg8[%multiple_of3A_433, %dma_start3A_631] : memref<1605632x16xf32, #tpu.memory_space<hbm>> -> memref<1024x16xf32, #tpu.memory_space<hbm>>
      %dma_start3A_633 = arith.constant 0 : i32
      %dma_start3A_634 = arith.constant 0 : i32
      %dma_start3A_635 = tpu.memref_slice %arg15[%rem3A_427, %dma_start3A_633, %dma_start3A_634] : memref<2x1024x16xf32, #tpu.memory_space<vmem>> -> memref<1x1024x16xf32, #tpu.memory_space<vmem>>
      %dma_start3A_636 = tpu.memref_squeeze %dma_start3A_635 : memref<1x1024x16xf32, #tpu.memory_space<vmem>> -> memref<1024x16xf32, #tpu.memory_space<vmem>>
      tpu.enqueue_dma source(%dma_start3A_636 : memref<1024x16xf32, #tpu.memory_space<vmem>>) target(%dma_start3A_632 : memref<1024x16xf32, #tpu.memory_space<hbm>>) target_semaphore(%arg18 : memref<!tpu.dma_semaphore, #tpu.memory_space<semaphore_mem>>)
      %add3A_637 = arith.constant 2 : i32
      %add3A_638 = arith.addi %scan3A_424, %add3A_637 : i32
      %lt3A_639 = arith.constant 49 : i32
      %lt3A_640 = arith.cmpi slt, %add3A_638, %lt3A_639 : i32
      %convert_element_type3A_641 = arith.extui %lt3A_640 : i1 to i32
      %cond3A_642 = arith.constant 0 : i32
      %cond3A_643 = arith.cmpi ne, %convert_element_type3A_641, %cond3A_642 : i32
      scf.if %cond3A_643 {
        %add3A_645 = arith.constant 2 : i32
        %add3A_646 = arith.addi %scan3A_424, %add3A_645 : i32
        %mul3A_647 = arith.constant 1024 : i32
        %mul3A_648 = arith.muli %add3A_646, %mul3A_647 : i32
        %add3A_649 = arith.addi %mul3A_2, %mul3A_648 : i32
        %multiple_of3A_650 = tpu.assume_multiple %add3A_649, 1024 : i32
        %jit3A_651 = arith.constant 128 : i32
        %div3A_652 = arith.divsi %multiple_of3A_650, %jit3A_651 : i32
        %sign3A_653 = arith.constant 0 : i32
        %sign3A_654 = arith.cmpi sgt, %multiple_of3A_650, %sign3A_653 : i32
        %sign3A_655 = arith.extui %sign3A_654 : i1 to i32
        %sign3A_656 = arith.constant 0 : i32
        %sign3A_657 = arith.cmpi slt, %multiple_of3A_650, %sign3A_656 : i32
        %sign3A_658 = arith.extui %sign3A_657 : i1 to i32
        %sign3A_659 = arith.subi %sign3A_655, %sign3A_658 : i32
        %sign3A_660 = arith.constant 0 : i32
        %sign3A_661 = arith.cmpi sgt, %jit3A_651, %sign3A_660 : i32
        %sign3A_662 = arith.extui %sign3A_661 : i1 to i32
        %sign3A_663 = arith.constant 0 : i32
        %sign3A_664 = arith.cmpi slt, %jit3A_651, %sign3A_663 : i32
        %sign3A_665 = arith.extui %sign3A_664 : i1 to i32
        %sign3A_666 = arith.subi %sign3A_662, %sign3A_665 : i32
        %ne3A_667 = arith.cmpi ne, %sign3A_659, %sign3A_666 : i32
        %rem3A_668 = arith.remsi %multiple_of3A_650, %jit3A_651 : i32
        %ne3A_669 = arith.constant 0 : i32
        %ne3A_670 = arith.cmpi ne, %rem3A_668, %ne3A_669 : i32
        %and3A_671 = arith.andi %ne3A_667, %ne3A_670 : i1
        %sub3A_672 = arith.constant 1 : i32
        %sub3A_673 = arith.subi %div3A_652, %sub3A_672 : i32
        %select_n3A_674 = arith.select %and3A_671, %sub3A_673, %div3A_652 : i32
        %multiple_of3A_675 = tpu.assume_multiple %select_n3A_674, 8 : i32
        %dma_start3A_676 = arith.constant 0 : i32
        %dma_start3A_677 = arith.constant 0 : i32
        %dma_start3A_678 = tpu.memref_slice %arg9[%rem3A_427, %dma_start3A_676, %dma_start3A_677] : memref<2x8x128xi32, #tpu.memory_space<vmem>> -> memref<1x8x128xi32, #tpu.memory_space<vmem>>
        %dma_start3A_679 = tpu.memref_squeeze %dma_start3A_678 : memref<1x8x128xi32, #tpu.memory_space<vmem>> -> memref<8x128xi32, #tpu.memory_space<vmem>>
        %dma_start3A_680 = arith.constant 0 : i32
        %dma_start3A_681 = tpu.memref_slice %arg4[%multiple_of3A_675, %dma_start3A_680] : memref<12544x128xi32, #tpu.memory_space<hbm>> -> memref<8x128xi32, #tpu.memory_space<hbm>>
        %dma_start3A_682 = arith.constant 0 : i32
        %dma_start3A_683 = arith.constant 0 : i32
        %dma_start3A_684 = tpu.memref_slice %arg9[%rem3A_427, %dma_start3A_682, %dma_start3A_683] : memref<2x8x128xi32, #tpu.memory_space<vmem>> -> memref<1x8x128xi32, #tpu.memory_space<vmem>>
        %dma_start3A_685 = tpu.memref_squeeze %dma_start3A_684 : memref<1x8x128xi32, #tpu.memory_space<vmem>> -> memref<8x128xi32, #tpu.memory_space<vmem>>
        %dma_start3A_686 = arith.constant 0 : i32
        %dma_start3A_687 = tpu.memref_slice %arg4[%multiple_of3A_675, %dma_start3A_686] : memref<12544x128xi32, #tpu.memory_space<hbm>> -> memref<8x128xi32, #tpu.memory_space<hbm>>
        tpu.enqueue_dma source(%dma_start3A_687 : memref<8x128xi32, #tpu.memory_space<hbm>>) target(%dma_start3A_685 : memref<8x128xi32, #tpu.memory_space<vmem>>) target_semaphore(%arg16 : memref<!tpu.dma_semaphore, #tpu.memory_space<semaphore_mem>>)
        %dma_start3A_688 = arith.constant 0 : i32
        %dma_start3A_689 = arith.constant 0 : i32
        %dma_start3A_690 = tpu.memref_slice %arg10[%rem3A_427, %dma_start3A_688, %dma_start3A_689] : memref<2x8x128xi32, #tpu.memory_space<vmem>> -> memref<1x8x128xi32, #tpu.memory_space<vmem>>
        %dma_start3A_691 = tpu.memref_squeeze %dma_start3A_690 : memref<1x8x128xi32, #tpu.memory_space<vmem>> -> memref<8x128xi32, #tpu.memory_space<vmem>>
        %dma_start3A_692 = arith.constant 0 : i32
        %dma_start3A_693 = tpu.memref_slice %arg5[%multiple_of3A_675, %dma_start3A_692] : memref<12544x128xi32, #tpu.memory_space<hbm>> -> memref<8x128xi32, #tpu.memory_space<hbm>>
        %dma_start3A_694 = arith.constant 0 : i32
        %dma_start3A_695 = arith.constant 0 : i32
        %dma_start3A_696 = tpu.memref_slice %arg10[%rem3A_427, %dma_start3A_694, %dma_start3A_695] : memref<2x8x128xi32, #tpu.memory_space<vmem>> -> memref<1x8x128xi32, #tpu.memory_space<vmem>>
        %dma_start3A_697 = tpu.memref_squeeze %dma_start3A_696 : memref<1x8x128xi32, #tpu.memory_space<vmem>> -> memref<8x128xi32, #tpu.memory_space<vmem>>
        %dma_start3A_698 = arith.constant 0 : i32
        %dma_start3A_699 = tpu.memref_slice %arg5[%multiple_of3A_675, %dma_start3A_698] : memref<12544x128xi32, #tpu.memory_space<hbm>> -> memref<8x128xi32, #tpu.memory_space<hbm>>
        tpu.enqueue_dma source(%dma_start3A_699 : memref<8x128xi32, #tpu.memory_space<hbm>>) target(%dma_start3A_697 : memref<8x128xi32, #tpu.memory_space<vmem>>) target_semaphore(%arg16 : memref<!tpu.dma_semaphore, #tpu.memory_space<semaphore_mem>>)
        %dma_start3A_700 = arith.constant 0 : i32
        %dma_start3A_701 = tpu.memref_slice %arg11[%rem3A_427, %dma_start3A_700] : memref<2x1024xf32, #tpu.memory_space<vmem>> -> memref<1x1024xf32, #tpu.memory_space<vmem>>
        %dma_start3A_702 = tpu.memref_squeeze %dma_start3A_701 : memref<1x1024xf32, #tpu.memory_space<vmem>> -> memref<1024xf32, #tpu.memory_space<vmem>>
        %dma_start3A_703 = tpu.memref_slice %arg6[%multiple_of3A_650] : memref<1605632xf32, #tpu.memory_space<hbm>> -> memref<1024xf32, #tpu.memory_space<hbm>>
        %dma_start3A_704 = arith.constant 0 : i32
        %dma_start3A_705 = tpu.memref_slice %arg11[%rem3A_427, %dma_start3A_704] : memref<2x1024xf32, #tpu.memory_space<vmem>> -> memref<1x1024xf32, #tpu.memory_space<vmem>>
        %dma_start3A_706 = tpu.memref_squeeze %dma_start3A_705 : memref<1x1024xf32, #tpu.memory_space<vmem>> -> memref<1024xf32, #tpu.memory_space<vmem>>
        %dma_start3A_707 = tpu.memref_slice %arg6[%multiple_of3A_650] : memref<1605632xf32, #tpu.memory_space<hbm>> -> memref<1024xf32, #tpu.memory_space<hbm>>
        tpu.enqueue_dma source(%dma_start3A_707 : memref<1024xf32, #tpu.memory_space<hbm>>) target(%dma_start3A_706 : memref<1024xf32, #tpu.memory_space<vmem>>) target_semaphore(%arg16 : memref<!tpu.dma_semaphore, #tpu.memory_space<semaphore_mem>>)
        %dma_start3A_708 = arith.constant 0 : i32
        %dma_start3A_709 = tpu.memref_slice %arg12[%rem3A_427, %dma_start3A_708] : memref<2x1024xf32, #tpu.memory_space<vmem>> -> memref<1x1024xf32, #tpu.memory_space<vmem>>
        %dma_start3A_710 = tpu.memref_squeeze %dma_start3A_709 : memref<1x1024xf32, #tpu.memory_space<vmem>> -> memref<1024xf32, #tpu.memory_space<vmem>>
        %dma_start3A_711 = tpu.memref_slice %arg7[%multiple_of3A_650] : memref<1605632xf32, #tpu.memory_space<hbm>> -> memref<1024xf32, #tpu.memory_space<hbm>>
        %dma_start3A_712 = arith.constant 0 : i32
        %dma_start3A_713 = tpu.memref_slice %arg12[%rem3A_427, %dma_start3A_712] : memref<2x1024xf32, #tpu.memory_space<vmem>> -> memref<1x1024xf32, #tpu.memory_space<vmem>>
        %dma_start3A_714 = tpu.memref_squeeze %dma_start3A_713 : memref<1x1024xf32, #tpu.memory_space<vmem>> -> memref<1024xf32, #tpu.memory_space<vmem>>
        %dma_start3A_715 = tpu.memref_slice %arg7[%multiple_of3A_650] : memref<1605632xf32, #tpu.memory_space<hbm>> -> memref<1024xf32, #tpu.memory_space<hbm>>
        tpu.enqueue_dma source(%dma_start3A_715 : memref<1024xf32, #tpu.memory_space<hbm>>) target(%dma_start3A_714 : memref<1024xf32, #tpu.memory_space<vmem>>) target_semaphore(%arg16 : memref<!tpu.dma_semaphore, #tpu.memory_space<semaphore_mem>>)
      } else {
      }
      %scan3A_644 = arith.constant 0 : i32
      scf.yield %scan3A_644 : i32
    }
    %scan3A_393 = arith.constant 49 : i32
    %dma_wait3A_394 = arith.constant 0 : i32
    %dma_wait3A_395 = arith.constant 0 : i32
    %dma_wait3A_396 = arith.constant 0 : i32
    %dma_wait3A_397 = tpu.memref_slice %arg15[%dma_wait3A_394, %dma_wait3A_395, %dma_wait3A_396] : memref<2x1024x16xf32, #tpu.memory_space<vmem>> -> memref<1x1024x16xf32, #tpu.memory_space<vmem>>
    %dma_wait3A_398 = tpu.memref_squeeze %dma_wait3A_397 : memref<1x1024x16xf32, #tpu.memory_space<vmem>> -> memref<1024x16xf32, #tpu.memory_space<vmem>>
    %dma_wait3A_399 = arith.constant 0 : i32
    %dma_wait3A_400 = arith.constant 0 : i32
    %dma_wait3A_401 = tpu.memref_slice %arg8[%dma_wait3A_399, %dma_wait3A_400] : memref<1605632x16xf32, #tpu.memory_space<hbm>> -> memref<1024x16xf32, #tpu.memory_space<hbm>>
    %dma_wait3A_402 = arith.constant 0 : i32
    %dma_wait3A_403 = arith.constant 0 : i32
    %dma_wait3A_404 = tpu.memref_slice %arg8[%dma_wait3A_402, %dma_wait3A_403] : memref<1605632x16xf32, #tpu.memory_space<hbm>> -> memref<1024x16xf32, #tpu.memory_space<hbm>>
    %dma_wait3A_405 = arith.constant 0 : i32
    %dma_wait3A_406 = arith.constant 0 : i32
    %dma_wait3A_407 = tpu.memref_slice %arg15[%dma_wait3A_394, %dma_wait3A_405, %dma_wait3A_406] : memref<2x1024x16xf32, #tpu.memory_space<vmem>> -> memref<1x1024x16xf32, #tpu.memory_space<vmem>>
    %dma_wait3A_408 = tpu.memref_squeeze %dma_wait3A_407 : memref<1x1024x16xf32, #tpu.memory_space<vmem>> -> memref<1024x16xf32, #tpu.memory_space<vmem>>
    tpu.wait_dma2 semaphore(%arg18 : memref<!tpu.dma_semaphore, #tpu.memory_space<semaphore_mem>>) src(%dma_wait3A_408 : memref<1024x16xf32, #tpu.memory_space<vmem>>) dst(%dma_wait3A_404 : memref<1024x16xf32, #tpu.memory_space<hbm>>)
    %dma_wait3A_409 = arith.constant 1 : i32
    %dma_wait3A_410 = arith.constant 0 : i32
    %dma_wait3A_411 = arith.constant 0 : i32
    %dma_wait3A_412 = tpu.memref_slice %arg15[%dma_wait3A_409, %dma_wait3A_410, %dma_wait3A_411] : memref<2x1024x16xf32, #tpu.memory_space<vmem>> -> memref<1x1024x16xf32, #tpu.memory_space<vmem>>
    %dma_wait3A_413 = tpu.memref_squeeze %dma_wait3A_412 : memref<1x1024x16xf32, #tpu.memory_space<vmem>> -> memref<1024x16xf32, #tpu.memory_space<vmem>>
    %dma_wait3A_414 = arith.constant 0 : i32
    %dma_wait3A_415 = arith.constant 0 : i32
    %dma_wait3A_416 = tpu.memref_slice %arg8[%dma_wait3A_414, %dma_wait3A_415] : memref<1605632x16xf32, #tpu.memory_space<hbm>> -> memref<1024x16xf32, #tpu.memory_space<hbm>>
    %dma_wait3A_417 = arith.constant 0 : i32
    %dma_wait3A_418 = arith.constant 0 : i32
    %dma_wait3A_419 = tpu.memref_slice %arg8[%dma_wait3A_417, %dma_wait3A_418] : memref<1605632x16xf32, #tpu.memory_space<hbm>> -> memref<1024x16xf32, #tpu.memory_space<hbm>>
    %dma_wait3A_420 = arith.constant 0 : i32
    %dma_wait3A_421 = arith.constant 0 : i32
    %dma_wait3A_422 = tpu.memref_slice %arg15[%dma_wait3A_409, %dma_wait3A_420, %dma_wait3A_421] : memref<2x1024x16xf32, #tpu.memory_space<vmem>> -> memref<1x1024x16xf32, #tpu.memory_space<vmem>>
    %dma_wait3A_423 = tpu.memref_squeeze %dma_wait3A_422 : memref<1x1024x16xf32, #tpu.memory_space<vmem>> -> memref<1024x16xf32, #tpu.memory_space<vmem>>
    tpu.wait_dma2 semaphore(%arg18 : memref<!tpu.dma_semaphore, #tpu.memory_space<semaphore_mem>>) src(%dma_wait3A_423 : memref<1024x16xf32, #tpu.memory_space<vmem>>) dst(%dma_wait3A_419 : memref<1024x16xf32, #tpu.memory_space<hbm>>)
    return
  }
}

module attributes {stable_mosaic.version = 14 : i64} {
  func.func @_mm_body(%arg0: i32, %arg1: memref<2048x256xf32, #tpu.memory_space<vmem>>, %arg2: memref<256x256xf32, #tpu.memory_space<vmem>>, %arg3: memref<1x256xf32, #tpu.memory_space<vmem>>, %arg4: memref<2048x1xf32, #tpu.memory_space<vmem>>, %arg5: memref<2048x256xf32, #tpu.memory_space<vmem>>) attributes {dimension_semantics = [#tpu.dimension_semantics<arbitrary>], iteration_bounds = array<i64: 49>, scalar_prefetch = 0 : i64, scratch_operands = 0 : i64, tpu.core_type = #tpu.core_type<tc>, window_params = [{transform_indices = @transform_0, window_bounds = array<i64: 2048, 256>}, {pipeline_mode = #tpu.pipeline_mode<synchronous>, transform_indices = @transform_1, window_bounds = array<i64: 256, 256>}, {pipeline_mode = #tpu.pipeline_mode<synchronous>, transform_indices = @transform_2, window_bounds = array<i64: 1, 256>}, {transform_indices = @transform_3, window_bounds = array<i64: 2048, 1>}, {transform_indices = @transform_4, window_bounds = array<i64: 2048, 256>}]} {
    %get3A = arith.constant 0 : index
    %get3A_0 = arith.constant 0 : index
    %get3A_1 = vector.load %arg1[%get3A, %get3A_0] : memref<2048x256xf32, #tpu.memory_space<vmem>>, vector<2048x256xf32>
    %get3A_2 = arith.constant 0 : index
    %get3A_3 = arith.constant 0 : index
    %get3A_4 = vector.load %arg2[%get3A_2, %get3A_3] : memref<256x256xf32, #tpu.memory_space<vmem>>, vector<256x256xf32>
    %dot_general3A = arith.constant dense<0.000000e+00> : vector<2048x256xf32>
    %dot_general3A_5 = tpu.matmul %get3A_1, %get3A_4, %dot_general3A {dimension_numbers = #tpu.dot_dimension_numbers<[1], [0], [0], [1], [0, 0, 1, 1], [], []>, transpose_lhs_hint = false} : vector<2048x256xf32>, vector<256x256xf32>, vector<2048x256xf32> -> vector<2048x256xf32>
    %get3A_6 = arith.constant 0 : index
    %get3A_7 = arith.constant 0 : index
    %get3A_8 = vector.load %arg3[%get3A_6, %get3A_7] : memref<1x256xf32, #tpu.memory_space<vmem>>, vector<1x256xf32>
    %add3A = vector.broadcast %get3A_8 : vector<1x256xf32> to vector<2048x256xf32>
    %add3A_9 = arith.addf %dot_general3A_5, %add3A : vector<2048x256xf32>
    %max3A = arith.constant 0.000000e+00 : f32
    %max3A_10 = vector.broadcast %max3A : f32 to vector<2048x256xf32>
    %max3A_11 = arith.maximumf %add3A_9, %max3A_10 : vector<2048x256xf32>
    %get3A_12 = arith.constant 0 : index
    %get3A_13 = arith.constant 0 : index
    %get3A_14 = vector.load %arg4[%get3A_12, %get3A_13] : memref<2048x1xf32, #tpu.memory_space<vmem>>, vector<2048x1xf32>
    %mul3A = vector.broadcast %get3A_14 : vector<2048x1xf32> to vector<2048x256xf32>
    %mul3A_15 = arith.mulf %max3A_11, %mul3A : vector<2048x256xf32>
    %swap3A = arith.constant 0 : index
    %swap3A_16 = arith.constant 0 : index
    %swap3A_17 = vector.load %arg5[%swap3A, %swap3A_16] : memref<2048x256xf32, #tpu.memory_space<vmem>>, vector<2048x256xf32>
    tpu.vector_store %arg5[%swap3A, %swap3A_16], %mul3A_15 {strides = array<i32>} : memref<2048x256xf32, #tpu.memory_space<vmem>>, vector<2048x256xf32>,
    return
  }
  func.func @transform_0(%arg0: i32) -> (i32, i32) {
    %c0_i32 = arith.constant 0 : i32
    %c0_i32_0 = arith.constant 0 : i32
    return %arg0, %c0_i32 : i32, i32
  }
  func.func @transform_1(%arg0: i32) -> (i32, i32) {
    %c0_i32 = arith.constant 0 : i32
    %c0_i32_0 = arith.constant 0 : i32
    %c0_i32_1 = arith.constant 0 : i32
    return %c0_i32, %c0_i32_0 : i32, i32
  }
  func.func @transform_2(%arg0: i32) -> (i32, i32) {
    %c0_i32 = arith.constant 0 : i32
    %c0_i32_0 = arith.constant 0 : i32
    %c0_i32_1 = arith.constant 0 : i32
    return %c0_i32, %c0_i32_0 : i32, i32
  }
  func.func @transform_3(%arg0: i32) -> (i32, i32) {
    %c0_i32 = arith.constant 0 : i32
    %c0_i32_0 = arith.constant 0 : i32
    return %arg0, %c0_i32 : i32, i32
  }
  func.func @transform_4(%arg0: i32) -> (i32, i32) {
    %c0_i32 = arith.constant 0 : i32
    %c0_i32_0 = arith.constant 0 : i32
    return %arg0, %c0_i32 : i32, i32
  }
}

module attributes {stable_mosaic.version = 14 : i64} {
  func.func @_final_body(%arg0: i32, %arg1: memref<2000x256xf32, #tpu.memory_space<vmem>>, %arg2: memref<2000x1xf32, #tpu.memory_space<vmem>>, %arg3: memref<1x512xf32, #tpu.memory_space<vmem>>, %arg4: memref<1x512xf32, #tpu.memory_space<vmem>>, %arg5: memref<512x256xf32, #tpu.memory_space<vmem>>, %arg6: memref<1x256xf32, #tpu.memory_space<vmem>>, %arg7: memref<2000x256xf32, #tpu.memory_space<vmem>>) attributes {dimension_semantics = [#tpu.dimension_semantics<arbitrary>], iteration_bounds = array<i64: 5>, scalar_prefetch = 0 : i64, scratch_operands = 0 : i64, tpu.core_type = #tpu.core_type<tc>, window_params = [{transform_indices = @transform_0, window_bounds = array<i64: 2000, 256>}, {transform_indices = @transform_1, window_bounds = array<i64: 2000, 1>}, {pipeline_mode = #tpu.pipeline_mode<synchronous>, transform_indices = @transform_2, window_bounds = array<i64: 1, 512>}, {pipeline_mode = #tpu.pipeline_mode<synchronous>, transform_indices = @transform_3, window_bounds = array<i64: 1, 512>}, {pipeline_mode = #tpu.pipeline_mode<synchronous>, transform_indices = @transform_4, window_bounds = array<i64: 512, 256>}, {pipeline_mode = #tpu.pipeline_mode<synchronous>, transform_indices = @transform_5, window_bounds = array<i64: 1, 256>}, {transform_indices = @transform_6, window_bounds = array<i64: 2000, 256>}]} {
    %get3A = arith.constant 0 : index
    %get3A_0 = arith.constant 0 : index
    %get3A_1 = vector.load %arg2[%get3A, %get3A_0] : memref<2000x1xf32, #tpu.memory_space<vmem>>, vector<2000x1xf32>
    %get3A_2 = arith.constant 0 : index
    %get3A_3 = arith.constant 0 : index
    %get3A_4 = vector.load %arg3[%get3A_2, %get3A_3] : memref<1x512xf32, #tpu.memory_space<vmem>>, vector<1x512xf32>
    %mul3A = vector.broadcast %get3A_1 : vector<2000x1xf32> to vector<2000x512xf32>
    %mul3A_5 = vector.broadcast %get3A_4 : vector<1x512xf32> to vector<2000x512xf32>
    %mul3A_6 = arith.mulf %mul3A, %mul3A_5 : vector<2000x512xf32>
    %get3A_7 = arith.constant 0 : index
    %get3A_8 = arith.constant 0 : index
    %get3A_9 = vector.load %arg4[%get3A_7, %get3A_8] : memref<1x512xf32, #tpu.memory_space<vmem>>, vector<1x512xf32>
    %add3A = vector.broadcast %get3A_9 : vector<1x512xf32> to vector<2000x512xf32>
    %add3A_10 = arith.addf %mul3A_6, %add3A : vector<2000x512xf32>
    %max3A = arith.constant 0.000000e+00 : f32
    %max3A_11 = vector.broadcast %max3A : f32 to vector<2000x512xf32>
    %max3A_12 = arith.maximumf %add3A_10, %max3A_11 : vector<2000x512xf32>
    %get3A_13 = arith.constant 0 : index
    %get3A_14 = arith.constant 0 : index
    %get3A_15 = vector.load %arg5[%get3A_13, %get3A_14] : memref<512x256xf32, #tpu.memory_space<vmem>>, vector<512x256xf32>
    %dot_general3A = arith.constant dense<0.000000e+00> : vector<2000x256xf32>
    %dot_general3A_16 = tpu.matmul %max3A_12, %get3A_15, %dot_general3A {dimension_numbers = #tpu.dot_dimension_numbers<[1], [0], [0], [1], [0, 0, 1, 1], [], []>, transpose_lhs_hint = false} : vector<2000x512xf32>, vector<512x256xf32>, vector<2000x256xf32> -> vector<2000x256xf32>
    %get3A_17 = arith.constant 0 : index
    %get3A_18 = arith.constant 0 : index
    %get3A_19 = vector.load %arg6[%get3A_17, %get3A_18] : memref<1x256xf32, #tpu.memory_space<vmem>>, vector<1x256xf32>
    %add3A_20 = vector.broadcast %get3A_19 : vector<1x256xf32> to vector<2000x256xf32>
    %add3A_21 = arith.addf %dot_general3A_16, %add3A_20 : vector<2000x256xf32>
    %get3A_22 = arith.constant 0 : index
    %get3A_23 = arith.constant 0 : index
    %get3A_24 = vector.load %arg1[%get3A_22, %get3A_23] : memref<2000x256xf32, #tpu.memory_space<vmem>>, vector<2000x256xf32>
    %mul3A_25 = arith.mulf %get3A_24, %add3A_21 : vector<2000x256xf32>
    %max3A_26 = arith.constant 0.000000e+00 : f32
    %max3A_27 = vector.broadcast %max3A_26 : f32 to vector<2000x256xf32>
    %max3A_28 = arith.maximumf %mul3A_25, %max3A_27 : vector<2000x256xf32>
    %swap3A = arith.constant 0 : index
    %swap3A_29 = arith.constant 0 : index
    %swap3A_30 = vector.load %arg7[%swap3A, %swap3A_29] : memref<2000x256xf32, #tpu.memory_space<vmem>>, vector<2000x256xf32>
    tpu.vector_store %arg7[%swap3A, %swap3A_29], %max3A_28 {strides = array<i32>} : memref<2000x256xf32, #tpu.memory_space<vmem>>, vector<2000x256xf32>,
    return
  }
  func.func @transform_0(%arg0: i32) -> (i32, i32) {
    %c0_i32 = arith.constant 0 : i32
    %c0_i32_0 = arith.constant 0 : i32
    return %arg0, %c0_i32 : i32, i32
  }
  func.func @transform_1(%arg0: i32) -> (i32, i32) {
    %c0_i32 = arith.constant 0 : i32
    %c0_i32_0 = arith.constant 0 : i32
    return %arg0, %c0_i32 : i32, i32
  }
  func.func @transform_2(%arg0: i32) -> (i32, i32) {
    %c0_i32 = arith.constant 0 : i32
    %c0_i32_0 = arith.constant 0 : i32
    %c0_i32_1 = arith.constant 0 : i32
    return %c0_i32, %c0_i32_0 : i32, i32
  }
  func.func @transform_3(%arg0: i32) -> (i32, i32) {
    %c0_i32 = arith.constant 0 : i32
    %c0_i32_0 = arith.constant 0 : i32
    %c0_i32_1 = arith.constant 0 : i32
    return %c0_i32, %c0_i32_0 : i32, i32
  }
  func.func @transform_4(%arg0: i32) -> (i32, i32) {
    %c0_i32 = arith.constant 0 : i32
    %c0_i32_0 = arith.constant 0 : i32
    %c0_i32_1 = arith.constant 0 : i32
    return %c0_i32, %c0_i32_0 : i32, i32
  }
  func.func @transform_5(%arg0: i32) -> (i32, i32) {
    %c0_i32 = arith.constant 0 : i32
    %c0_i32_0 = arith.constant 0 : i32
    %c0_i32_1 = arith.constant 0 : i32
    return %c0_i32, %c0_i32_0 : i32, i32
  }
  func.func @transform_6(%arg0: i32) -> (i32, i32) {
    %c0_i32 = arith.constant 0 : i32
    %c0_i32_0 = arith.constant 0 : i32
    return %arg0, %c0_i32 : i32, i32
  }
}

</mosaic_0001>

<sc_bundles>
// kernel: kernel.6.cloned.1.call-start
scs
__scs_entry_jumppad:
0x0: {  	(pc) =	sbr.rel $0x88, $3  }
0x1: {  	(tag) =	ssettag $0x0;
	lr =	simm.s32 $0x1  }
0x2: {  	[smem:$0x3F92] =	sst lr;
	_ =	strace $0xD0000000  }
0x3: {  	_ = 	snop  }
0x4: {  	_ = 	snop  }
0x5: {  	_ = 	snop  }
0x6: {  	_ = 	snop  }
0x7: {  	_ = 	snop  }
__scs_overlays_trampoline_lowered:
0x8: {  	[smem:$0x3FA1] =	sst s0  }
0x9: {  	[smem:$0x3FA2] =	sst s1  }
0xa: {  	[smem:$0x3FA3] =	sst s2  }
0xb: {  	[smem:$0x3FA4] =	sst s3  }
0xc: {  	[smem:$0x3FA5] =	sst s4  }
0xd: {  	[smem:$0x3FA6] =	sst s5  }
0xe: {  	[smem:$0x3FA7] =	sst s6  }
0xf: {  	[smem:$0x3FA8] =	sst s7  }
0x10: {  	[smem:$0x3FA9] =	sst s8  }
0x11: {  	[smem:$0x3FAA] =	sst s9;
	s0 =	simm.s32 @!p0 $0x0  }
0x12: {  	s1 =	sld [smem:$0x3F90];
	s0 =	simm.s32 @p0 $0x1  }
0x13: {  	[smem:$0x3FAB] =	sst s0;
	s0 =	simm.s32 @!p1 $0x0  }
0x14: {  	s2 =	sld [smem:$0x3F8F];
	s0 =	simm.s32 @p1 $0x1  }
0x15: {  	[smem:$0x3FAC] =	sst s0;
	s0 =	simm.s32 @!p2 $0x0  }
0x16: {  	s3 =	sld [smem:$0x3FDB];
	s0 =	simm.s32 @p2 $0x1  }
0x17: {  	s4 =	simm.s32 $0x1BF5;
	[smem:$0x3FAE] =	sst s0  }
0x18: {  	s0 =	sld [smem:$0x3F91];
	_ =	swait.ge [sflag:s4], $0x0  }
0x19: {  	s7 =	sld [smem:$0x3F92]  }
0x1a: {  	s8 =	sadd.s32 $0xFFFFE003, lr  }
0x1b: {  	s9 =	sadd.s32 $0xFFFFFEF7, lr;
	s5 =	simm.s32 $0xFFFFFFFF;
	p2 =	slt.u32 s8, $0xFFFFF086  }
0x1c: {  	p1 =	slt.u32 s9, $0xF7A;
	s5 =	simm.s32 @!p2 $0x0  }
0x1d: {  	s5 =	simm.s32 @p1 $0x1;
	p0 =	seq.s32 s7, s2  }
0x1e: {  	s7 =	smul.u32 @!p0 $0xF7A, s2;
	p2 =	seq.s32 @!p0 s5, $0x0  }
0x1f: {  	s9 =	smul.u32 $0xF7A, s1;
	s8 =	simm.s32 @!p0 $0x1BF5;
	p2 =	por !p2, p0  }
0x20: {  	[sflag:s8] =	ssyncset.s32 @!p0 $0xFFFFF086;
	s6 =	sadd.s32 @!p0 s3, s7;
	s7 =	simm.s32 @!p0 $0x108  }
0x21: {  	s3 =	sadd.s32 s3, s9;
	s6 =	sadd.s32 @!p0 $0x88, s6;
	s7 =	simm.s32 @p2 $0x1082  }
0x22: {  	[simem:s7], [sflag:s8] =	dma.local @!p0 [hbm:s6], $0xF7A  }
0x23: {  	s9 =	sor.u32 $0xD0000000, s2;
	s6 =	simm.s32 $0x108;
	_ =	swait.ge @!p0 [sflag:s8], $0x0  }
0x24: {  	s3 =	sadd.s32 $0x88, s3;
	s6 =	simm.s32 @!p1 $0x1082;
	[sflag:s4] =	ssyncset.s32 $0xFFFFF086  }
0x25: {  	[simem:s6], [sflag:s4] =	dma.local [hbm:s3], $0xF7A  }
0x26: {  	[smem:$0x3F92] =	sst s1;
	(tag) =	ssettag s2;
	_ =	strace s9  }
0x27: {  	s1 =	sld [smem:$0x3FA2]  }
0x28: {  	s2 =	sld [smem:$0x3FA3]  }
0x29: {  	s4 =	sld [smem:$0x3FA5]  }
0x2a: {  	p0 =	seq.s32 s5, $0x0;
	s5 =	sld [smem:$0x3FA6]  }
0x2b: {  	s6 =	sld [smem:$0x3FA7]  }
0x2c: {  	s7 =	sld [smem:$0x3FA8]  }
0x2d: {  	s3 =	simm.s32 $0x108;
	s8 =	sld [smem:$0x3FA9]  }
0x2e: {  	s3 =	simm.s32 @!p0 $0x1082;
	s9 =	sld [smem:$0x3FAA]  }
0x2f: {  	lr =	sadd.s32 s0, s3;
	s0 =	sld [smem:$0x3FA1]  }
0x30: {  	s3 =	sld [smem:$0x3FA4]  }
0x31: {  	[smem:$0x3FAD] =	sst s10  }
0x32: {  	s10 =	sld [smem:$0x3FAB];
	_ =	sdelay $0x3  }
0x33: {  	p0 =	seq.s32 s10, $0x1;
	s10 =	sld [smem:$0x3FAD];
	_ =	sdelay $0x3  }
0x34: {  	[smem:$0x3FAD] =	sst s10  }
0x35: {  	s10 =	sld [smem:$0x3FAC];
	_ =	sdelay $0x3  }
0x36: {  	p1 =	seq.s32 s10, $0x1;
	s10 =	sld [smem:$0x3FAD];
	_ =	sdelay $0x3  }
0x37: {  	[smem:$0x3FAD] =	sst s10  }
0x38: {  	s10 =	sld [smem:$0x3FAE]  }
0x39: {  	_ = 	snop;
	(pc) =	sbr.ind lr, $3  }
0x3a: {  	_ = 	snop  }
0x3b: {  	_ = 	snop  }
0x3c: {  	p2 =	seq.s32 s10, $0x1;
	s10 =	sld [smem:$0x3FAD]  }
0x3d: {  	_ =	shalt  }
0x3e: {  	_ =	shalt  }
0x3f: {  	_ =	shalt  }
0x40: {  	_ =	shalt  }
0x41: {  	_ =	shalt  }
0x42: {  	_ =	shalt  }
0x43: {  	_ =	shalt  }
0x44: {  	_ =	shalt  }
0x45: {  	_ =	shalt  }
0x46: {  	_ =	shalt  }
0x47: {  	_ =	shalt  }
0x48: {  	_ =	shalt  }
0x49: {  	_ =	shalt  }
0x4a: {  	_ =	shalt  }
0x4b: {  	_ =	shalt  }
0x4c: {  	_ =	shalt  }
0x4d: {  	_ =	shalt  }
0x4e: {  	_ =	shalt  }
0x4f: {  	_ =	shalt  }
0x50: {  	_ =	shalt  }
0x51: {  	_ =	shalt  }
0x52: {  	_ =	shalt  }
0x53: {  	_ =	shalt  }
0x54: {  	_ =	shalt  }
0x55: {  	_ =	shalt  }
0x56: {  	_ =	shalt  }
0x57: {  	_ =	shalt  }
0x58: {  	_ =	shalt  }
0x59: {  	_ =	shalt  }
0x5a: {  	_ =	shalt  }
0x5b: {  	_ =	shalt  }
0x5c: {  	_ =	shalt  }
0x5d: {  	_ =	shalt  }
0x5e: {  	_ =	shalt  }
0x5f: {  	_ =	shalt  }
0x60: {  	_ =	shalt  }
0x61: {  	_ =	shalt  }
0x62: {  	_ =	shalt  }
0x63: {  	_ =	shalt  }
0x64: {  	_ =	shalt  }
0x65: {  	_ =	shalt  }
0x66: {  	_ =	shalt  }
0x67: {  	_ =	shalt  }
0x68: {  	_ =	shalt  }
0x69: {  	_ =	shalt  }
0x6a: {  	_ =	shalt  }
0x6b: {  	_ =	shalt  }
0x6c: {  	_ =	shalt  }
0x6d: {  	_ =	shalt  }
0x6e: {  	_ =	shalt  }
0x6f: {  	_ =	shalt  }
0x70: {  	_ =	shalt  }
0x71: {  	_ =	shalt  }
0x72: {  	_ =	shalt  }
0x73: {  	_ =	shalt  }
0x74: {  	_ =	shalt  }
0x75: {  	_ =	shalt  }
0x76: {  	_ =	shalt  }
0x77: {  	_ =	shalt  }
0x78: {  	_ =	shalt  }
0x79: {  	_ =	shalt  }
0x7a: {  	_ =	shalt  }
0x7b: {  	_ =	shalt  }
0x7c: {  	_ =	shalt  }
0x7d: {  	_ =	shalt  }
0x7e: {  	_ =	shalt  }
0x7f: {  	_ =	shalt  }
0x80: {  	_ =	shalt  }
0x81: {  	_ =	shalt  }
0x82: {  	_ =	shalt  }
0x83: {  	_ =	shalt  }
0x84: {  	_ =	shalt  }
0x85: {  	_ =	shalt  }
0x86: {  	_ =	shalt  }
0x87: {  	_ =	shalt  }
.Lfunc_end0:
.L_simem_size_0:
called_computation_lowered:
.L_overlay_start_0:
0x88: {  	s2 =	sld [smem:$0x3FD9]  }
0x89: {  	s3 =	sld [smem:$0x3FFE];
	_ =	sdelay $0x1  }
0x8a: {  	s1 =	srdreg.scid  }
0x8b: {  	s0 =	sand.u32 $0x1, s1  }
0x8c: {  	s17 =	sshll.u32 s0, $0xA;
	s2 =	sadd.s32 s3, s2  }
0x8d: {  	s2 =	sadd.s32 s2, s17  }
0x8e: {  	[smem:$0x3FB9] =	sst s2  }
0x8f: {  	_ = 	snop  }
0x90: {  	s2 =	sld [smem:$0x3FD0];
	(tm) =	ssettm $0x1  }
0x91: {  	s18 =	sld [smem:$0x3FFB];
	_ =	sdelay $0x3  }
0x92: {  	_ =	strace s18  }
0x93: {  	s3 =	sld [smem:$0x3FFC];
	_ =	sdelay $0x3  }
0x94: {  	_ =	strace s3  }
0x95: {  	s3 =	sld [smem:$0x3FFD];
	_ =	sdelay $0x3  }
0x96: {  	_ =	strace s3  }
0x97: {  	_ =	strace $0x8FFFFFFF  }
0x98: {  	s19 =	sld [smem:$0x3FDB];
	_ =	sdelay $0x1  }
0x99: {  	s4 =	simm.s32 $_scs_section_size  }
0x9a: {  	s5 =	simm.s32 $_size__tile_overlayer_lowered;
	s6 =	simm.s32 $_tile_overlayer_lowered  }
0x9b: {  	s22 =	simm.s32 $0x1BFF;
	s21 =	sshll.u32 s6, $0x1;
	s3 =	sadd.s32 s4, s19  }
0x9c: {  	s7 =	simm.s32 $0x0;
	s20 =	sshll.u32 s5, $0x1;
	s5 =	sadd.s32 s21, s3  }
0x9d: {  	[timem:s7], [sflag:s22] =	dma.local [hbm:s5], s20  }
0x9e: {  	_ =	swait.ge [sflag:s22], s20  }
0x9f: {  	s4 =	ssub.s32 $0x0, s20;
	[sflag:s22] =	ssyncset.done $0x0  }
0xa0: {  	[sflag:s22] =	ssyncadd.s32 s4;
	_ =	sdelay $0x1  }
0xa1: {  	s23 =	simm.s32 $0x1B8B  }
0xa2: {  	_ =	swait.ge [sflag:s23], $0x1  }
0xa3: {  	[sflag:s23] =	ssyncset.done $0x0  }
0xa4: {  	s25 =	simm.s32 $0x1B8E;
	s24 =	sld [smem:$0x3FFE];
	[sflag:s23] =	ssyncadd.s32 $0xFFFFFFFF  }
0xa5: {  	s26 =	simm.s32 $execute0_lowered;
	[smem:$0x3FD2] =	sst s25  }
0xa6: {  	s5 =	sshll.u32 s26, $0x1;
	_ =	strace $0x80000046;
	[dreg:$0x1] =	wrdreg $0xFFFFFFFF  }
0xa7: {  	s28 =	simm.s32 $_size_execute0_lowered;
	s3 =	sadd.s32 s3, s5;
	[dreg:$0x0] =	wrdreg $0x0  }
0xa8: {  	s5 =	sshll.u32 s28, $0x1;
	[dreg:$0x2] =	wrdreg s3  }
0xa9: {  	[dreg:$0x3] =	wrdreg s5  }
0xaa: {  	[dreg:$0x4] =	wrdreg $0xC0  }
0xab: {  	_ =	task [dreg:s7], $0x5FFFF  }
0xac: {  	[dreg:$0x1] =	wrdreg $0xFFFFFFFF  }
0xad: {  	[dreg:$0x0] =	wrdreg $0x60  }
0xae: {  	[dreg:$0x2] =	wrdreg s24  }
0xaf: {  	[dreg:$0x3] =	wrdreg s2  }
0xb0: {  	[dreg:$0x4] =	wrdreg $0x9  }
0xb1: {  	_ =	task.clear_ibuf [dreg:s7], $0x5FFFF;
	_ =	strace $0x90000046  }
0xb2: {  	s29 =	simm.s32 $0x9;
	_ =	strace $0x80000048  }
0xb3: {  	_ =	swait.ge [sflag:s29], $0x1  }
0xb4: {  	[sflag:s29] =	ssyncadd.s32 $0xFFFFFFFF  }
0xb5: {  	_ =	strace $0x90000048  }
0xb6: {  	_ =	sfence  }
0xb7: {  	s30 =	sld [smem:$0x0];
	_ =	sdelay $0x2  }
0xb8: {  	s31 =	sshll.u32 s1, $0xD;
	s1 =	sshrl.u32 s1, $0x2  }
0xb9: {  	s3 =	sand.u32 $0x4000, s31;
	s1 =	sadd.s32 s1, s30  }
0xba: {  	s0 =	sor.u32 s3, s0;
	s1 =	sshll.u32 s1, $0x11  }
0xbb: {  	s0 =	sor.u32 s1, s0  }
0xbc: {  	s0 =	sadd.s32 $0x8F2B, s0  }
0xbd: {  	[sflag:s0] =	ssyncadd.remote.s32 $0x1  }
0xbe: {  	_ =	sfence.sel $0xFFFF  }
0xbf: {  	[dreg:$0x0] =	wrdreg $0xFFFFFFFF;
	(pc) =	sbr.abs _section_cstart, $3  }
0xc0: {  	[dreg:$0x1] =	wrdreg $0xFFFFFFFF  }
0xc1: {  	_ =	task.clear_ibuf [dreg:s7], $0x2FFFF;
	_ =	strace $0x9FFFFFFF  }
0xc2: {  	(tm) =	ssettm $0x7FFFFFFF  }
0xc3: {  	_ =	shalt  }
tec
execute0_lowered:
.L_overlay_start_1:
0x0: {  	(tag) =	ssettag $0x1  }
0x1: {  	s0 =	rddreg [dreg:$0x0]  }
0x2: {  	s2 =	rddreg [dreg:$0x1];
	s3 =	simm.s32 $0x0;
	s1 =	srdreg.scid  }
0x3: {  	s4 =	stileid.u32;
	s24 =	simm.s32 $0x1;
	s25 =	simm.s32 $0x80  }
0x4: {  	s22 =	simm.s32 $0x3;
	s23 =	simm.s32 $0x0;
	[smem:$0x7FF] =	sst s3  }
0x5: {  	s1 =	sand.u32 $0x1, s1;
	s5 =	sshll.u32 s4, $0x1;
	s4 =	sadd.s32 $0x96E00, s0  }
0x6: {  	s6 =	sadd.s32 $0x65E00, s0;
	s7 =	sadd.s32 $0x34E00, s0;
	s8 =	sadd.s32 $0x3E00, s0  }
0x7: {  	s9 =	sadd.s32 $0x9BE00, s0;
	s10 =	sor.u32 s1, s5;
	s1 =	ssub.s32 $0x2, s1  }
0x8: {  	_ =	strace $0x80000047;
	s19 =	smul.u32 $0xC400, s10;
	s28 =	sshrl.u32 s1, $0x1  }
0x9: {  	s5 =	sadd.s32 $0x4E5E00, s0;
	s18 =	smul.u32 $0xC4000, s10;
	s0 =	ssub.s32 s1, s28  }
0xa: {  	s1 =	simm.s32 $0x2;
	s14 =	sshrl.u32 s19, $0x3;
	s19 =	sadd.s32 $0x800, s19  }
0xb: {  	s20 =	smax.u32 s0, $0x1;
	s29 =	sadd.s32 s2, s14;
	s30 =	sadd.s32 s6, s14  }
0xc: {  	s12 =	sadd.s32 s7, s14;
	s31 =	sadd.s32 $0x80, s14;
	[dreg:$0x3] =	wrdreg s29  }
0xd: {  	s13 =	sadd.s32 s8, s14;
	[dreg:$0x4] =	wrdreg s30;
	s14 =	sadd.s32 s2, s31  }
0xe: {  	s15 =	sadd.s32 s6, s31;
	s16 =	sadd.s32 s7, s31;
	s17 =	sadd.s32 s8, s31  }
.LBB2_1:
0xf: {  	s0 =	rddreg [dreg:$0x3]  }
0x10: {  	[tilespmem:s3], [sflag:$0x1] =	stream.linear.gather [hbm4b:s0+s3], $0x400, $0x38;
	[tilespmem:$0x1A000] =	vst v63  }
0x11: {  	s26 =	rddreg [dreg:$0x4];
	s10 =	simm.s32 $0x800  }
0x12: {  	[tilespmem:s10], [sflag:$0x1] =	stream.linear.gather [hbm4b:s26+s3], $0x400, $0x38;
	[tilespmem:$0x1A000] =	vst v63  }
0x13: {  	s28 =	simm.s32 $0x1000  }
0x14: {  	[tilespmem:s28], [sflag:$0x1] =	stream.linear.gather [hbm4b:s12+s3], $0x400, $0x38;
	[tilespmem:$0x1A000] =	vst v63  }
0x15: {  	s29 =	simm.s32 $0x1800  }
0x16: {  	[tilespmem:s29], [sflag:$0x1] =	stream.linear.gather [hbm4b:s13+s3], $0x400, $0x38;
	[tilespmem:$0x1A000] =	vst v63  }
0x17: {  	_ =	swait.ge [sflag:s24], $0x400  }
0x18: {  	[sflag:s24] =	ssyncset.done $0x0  }
0x19: {  	[sflag:s24] =	ssyncadd.s32 $0xFFFFFC00  }
0x1a: {  	_ =	swait.ge [sflag:s24], $0x400  }
0x1b: {  	[sflag:s24] =	ssyncset.done $0x0  }
0x1c: {  	[sflag:s24] =	ssyncadd.s32 $0xFFFFFC00  }
0x1d: {  	_ =	swait.ge [sflag:s24], $0x400  }
0x1e: {  	[sflag:s24] =	ssyncset.done $0x0  }
0x1f: {  	[sflag:s24] =	ssyncadd.s32 $0xFFFFFC00  }
0x20: {  	_ =	swait.ge [sflag:s24], $0x400  }
0x21: {  	[sflag:s24] =	ssyncset.done $0x0  }
0x22: {  	s30 =	simm.s32 $0x2000;
	[sflag:s24] =	ssyncadd.s32 $0xFFFFFC00  }
0x23: {  	[tilespmem:s30], [sflag:$0x2] =	stream.indirect.gather [hbm4b:s4+s25], $0x10, s3, s25, $0xb8;
	[tilespmem:$0x1A000] =	vst v63  }
0x24: {  	s31 =	simm.s32 $0xA000  }
0x25: {  	[tilespmem:s31], [sflag:$0x2] =	stream.indirect.gather [hbm4b:s5+s25], $0x10, s10, s25, $0xb8;
	[tilespmem:$0x1A000] =	vst v63  }
0x26: {  	s11 =	simm.s32 $0x2800  }
0x27: {  	[tilespmem:s11], [sflag:$0x2] =	stream.indirect.gather [hbm4b:s4+s25], $0x10, s25, s25, $0xb8;
	[tilespmem:$0x1A000] =	vst v63  }
0x28: {  	s21 =	simm.s32 $0x880;
	s26 =	simm.s32 $0xA800  }
0x29: {  	[tilespmem:s26], [sflag:$0x2] =	stream.indirect.gather [hbm4b:s5+s25], $0x10, s21, s25, $0xb8;
	[tilespmem:$0x1A000] =	vst v63  }
0x2a: {  	s28 =	simm.s32 $0x100;
	s29 =	simm.s32 $0x3000  }
0x2b: {  	[tilespmem:s29], [sflag:$0x2] =	stream.indirect.gather [hbm4b:s4+s25], $0x10, s28, s25, $0xb8;
	[tilespmem:$0x1A000] =	vst v63  }
0x2c: {  	s30 =	simm.s32 $0x900;
	s31 =	simm.s32 $0xB000  }
0x2d: {  	[tilespmem:s31], [sflag:$0x2] =	stream.indirect.gather [hbm4b:s5+s25], $0x10, s30, s25, $0xb8;
	[tilespmem:$0x1A000] =	vst v63  }
0x2e: {  	s10 =	simm.s32 $0x180;
	s11 =	simm.s32 $0x3800  }
0x2f: {  	[tilespmem:s11], [sflag:$0x2] =	stream.indirect.gather [hbm4b:s4+s25], $0x10, s10, s25, $0xb8;
	[tilespmem:$0x1A000] =	vst v63  }
0x30: {  	s21 =	simm.s32 $0x980;
	s26 =	simm.s32 $0xB800  }
0x31: {  	[tilespmem:s26], [sflag:$0x2] =	stream.indirect.gather [hbm4b:s5+s25], $0x10, s21, s25, $0xb8;
	[tilespmem:$0x1A000] =	vst v63  }
0x32: {  	s28 =	simm.s32 $0x200;
	s29 =	simm.s32 $0x4000  }
0x33: {  	[tilespmem:s29], [sflag:$0x2] =	stream.indirect.gather [hbm4b:s4+s25], $0x10, s28, s25, $0xb8;
	[tilespmem:$0x1A000] =	vst v63  }
0x34: {  	s30 =	simm.s32 $0xA00;
	s31 =	simm.s32 $0xC000  }
0x35: {  	[tilespmem:s31], [sflag:$0x2] =	stream.indirect.gather [hbm4b:s5+s25], $0x10, s30, s25, $0xb8;
	[tilespmem:$0x1A000] =	vst v63  }
0x36: {  	s10 =	simm.s32 $0x280;
	s11 =	simm.s32 $0x4800  }
0x37: {  	[tilespmem:s11], [sflag:$0x2] =	stream.indirect.gather [hbm4b:s4+s25], $0x10, s10, s25, $0xb8;
	[tilespmem:$0x1A000] =	vst v63  }
0x38: {  	s21 =	simm.s32 $0xA80;
	s26 =	simm.s32 $0xC800  }
0x39: {  	[tilespmem:s26], [sflag:$0x2] =	stream.indirect.gather [hbm4b:s5+s25], $0x10, s21, s25, $0xb8;
	[tilespmem:$0x1A000] =	vst v63  }
0x3a: {  	s28 =	simm.s32 $0x300;
	s29 =	simm.s32 $0x5000  }
0x3b: {  	[tilespmem:s29], [sflag:$0x2] =	stream.indirect.gather [hbm4b:s4+s25], $0x10, s28, s25, $0xb8;
	[tilespmem:$0x1A000] =	vst v63  }
0x3c: {  	s30 =	simm.s32 $0xB00;
	s31 =	simm.s32 $0xD000  }
0x3d: {  	[tilespmem:s31], [sflag:$0x2] =	stream.indirect.gather [hbm4b:s5+s25], $0x10, s30, s25, $0xb8;
	[tilespmem:$0x1A000] =	vst v63  }
0x3e: {  	s10 =	simm.s32 $0x380;
	s11 =	simm.s32 $0x5800  }
0x3f: {  	[tilespmem:s11], [sflag:$0x2] =	stream.indirect.gather [hbm4b:s4+s25], $0x10, s10, s25, $0xb8;
	[tilespmem:$0x1A000] =	vst v63  }
0x40: {  	s21 =	simm.s32 $0xB80;
	s26 =	simm.s32 $0xD800  }
0x41: {  	[tilespmem:s26], [sflag:$0x2] =	stream.indirect.gather [hbm4b:s5+s25], $0x10, s21, s25, $0xb8;
	[tilespmem:$0x1A000] =	vst v63  }
0x42: {  	s28 =	simm.s32 $0x400  }
0x43: {  	[tilespmem:s28], [sflag:$0x1] =	stream.linear.gather [hbm4b:s14+s3], $0x400, $0x38;
	[tilespmem:$0x1A000] =	vst v63  }
0x44: {  	s29 =	simm.s32 $0xC00  }
0x45: {  	[tilespmem:s29], [sflag:$0x1] =	stream.linear.gather [hbm4b:s15+s3], $0x400, $0x38;
	[tilespmem:$0x1A000] =	vst v63  }
0x46: {  	s30 =	simm.s32 $0x1400  }
0x47: {  	[tilespmem:s30], [sflag:$0x1] =	stream.linear.gather [hbm4b:s16+s3], $0x400, $0x38;
	[tilespmem:$0x1A000] =	vst v63  }
0x48: {  	p0 =	por $0x0, $0x0;
	s31 =	simm.s32 $0x1C00;
	s26 =	simm.s32 $0x0  }
0x49: {  	[tilespmem:s31], [sflag:$0x1] =	stream.linear.gather [hbm4b:s17+s3], $0x400, $0x38;
	[tilespmem:$0x1A000] =	vst v63  }
.LBB2_2:
0x4a: {  	_ =	swait.ge [sflag:s1], $0x800  }
0x4b: {  	[sflag:s1] =	ssyncset.done $0x0  }
0x4c: {  	[sflag:s1] =	ssyncadd.s32 $0xFFFFF800  }
0x4d: {  	_ =	swait.ge [sflag:s1], $0x800  }
0x4e: {  	[sflag:s1] =	ssyncset.done $0x0  }
0x4f: {  	[sflag:s1] =	ssyncadd.s32 $0xFFFFF800  }
0x50: {  	_ =	swait.ge [sflag:s1], $0x800  }
0x51: {  	[sflag:s1] =	ssyncset.done $0x0  }
0x52: {  	[sflag:s1] =	ssyncadd.s32 $0xFFFFF800  }
0x53: {  	_ =	swait.ge [sflag:s1], $0x800  }
0x54: {  	[sflag:s1] =	ssyncset.done $0x0  }
0x55: {  	[sflag:s1] =	ssyncadd.s32 $0xFFFFF800  }
0x56: {  	_ =	swait.ge [sflag:s1], $0x800  }
0x57: {  	[sflag:s1] =	ssyncset.done $0x0  }
0x58: {  	[sflag:s1] =	ssyncadd.s32 $0xFFFFF800  }
0x59: {  	_ =	swait.ge [sflag:s1], $0x800  }
0x5a: {  	[sflag:s1] =	ssyncset.done $0x0  }
0x5b: {  	[sflag:s1] =	ssyncadd.s32 $0xFFFFF800  }
0x5c: {  	_ =	swait.ge [sflag:s1], $0x800  }
0x5d: {  	[sflag:s1] =	ssyncset.done $0x0  }
0x5e: {  	[sflag:s1] =	ssyncadd.s32 $0xFFFFF800  }
0x5f: {  	_ =	swait.ge [sflag:s1], $0x800  }
0x60: {  	[sflag:s1] =	ssyncset.done $0x0  }
0x61: {  	[sflag:s1] =	ssyncadd.s32 $0xFFFFF800  }
0x62: {  	_ =	swait.ge [sflag:s1], $0x800  }
0x63: {  	[sflag:s1] =	ssyncset.done $0x0  }
0x64: {  	[sflag:s1] =	ssyncadd.s32 $0xFFFFF800  }
0x65: {  	_ =	swait.ge [sflag:s1], $0x800  }
0x66: {  	[sflag:s1] =	ssyncset.done $0x0  }
0x67: {  	[sflag:s1] =	ssyncadd.s32 $0xFFFFF800  }
0x68: {  	_ =	swait.ge [sflag:s1], $0x800  }
0x69: {  	[sflag:s1] =	ssyncset.done $0x0  }
0x6a: {  	[sflag:s1] =	ssyncadd.s32 $0xFFFFF800  }
0x6b: {  	_ =	swait.ge [sflag:s1], $0x800  }
0x6c: {  	[sflag:s1] =	ssyncset.done $0x0  }
0x6d: {  	[sflag:s1] =	ssyncadd.s32 $0xFFFFF800  }
0x6e: {  	_ =	swait.ge [sflag:s1], $0x800  }
0x6f: {  	[sflag:s1] =	ssyncset.done $0x0  }
0x70: {  	[sflag:s1] =	ssyncadd.s32 $0xFFFFF800  }
0x71: {  	_ =	swait.ge [sflag:s1], $0x800  }
0x72: {  	[sflag:s1] =	ssyncset.done $0x0  }
0x73: {  	[sflag:s1] =	ssyncadd.s32 $0xFFFFF800  }
0x74: {  	_ =	swait.ge [sflag:s1], $0x800  }
0x75: {  	[sflag:s1] =	ssyncset.done $0x0  }
0x76: {  	[sflag:s1] =	ssyncadd.s32 $0xFFFFF800  }
0x77: {  	_ =	swait.ge [sflag:s1], $0x800  }
0x78: {  	p1 =	seq.s32 s26, $0x30;
	[sflag:s1] =	ssyncset.done $0x0  }
0x79: {  	s0 =	simm.s32 @!p1 $0x1;
	[sflag:s1] =	ssyncadd.s32 $0xFFFFF800  }
0x7a: {  	_ =	swait.ge @!p1 [sflag:s0], $0x400  }
0x7b: {  	[sflag:s0] =	ssyncset.done @!p1 $0x0  }
0x7c: {  	[sflag:s0] =	ssyncadd.s32 @!p1 $0xFFFFFC00  }
0x7d: {  	_ =	swait.ge @!p1 [sflag:s0], $0x400  }
0x7e: {  	[sflag:s0] =	ssyncset.done @!p1 $0x0  }
0x7f: {  	[sflag:s0] =	ssyncadd.s32 @!p1 $0xFFFFFC00  }
0x80: {  	_ =	swait.ge @!p1 [sflag:s0], $0x400  }
0x81: {  	[sflag:s0] =	ssyncset.done @!p1 $0x0  }
0x82: {  	[sflag:s0] =	ssyncadd.s32 @!p1 $0xFFFFFC00  }
0x83: {  	s28 =	sand.u32 $0x1, s26;
	_ =	swait.ge @!p1 [sflag:s0], $0x400  }
0x84: {  	s10 =	sxor.u32 @!p1 $0x1, s28;
	[sflag:s0] =	ssyncset.done @!p1 $0x0  }
0x85: {  	[sflag:s0] =	ssyncadd.s32 @!p1 $0xFFFFFC00;
	s0 =	sshll.u32 @!p1 s10, $0xE  }
0x86: {  	s29 =	simm.s32 @!p1 $0x80;
	s10 =	sshll.u32 @!p1 s10, $0xA;
	s21 =	sor.u32 @!p1 $0x2000, s0  }
0x87: {  	[tilespmem:s21], [sflag:$0x2] =	stream.indirect.gather @!p1 [hbm4b:s4+s29], $0x10, s10, s29, $0xb8;
	[tilespmem:$0x1A000] =	vst v63  }
0x88: {  	s30 =	sor.u32 @!p1 $0x800, s10;
	s21 =	sor.u32 @!p1 $0xA000, s0  }
0x89: {  	[tilespmem:s21], [sflag:$0x2] =	stream.indirect.gather @!p1 [hbm4b:s5+s29], $0x10, s30, s29, $0xb8;
	[tilespmem:$0x1A000] =	vst v63  }
0x8a: {  	s21 =	sor.u32 @!p1 $0x2800, s0;
	s30 =	sor.u32 @!p1 $0x80, s10  }
0x8b: {  	[tilespmem:s21], [sflag:$0x2] =	stream.indirect.gather @!p1 [hbm4b:s4+s29], $0x10, s30, s29, $0xb8;
	[tilespmem:$0x1A000] =	vst v63  }
0x8c: {  	s21 =	sor.u32 @!p1 $0xA800, s0;
	s30 =	sor.u32 @!p1 $0x880, s10  }
0x8d: {  	[tilespmem:s21], [sflag:$0x2] =	stream.indirect.gather @!p1 [hbm4b:s5+s29], $0x10, s30, s29, $0xb8;
	[tilespmem:$0x1A000] =	vst v63  }
0x8e: {  	s21 =	sor.u32 @!p1 $0x3000, s0;
	s30 =	sor.u32 @!p1 $0x100, s10  }
0x8f: {  	[tilespmem:s21], [sflag:$0x2] =	stream.indirect.gather @!p1 [hbm4b:s4+s29], $0x10, s30, s29, $0xb8;
	[tilespmem:$0x1A000] =	vst v63  }
0x90: {  	s21 =	sor.u32 @!p1 $0xB000, s0;
	s30 =	sor.u32 @!p1 $0x900, s10  }
0x91: {  	[tilespmem:s21], [sflag:$0x2] =	stream.indirect.gather @!p1 [hbm4b:s5+s29], $0x10, s30, s29, $0xb8;
	[tilespmem:$0x1A000] =	vst v63  }
0x92: {  	s21 =	sor.u32 @!p1 $0x3800, s0;
	s30 =	sor.u32 @!p1 $0x180, s10  }
0x93: {  	[tilespmem:s21], [sflag:$0x2] =	stream.indirect.gather @!p1 [hbm4b:s4+s29], $0x10, s30, s29, $0xb8;
	[tilespmem:$0x1A000] =	vst v63  }
0x94: {  	s21 =	sor.u32 @!p1 $0xB800, s0;
	s30 =	sor.u32 @!p1 $0x980, s10  }
0x95: {  	[tilespmem:s21], [sflag:$0x2] =	stream.indirect.gather @!p1 [hbm4b:s5+s29], $0x10, s30, s29, $0xb8;
	[tilespmem:$0x1A000] =	vst v63  }
0x96: {  	s21 =	sadd.s32 @!p1 $0x4000, s0;
	s30 =	sor.u32 @!p1 $0x200, s10  }
0x97: {  	[tilespmem:s21], [sflag:$0x2] =	stream.indirect.gather @!p1 [hbm4b:s4+s29], $0x10, s30, s29, $0xb8;
	[tilespmem:$0x1A000] =	vst v63  }
0x98: {  	s21 =	sadd.s32 @!p1 $0xC000, s0;
	s30 =	sor.u32 @!p1 $0xA00, s10  }
0x99: {  	[tilespmem:s21], [sflag:$0x2] =	stream.indirect.gather @!p1 [hbm4b:s5+s29], $0x10, s30, s29, $0xb8;
	[tilespmem:$0x1A000] =	vst v63  }
0x9a: {  	s21 =	sadd.s32 @!p1 $0x4800, s0;
	s30 =	sor.u32 @!p1 $0x280, s10  }
0x9b: {  	[tilespmem:s21], [sflag:$0x2] =	stream.indirect.gather @!p1 [hbm4b:s4+s29], $0x10, s30, s29, $0xb8;
	[tilespmem:$0x1A000] =	vst v63  }
0x9c: {  	s21 =	sadd.s32 @!p1 $0xC800, s0;
	s30 =	sor.u32 @!p1 $0xA80, s10  }
0x9d: {  	[tilespmem:s21], [sflag:$0x2] =	stream.indirect.gather @!p1 [hbm4b:s5+s29], $0x10, s30, s29, $0xb8;
	[tilespmem:$0x1A000] =	vst v63  }
0x9e: {  	s21 =	sadd.s32 @!p1 $0x5000, s0;
	s30 =	sor.u32 @!p1 $0x300, s10  }
0x9f: {  	[tilespmem:s21], [sflag:$0x2] =	stream.indirect.gather @!p1 [hbm4b:s4+s29], $0x10, s30, s29, $0xb8;
	[tilespmem:$0x1A000] =	vst v63  }
0xa0: {  	s21 =	sadd.s32 @!p1 $0xD000, s0;
	s30 =	sor.u32 @!p1 $0xB00, s10  }
0xa1: {  	[tilespmem:s21], [sflag:$0x2] =	stream.indirect.gather @!p1 [hbm4b:s5+s29], $0x10, s30, s29, $0xb8;
	[tilespmem:$0x1A000] =	vst v63  }
0xa2: {  	s21 =	sadd.s32 @!p1 $0x5800, s0;
	s30 =	sor.u32 @!p1 $0x380, s10  }
0xa3: {  	[tilespmem:s21], [sflag:$0x2] =	stream.indirect.gather @!p1 [hbm4b:s4+s29], $0x10, s30, s29, $0xb8;
	[tilespmem:$0x1A000] =	vst v63  }
0xa4: {  	s0 =	sadd.s32 @!p1 $0xD800, s0;
	s10 =	sor.u32 @!p1 $0xB80, s10  }
0xa5: {  	[tilespmem:s0], [sflag:$0x2] =	stream.indirect.gather @!p1 [hbm4b:s5+s29], $0x10, s10, s29, $0xb8;
	[tilespmem:$0x1A000] =	vst v63  }
0xa6: {  	s0 =	simm.s32 $0x1  }
0xa7: {  	s0 =	simm.s32 @!p0 $0x0  }
0xa8: {  	p2 =	slt.u32 @!p1 s26, $0x2;
	s10 =	sshll.u32 s0, $0xE  }
0xa9: {  	p1 =	por p1, !p2;
	s11 =	sor.u32 $0xA080, s10  }
0xaa: {  	_ =	swait.ge @p1 [sflag:s22], $0x4000;
	s29 =	sor.u32 $0x2080, s10;
	v0 =	vmov s11  }
0xab: {  	[sflag:s22] =	ssyncset.done @p1 $0x0;
	s0 =	sshll.u32 s0, $0xA;
	v1 =	vmov s29  }
0xac: {  	[sflag:s22] =	ssyncadd.s32 @p1 $0xFFFFC000;
	s30 =	sor.u32 $0x1000, s0  }
0xad: {  	s31 =	sor.u32 $0x1800, s0;
	v3 =	vld [tilespmem:s30+$0x0]  }
0xae: {  	s29 =	simm.s32 $0x0;
	v4 =	vld [tilespmem:s31+$0x0]  }
0xaf: {  	v5 =	vld.idx.msk [tilespmem:v0+s29+$0xFFFFFF80 ss:$0x1], $0xffff  }
0xb0: {  	v6 =	vld.idx.msk [tilespmem:v1+s29+$0xFFFFFF80 ss:$0x1], $0xffff;
	_ =	sdelay $0x2  }
0xb1: {  	s21 =	sor.u32 $0x12080, s10;
	v7 =	vbroadcast v3, $0x0;
	v8 =	vbroadcast v4, $0x0  }
0xb2: {  	v2 =	vmov s21  }
0xb3: {  	v6 =	vmul.f32 v6, v7;
	v5 =	vmul.f32 v5, v8;
	_ =	sdelay $0x1  }
0xb4: {  	v5 =	vadd.f32 v5, v6;
	_ =	sdelay $0x1  }
0xb5: {  	[tilespmem:v2+s29+$0xFFFFFF80 ss:$0x1] =	vst.idx.msk $0xffff, v5  }
0xb6: {  	v5 =	vld.idx.msk [tilespmem:v1+s29+$0xFFFFFF90 ss:$0x1], $0xffff  }
0xb7: {  	v6 =	vld.idx.msk [tilespmem:v0+s29+$0xFFFFFF90 ss:$0x1], $0xffff;
	_ =	sdelay $0x2  }
0xb8: {  	v7 =	vbroadcast v3, $0x1;
	v8 =	vbroadcast v4, $0x1;
	_ =	sdelay $0x1  }
0xb9: {  	v5 =	vmul.f32 v5, v7;
	v6 =	vmul.f32 v6, v8;
	_ =	sdelay $0x1  }
0xba: {  	v5 =	vadd.f32 v6, v5;
	_ =	sdelay $0x1  }
0xbb: {  	[tilespmem:v2+s29+$0xFFFFFF90 ss:$0x1] =	vst.idx.msk $0xffff, v5  }
0xbc: {  	v5 =	vld.idx.msk [tilespmem:v1+s29+$0xFFFFFFA0 ss:$0x1], $0xffff  }
0xbd: {  	v6 =	vld.idx.msk [tilespmem:v0+s29+$0xFFFFFFA0 ss:$0x1], $0xffff;
	_ =	sdelay $0x2  }
0xbe: {  	v7 =	vbroadcast v3, $0x2;
	v8 =	vbroadcast v4, $0x2;
	_ =	sdelay $0x1  }
0xbf: {  	v5 =	vmul.f32 v5, v7;
	v6 =	vmul.f32 v6, v8;
	_ =	sdelay $0x1  }
0xc0: {  	v5 =	vadd.f32 v6, v5;
	_ =	sdelay $0x1  }
0xc1: {  	[tilespmem:v2+s29+$0xFFFFFFA0 ss:$0x1] =	vst.idx.msk $0xffff, v5  }
0xc2: {  	v5 =	vld.idx.msk [tilespmem:v1+s29+$0xFFFFFFB0 ss:$0x1], $0xffff  }
0xc3: {  	v6 =	vld.idx.msk [tilespmem:v0+s29+$0xFFFFFFB0 ss:$0x1], $0xffff;
	_ =	sdelay $0x2  }
0xc4: {  	v7 =	vbroadcast v3, $0x3;
	v8 =	vbroadcast v4, $0x3;
	_ =	sdelay $0x1  }
0xc5: {  	v5 =	vmul.f32 v5, v7;
	v6 =	vmul.f32 v6, v8;
	_ =	sdelay $0x1  }
0xc6: {  	v5 =	vadd.f32 v6, v5;
	_ =	sdelay $0x1  }
0xc7: {  	[tilespmem:v2+s29+$0xFFFFFFB0 ss:$0x1] =	vst.idx.msk $0xffff, v5  }
0xc8: {  	v5 =	vld.idx.msk [tilespmem:v1+s29+$0xFFFFFFC0 ss:$0x1], $0xffff  }
0xc9: {  	v6 =	vld.idx.msk [tilespmem:v0+s29+$0xFFFFFFC0 ss:$0x1], $0xffff;
	_ =	sdelay $0x2  }
0xca: {  	v7 =	vbroadcast v3, $0x4;
	v8 =	vbroadcast v4, $0x4;
	_ =	sdelay $0x1  }
0xcb: {  	v5 =	vmul.f32 v5, v7;
	v6 =	vmul.f32 v6, v8;
	_ =	sdelay $0x1  }
0xcc: {  	v5 =	vadd.f32 v6, v5;
	_ =	sdelay $0x1  }
0xcd: {  	[tilespmem:v2+s29+$0xFFFFFFC0 ss:$0x1] =	vst.idx.msk $0xffff, v5  }
0xce: {  	v5 =	vld.idx.msk [tilespmem:v1+s29+$0xFFFFFFD0 ss:$0x1], $0xffff  }
0xcf: {  	v6 =	vld.idx.msk [tilespmem:v0+s29+$0xFFFFFFD0 ss:$0x1], $0xffff;
	_ =	sdelay $0x2  }
0xd0: {  	v7 =	vbroadcast v3, $0x5;
	v8 =	vbroadcast v4, $0x5;
	_ =	sdelay $0x1  }
0xd1: {  	v5 =	vmul.f32 v5, v7;
	v6 =	vmul.f32 v6, v8;
	_ =	sdelay $0x1  }
0xd2: {  	v5 =	vadd.f32 v6, v5;
	_ =	sdelay $0x1  }
0xd3: {  	[tilespmem:v2+s29+$0xFFFFFFD0 ss:$0x1] =	vst.idx.msk $0xffff, v5  }
0xd4: {  	v5 =	vld.idx.msk [tilespmem:v1+s29+$0xFFFFFFE0 ss:$0x1], $0xffff  }
0xd5: {  	v6 =	vld.idx.msk [tilespmem:v0+s29+$0xFFFFFFE0 ss:$0x1], $0xffff;
	_ =	sdelay $0x2  }
0xd6: {  	v7 =	vbroadcast v3, $0x6;
	v8 =	vbroadcast v4, $0x6;
	_ =	sdelay $0x1  }
0xd7: {  	v5 =	vmul.f32 v5, v7;
	v6 =	vmul.f32 v6, v8;
	_ =	sdelay $0x1  }
0xd8: {  	v5 =	vadd.f32 v6, v5;
	_ =	sdelay $0x1  }
0xd9: {  	[tilespmem:v2+s29+$0xFFFFFFE0 ss:$0x1] =	vst.idx.msk $0xffff, v5  }
0xda: {  	v5 =	vld.idx.msk [tilespmem:v1+s29+$0xFFFFFFF0 ss:$0x1], $0xffff  }
0xdb: {  	v6 =	vld.idx.msk [tilespmem:v0+s29+$0xFFFFFFF0 ss:$0x1], $0xffff;
	_ =	sdelay $0x2  }
0xdc: {  	v7 =	vbroadcast v3, $0x7;
	v8 =	vbroadcast v4, $0x7;
	_ =	sdelay $0x1  }
0xdd: {  	v5 =	vmul.f32 v5, v7;
	v6 =	vmul.f32 v6, v8;
	_ =	sdelay $0x1  }
0xde: {  	v5 =	vadd.f32 v6, v5;
	_ =	sdelay $0x1  }
0xdf: {  	[tilespmem:v2+s29+$0xFFFFFFF0 ss:$0x1] =	vst.idx.msk $0xffff, v5  }
0xe0: {  	v5 =	vld.idx.msk [tilespmem:v1+s29+$0x0 ss:$0x1], $0xffff  }
0xe1: {  	v6 =	vld.idx.msk [tilespmem:v0+s29+$0x0 ss:$0x1], $0xffff;
	_ =	sdelay $0x2  }
0xe2: {  	v7 =	vbroadcast v3, $0x8;
	v8 =	vbroadcast v4, $0x8;
	_ =	sdelay $0x1  }
0xe3: {  	v5 =	vmul.f32 v5, v7;
	v6 =	vmul.f32 v6, v8;
	_ =	sdelay $0x1  }
0xe4: {  	v5 =	vadd.f32 v6, v5;
	_ =	sdelay $0x1  }
0xe5: {  	[tilespmem:v2+s29+$0x0 ss:$0x1] =	vst.idx.msk $0xffff, v5  }
0xe6: {  	v5 =	vld.idx.msk [tilespmem:v1+s29+$0x10 ss:$0x1], $0xffff  }
0xe7: {  	v6 =	vld.idx.msk [tilespmem:v0+s29+$0x10 ss:$0x1], $0xffff;
	_ =	sdelay $0x2  }
0xe8: {  	v7 =	vbroadcast v3, $0x9;
	v8 =	vbroadcast v4, $0x9;
	_ =	sdelay $0x1  }
0xe9: {  	v5 =	vmul.f32 v5, v7;
	v6 =	vmul.f32 v6, v8;
	_ =	sdelay $0x1  }
0xea: {  	v5 =	vadd.f32 v6, v5;
	_ =	sdelay $0x1  }
0xeb: {  	[tilespmem:v2+s29+$0x10 ss:$0x1] =	vst.idx.msk $0xffff, v5  }
0xec: {  	v5 =	vld.idx.msk [tilespmem:v1+s29+$0x20 ss:$0x1], $0xffff  }
0xed: {  	v6 =	vld.idx.msk [tilespmem:v0+s29+$0x20 ss:$0x1], $0xffff;
	_ =	sdelay $0x2  }
0xee: {  	v7 =	vbroadcast v3, $0xA;
	v8 =	vbroadcast v4, $0xA;
	_ =	sdelay $0x1  }
0xef: {  	v5 =	vmul.f32 v5, v7;
	v6 =	vmul.f32 v6, v8;
	_ =	sdelay $0x1  }
0xf0: {  	v5 =	vadd.f32 v6, v5;
	_ =	sdelay $0x1  }
0xf1: {  	[tilespmem:v2+s29+$0x20 ss:$0x1] =	vst.idx.msk $0xffff, v5  }
0xf2: {  	v5 =	vld.idx.msk [tilespmem:v1+s29+$0x30 ss:$0x1], $0xffff  }
0xf3: {  	v6 =	vld.idx.msk [tilespmem:v0+s29+$0x30 ss:$0x1], $0xffff;
	_ =	sdelay $0x2  }
0xf4: {  	v7 =	vbroadcast v3, $0xB;
	v8 =	vbroadcast v4, $0xB;
	_ =	sdelay $0x1  }
0xf5: {  	v5 =	vmul.f32 v5, v7;
	v6 =	vmul.f32 v6, v8;
	_ =	sdelay $0x1  }
0xf6: {  	v5 =	vadd.f32 v6, v5;
	_ =	sdelay $0x1  }
0xf7: {  	[tilespmem:v2+s29+$0x30 ss:$0x1] =	vst.idx.msk $0xffff, v5  }
0xf8: {  	v5 =	vld.idx.msk [tilespmem:v1+s29+$0x40 ss:$0x1], $0xffff  }
0xf9: {  	v6 =	vld.idx.msk [tilespmem:v0+s29+$0x40 ss:$0x1], $0xffff;
	_ =	sdelay $0x2  }
0xfa: {  	v7 =	vbroadcast v3, $0xC;
	v8 =	vbroadcast v4, $0xC;
	_ =	sdelay $0x1  }
0xfb: {  	v5 =	vmul.f32 v5, v7;
	v6 =	vmul.f32 v6, v8;
	_ =	sdelay $0x1  }
0xfc: {  	v5 =	vadd.f32 v6, v5;
	_ =	sdelay $0x1  }
0xfd: {  	[tilespmem:v2+s29+$0x40 ss:$0x1] =	vst.idx.msk $0xffff, v5  }
0xfe: {  	v5 =	vld.idx.msk [tilespmem:v1+s29+$0x50 ss:$0x1], $0xffff  }
0xff: {  	v6 =	vld.idx.msk [tilespmem:v0+s29+$0x50 ss:$0x1], $0xffff;
	_ =	sdelay $0x2  }
0x100: {  	v7 =	vbroadcast v3, $0xD;
	v8 =	vbroadcast v4, $0xD;
	_ =	sdelay $0x1  }
0x101: {  	v5 =	vmul.f32 v5, v7;
	v6 =	vmul.f32 v6, v8;
	_ =	sdelay $0x1  }
0x102: {  	v5 =	vadd.f32 v6, v5;
	_ =	sdelay $0x1  }
0x103: {  	[tilespmem:v2+s29+$0x50 ss:$0x1] =	vst.idx.msk $0xffff, v5  }
0x104: {  	v6 =	vld.idx.msk [tilespmem:v1+s29+$0x60 ss:$0x1], $0xffff  }
0x105: {  	v7 =	vld.idx.msk [tilespmem:v0+s29+$0x60 ss:$0x1], $0xffff;
	_ =	sdelay $0x2  }
0x106: {  	v9 =	vbroadcast v4, $0xE;
	v8 =	vbroadcast v3, $0xE  }
0x107: {  	v5 =	vbroadcast v3, $0xF;
	v3 =	vbroadcast v4, $0xF  }
0x108: {  	s0 =	sadd.s32 $0x1, s26;
	s10 =	sshll.u32 s28, $0xA;
	s21 =	simm.s32 $0x400;
	v4 =	vmul.f32 v6, v8;
	v6 =	vmul.f32 v7, v9  }
.LBB2_3:
0x109: {  	p1 =	sne.s32 s21, $0xFC00;
	s31 =	sadd.s32 $0x10, s31;
	s30 =	sadd.s32 $0x10, s30  }
0x10a: {  	s11 =	smov.u32 s21;
	s21 =	sadd.s32 $0x400, s21;
	v4 =	vadd.f32 v6, v4;
	_ =	sdelay $0x1  }
0x10b: {  	[tilespmem:v2+s29+$0x60 ss:$0x1] =	vst.idx.msk $0xffff, v4  }
0x10c: {  	v4 =	vld.idx.msk [tilespmem:v1+s29+$0x70 ss:$0x1], $0xffff  }
0x10d: {  	v6 =	vld.idx.msk [tilespmem:v0+s29+$0x70 ss:$0x1], $0xffff;
	_ =	sdelay $0x4  }
0x10e: {  	v4 =	vmul.f32 v4, v5  }
0x10f: {  	v3 =	vmul.f32 v6, v3;
	_ =	sdelay $0x1  }
0x110: {  	v3 =	vadd.f32 v3, v4;
	_ =	sdelay $0x1  }
0x111: {  	[tilespmem:v2+s29+$0x70 ss:$0x1] =	vst.idx.msk $0xffff, v3;
	s29 =	sshra.s32 s11, $0x2  }
0x112: {  	v5 =	vld.idx.msk [tilespmem:v0+s29+$0xFFFFFF80 ss:$0x1], $0xffff  }
0x113: {  	v3 =	vld [tilespmem:s30+$0x0]  }
0x114: {  	v4 =	vld [tilespmem:s31+$0x0]  }
0x115: {  	v6 =	vld.idx.msk [tilespmem:v1+s29+$0xFFFFFF80 ss:$0x1], $0xffff;
	_ =	sdelay $0x2  }
0x116: {  	v7 =	vbroadcast v3, $0x0  }
0x117: {  	v8 =	vbroadcast v4, $0x0;
	_ =	sdelay $0x1  }
0x118: {  	v6 =	vmul.f32 v6, v7;
	v5 =	vmul.f32 v5, v8;
	_ =	sdelay $0x1  }
0x119: {  	v5 =	vadd.f32 v5, v6;
	_ =	sdelay $0x1  }
0x11a: {  	[tilespmem:v2+s29+$0xFFFFFF80 ss:$0x1] =	vst.idx.msk $0xffff, v5  }
0x11b: {  	v5 =	vld.idx.msk [tilespmem:v1+s29+$0xFFFFFF90 ss:$0x1], $0xffff  }
0x11c: {  	v6 =	vld.idx.msk [tilespmem:v0+s29+$0xFFFFFF90 ss:$0x1], $0xffff;
	_ =	sdelay $0x2  }
0x11d: {  	v7 =	vbroadcast v3, $0x1;
	v8 =	vbroadcast v4, $0x1;
	_ =	sdelay $0x1  }
0x11e: {  	v5 =	vmul.f32 v5, v7  }
0x11f: {  	v6 =	vmul.f32 v6, v8;
	_ =	sdelay $0x1  }
0x120: {  	v5 =	vadd.f32 v6, v5;
	_ =	sdelay $0x1  }
0x121: {  	[tilespmem:v2+s29+$0xFFFFFF90 ss:$0x1] =	vst.idx.msk $0xffff, v5  }
0x122: {  	v5 =	vld.idx.msk [tilespmem:v1+s29+$0xFFFFFFA0 ss:$0x1], $0xffff  }
0x123: {  	v6 =	vld.idx.msk [tilespmem:v0+s29+$0xFFFFFFA0 ss:$0x1], $0xffff;
	_ =	sdelay $0x1  }
0x124: {  	v7 =	vbroadcast v3, $0x2;
	v8 =	vbroadcast v4, $0x2;
	_ =	sdelay $0x2  }
0x125: {  	v5 =	vmul.f32 v5, v7  }
0x126: {  	v6 =	vmul.f32 v6, v8;
	_ =	sdelay $0x1  }
0x127: {  	v5 =	vadd.f32 v6, v5;
	_ =	sdelay $0x1  }
0x128: {  	[tilespmem:v2+s29+$0xFFFFFFA0 ss:$0x1] =	vst.idx.msk $0xffff, v5  }
0x129: {  	v5 =	vld.idx.msk [tilespmem:v1+s29+$0xFFFFFFB0 ss:$0x1], $0xffff  }
0x12a: {  	v6 =	vld.idx.msk [tilespmem:v0+s29+$0xFFFFFFB0 ss:$0x1], $0xffff  }
0x12b: {  	v7 =	vbroadcast v3, $0x3;
	v8 =	vbroadcast v4, $0x3;
	_ =	sdelay $0x3  }
0x12c: {  	v5 =	vmul.f32 v5, v7  }
0x12d: {  	v6 =	vmul.f32 v6, v8;
	_ =	sdelay $0x1  }
0x12e: {  	v5 =	vadd.f32 v6, v5;
	_ =	sdelay $0x1  }
0x12f: {  	[tilespmem:v2+s29+$0xFFFFFFB0 ss:$0x1] =	vst.idx.msk $0xffff, v5  }
0x130: {  	v5 =	vld.idx.msk [tilespmem:v1+s29+$0xFFFFFFC0 ss:$0x1], $0xffff  }
0x131: {  	v8 =	vbroadcast v4, $0x4;
	v6 =	vbroadcast v3, $0x4;
	v7 =	vld.idx.msk [tilespmem:v0+s29+$0xFFFFFFC0 ss:$0x1], $0xffff;
	_ =	sdelay $0x4  }
0x132: {  	v5 =	vmul.f32 v5, v6  }
0x133: {  	v6 =	vmul.f32 v7, v8;
	_ =	sdelay $0x1  }
0x134: {  	v5 =	vadd.f32 v6, v5;
	_ =	sdelay $0x1  }
0x135: {  	[tilespmem:v2+s29+$0xFFFFFFC0 ss:$0x1] =	vst.idx.msk $0xffff, v5  }
0x136: {  	v7 =	vbroadcast v4, $0x5;
	v6 =	vbroadcast v3, $0x5;
	v5 =	vld.idx.msk [tilespmem:v1+s29+$0xFFFFFFD0 ss:$0x1], $0xffff  }
0x137: {  	v8 =	vld.idx.msk [tilespmem:v0+s29+$0xFFFFFFD0 ss:$0x1], $0xffff;
	_ =	sdelay $0x4  }
0x138: {  	v5 =	vmul.f32 v5, v6  }
0x139: {  	v6 =	vmul.f32 v8, v7;
	_ =	sdelay $0x1  }
0x13a: {  	v5 =	vadd.f32 v6, v5;
	_ =	sdelay $0x1  }
0x13b: {  	v6 =	vbroadcast v4, $0x6;
	[tilespmem:v2+s29+$0xFFFFFFD0 ss:$0x1] =	vst.idx.msk $0xffff, v5;
	v5 =	vbroadcast v3, $0x6  }
0x13c: {  	v7 =	vld.idx.msk [tilespmem:v1+s29+$0xFFFFFFE0 ss:$0x1], $0xffff  }
0x13d: {  	v8 =	vld.idx.msk [tilespmem:v0+s29+$0xFFFFFFE0 ss:$0x1], $0xffff;
	_ =	sdelay $0x4  }
0x13e: {  	v5 =	vmul.f32 v7, v5  }
0x13f: {  	v6 =	vmul.f32 v8, v6;
	_ =	sdelay $0x1  }
0x140: {  	v5 =	vadd.f32 v6, v5  }
0x141: {  	v7 =	vbroadcast v4, $0x7;
	v6 =	vbroadcast v3, $0x7  }
0x142: {  	[tilespmem:v2+s29+$0xFFFFFFE0 ss:$0x1] =	vst.idx.msk $0xffff, v5  }
0x143: {  	v5 =	vld.idx.msk [tilespmem:v1+s29+$0xFFFFFFF0 ss:$0x1], $0xffff  }
0x144: {  	v8 =	vld.idx.msk [tilespmem:v0+s29+$0xFFFFFFF0 ss:$0x1], $0xffff;
	_ =	sdelay $0x4  }
0x145: {  	v5 =	vmul.f32 v5, v6  }
0x146: {  	v6 =	vmul.f32 v8, v7;
	_ =	sdelay $0x1  }
0x147: {  	v7 =	vbroadcast v4, $0x8;
	v5 =	vadd.f32 v6, v5;
	v6 =	vbroadcast v3, $0x8;
	_ =	sdelay $0x1  }
0x148: {  	[tilespmem:v2+s29+$0xFFFFFFF0 ss:$0x1] =	vst.idx.msk $0xffff, v5  }
0x149: {  	v5 =	vld.idx.msk [tilespmem:v1+s29+$0x0 ss:$0x1], $0xffff  }
0x14a: {  	v8 =	vld.idx.msk [tilespmem:v0+s29+$0x0 ss:$0x1], $0xffff;
	_ =	sdelay $0x4  }
0x14b: {  	v5 =	vmul.f32 v5, v6  }
0x14c: {  	v6 =	vmul.f32 v8, v7  }
0x14d: {  	v7 =	vbroadcast v3, $0x9;
	v8 =	vbroadcast v4, $0x9  }
0x14e: {  	v5 =	vadd.f32 v6, v5;
	_ =	sdelay $0x1  }
0x14f: {  	[tilespmem:v2+s29+$0x0 ss:$0x1] =	vst.idx.msk $0xffff, v5  }
0x150: {  	v5 =	vld.idx.msk [tilespmem:v1+s29+$0x10 ss:$0x1], $0xffff  }
0x151: {  	v6 =	vld.idx.msk [tilespmem:v0+s29+$0x10 ss:$0x1], $0xffff;
	_ =	sdelay $0x4  }
0x152: {  	v5 =	vmul.f32 v5, v7;
	v7 =	vbroadcast v3, $0xA  }
0x153: {  	v6 =	vmul.f32 v6, v8;
	v8 =	vbroadcast v4, $0xA;
	_ =	sdelay $0x1  }
0x154: {  	v5 =	vadd.f32 v6, v5;
	_ =	sdelay $0x1  }
0x155: {  	[tilespmem:v2+s29+$0x10 ss:$0x1] =	vst.idx.msk $0xffff, v5  }
0x156: {  	v5 =	vld.idx.msk [tilespmem:v1+s29+$0x20 ss:$0x1], $0xffff  }
0x157: {  	v6 =	vld.idx.msk [tilespmem:v0+s29+$0x20 ss:$0x1], $0xffff;
	_ =	sdelay $0x3  }
0x158: {  	v9 =	vbroadcast v3, $0xB  }
0x159: {  	v5 =	vmul.f32 v5, v7;
	v7 =	vbroadcast v4, $0xB  }
0x15a: {  	v6 =	vmul.f32 v6, v8;
	_ =	sdelay $0x1  }
0x15b: {  	v5 =	vadd.f32 v6, v5;
	_ =	sdelay $0x1  }
0x15c: {  	[tilespmem:v2+s29+$0x20 ss:$0x1] =	vst.idx.msk $0xffff, v5  }
0x15d: {  	v5 =	vld.idx.msk [tilespmem:v1+s29+$0x30 ss:$0x1], $0xffff  }
0x15e: {  	v6 =	vld.idx.msk [tilespmem:v0+s29+$0x30 ss:$0x1], $0xffff;
	_ =	sdelay $0x3  }
0x15f: {  	v10 =	vbroadcast v4, $0xC;
	v8 =	vbroadcast v3, $0xC  }
0x160: {  	v5 =	vmul.f32 v5, v9  }
0x161: {  	v6 =	vmul.f32 v6, v7;
	_ =	sdelay $0x1  }
0x162: {  	v5 =	vadd.f32 v6, v5;
	_ =	sdelay $0x1  }
0x163: {  	[tilespmem:v2+s29+$0x30 ss:$0x1] =	vst.idx.msk $0xffff, v5  }
0x164: {  	v5 =	vld.idx.msk [tilespmem:v1+s29+$0x40 ss:$0x1], $0xffff  }
0x165: {  	v6 =	vld.idx.msk [tilespmem:v0+s29+$0x40 ss:$0x1], $0xffff;
	_ =	sdelay $0x2  }
0x166: {  	v9 =	vbroadcast v4, $0xD;
	v7 =	vbroadcast v3, $0xD;
	_ =	sdelay $0x1  }
0x167: {  	v5 =	vmul.f32 v5, v8  }
0x168: {  	v6 =	vmul.f32 v6, v10;
	_ =	sdelay $0x1  }
0x169: {  	v5 =	vadd.f32 v6, v5;
	_ =	sdelay $0x1  }
0x16a: {  	[tilespmem:v2+s29+$0x40 ss:$0x1] =	vst.idx.msk $0xffff, v5  }
0x16b: {  	v5 =	vld.idx.msk [tilespmem:v1+s29+$0x50 ss:$0x1], $0xffff  }
0x16c: {  	v6 =	vld.idx.msk [tilespmem:v0+s29+$0x50 ss:$0x1], $0xffff;
	_ =	sdelay $0x1  }
0x16d: {  	v8 =	vbroadcast v3, $0xE;
	v10 =	vbroadcast v4, $0xE;
	_ =	sdelay $0x2  }
0x16e: {  	v5 =	vmul.f32 v5, v7  }
0x16f: {  	v6 =	vmul.f32 v6, v9;
	_ =	sdelay $0x1  }
0x170: {  	v5 =	vadd.f32 v6, v5;
	_ =	sdelay $0x1  }
0x171: {  	[tilespmem:v2+s29+$0x50 ss:$0x1] =	vst.idx.msk $0xffff, v5  }
0x172: {  	v6 =	vld.idx.msk [tilespmem:v1+s29+$0x60 ss:$0x1], $0xffff  }
0x173: {  	v7 =	vld.idx.msk [tilespmem:v0+s29+$0x60 ss:$0x1], $0xffff  }
0x174: {  	v5 =	vbroadcast v3, $0xF;
	v3 =	vbroadcast v4, $0xF  }
.Ltmp0:
0x175: {  	(pc) =	sbr.rel @p1 .LBB2_3-.Ltmp0, $3  }
0x176: {  	_ =	sdelay $0x1  }
0x177: {  	v4 =	vmul.f32 v6, v8  }
0x178: {  	v6 =	vmul.f32 v7, v10  }
0x179: {  	_ =	sdelay $0x1  }
0x17a: {  	v4 =	vadd.f32 v6, v4;
	_ =	sdelay $0x1  }
0x17b: {  	[tilespmem:v2+s29+$0x60 ss:$0x1] =	vst.idx.msk $0xffff, v4  }
0x17c: {  	v1 =	vld.idx.msk [tilespmem:v1+s29+$0x70 ss:$0x1], $0xffff  }
0x17d: {  	v0 =	vld.idx.msk [tilespmem:v0+s29+$0x70 ss:$0x1], $0xffff;
	_ =	sdelay $0x4  }
0x17e: {  	v1 =	vmul.f32 v1, v5;
	v0 =	vmul.f32 v0, v3  }
0x17f: {  	s11 =	sshll.u32 s26, $0xE  }
0x180: {  	s11 =	sadd.s32 s18, s11;
	v0 =	vadd.f32 v0, v1  }
0x181: {  	s21 =	sshll.u32 s28, $0xE;
	s11 =	sshrl.u32 s11, $0x3  }
0x182: {  	p1 =	sgt.u32 s26, $0x2E;
	s21 =	sor.u32 $0x12000, s21;
	s11 =	sadd.s32 s9, s11;
	[tilespmem:v2+s29+$0x70 ss:$0x1] =	vst.idx.msk $0xffff, v0  }
0x183: {  	[hbm4b:s11+s3] =	stream.linear.scatter [tilespmem:s21], [sflag:$0x3], $0x4000, $0x38;
	[tilespmem:$0x1A000] =	vst v63  }
0x184: {  	s11 =	sshll.u32 @!p1 s26, $0xA  }
0x185: {  	s11 =	sadd.s32 @!p1 s11, s19  }
0x186: {  	s11 =	sshrl.u32 @!p1 s11, $0x3  }
0x187: {  	s26 =	simm.s32 @!p1 $0x0;
	s21 =	sadd.s32 @!p1 s2, s11  }
0x188: {  	[tilespmem:s10], [sflag:$0x1] =	stream.linear.gather @!p1 [hbm4b:s21+s26], $0x400, $0x38;
	[tilespmem:$0x1A000] =	vst v63  }
0x189: {  	s28 =	sadd.s32 @!p1 s6, s11;
	s21 =	sor.u32 @!p1 $0x800, s10  }
0x18a: {  	[tilespmem:s21], [sflag:$0x1] =	stream.linear.gather @!p1 [hbm4b:s28+s26], $0x400, $0x38;
	[tilespmem:$0x1A000] =	vst v63  }
0x18b: {  	s21 =	sor.u32 @!p1 $0x1000, s10;
	s28 =	sadd.s32 @!p1 s7, s11  }
0x18c: {  	[tilespmem:s21], [sflag:$0x1] =	stream.linear.gather @!p1 [hbm4b:s28+s26], $0x400, $0x38;
	[tilespmem:$0x1A000] =	vst v63  }
0x18d: {  	s10 =	sor.u32 @!p1 $0x1800, s10;
	s11 =	sadd.s32 @!p1 s8, s11  }
0x18e: {  	[tilespmem:s10], [sflag:$0x1] =	stream.linear.gather @!p1 [hbm4b:s11+s26], $0x400, $0x38;
	[tilespmem:$0x1A000] =	vst v63  }
0x18f: {  	p1 =	sne.s32 s0, $0x31  }
.Ltmp1:
0x190: {  	_ = 	snop;
	(pc) =	sbr.rel @p1 .LBB2_2-.Ltmp1, $2  }
0x191: {  	_ =	sdelay $0x2  }
0x192: {  	p0 =	por !p0, !p0;
	s26 =	smov.u32 s0  }
0x193: {  	s23 =	sadd.s32 $0x1, s23  }
0x194: {  	_ =	swait.ge [sflag:s22], $0x4000;
	p0 =	sne.s32 s23, s20  }
.Ltmp2:
0x195: {  	[sflag:s22] =	ssyncset.done $0x0;
	(pc) =	sbr.rel @p0 .LBB2_1-.Ltmp2, $4  }
0x196: {  	[sflag:s22] =	ssyncadd.s32 $0xFFFFC000  }
0x197: {  	_ =	swait.ge [sflag:s22], $0x4000  }
0x198: {  	[sflag:s22] =	ssyncset.done $0x0  }
0x199: {  	[sflag:s22] =	ssyncadd.s32 $0xFFFFC000  }
0x19a: {  	_ =	sfence.sel $0x180000  }
0x19b: {  	[bflag:$0x0] =	sbarrier.arrive $0xFFFF  }
0x19c: {  	_ =	strace $0x90000047  }
0x19d: {  	s0 =	stileid.u32;
	[bflag:$0x2] =	sbarrier.arrive $0xFFFF  }
0x19e: {  	p0 =	sne.s32 s0, $0x0;
	s0 =	rddreg [dreg:$0x2]  }
0x19f: {  	s0 =	sadd.s32 @!p0 $0x100000, s0  }
0x1a0: {  	[sflag:s0] =	ssyncadd.tile.s32 @!p0 $0x1;
	_ =	shalt  }
.Lfunc_end2:
_tile_overlayer_lowered:
.L_overlay_start_2:
0x1a1: {  	(tag) =	ssettag $0x2  }
0x1a2: {  	s0 =	rddreg [dreg:$0x0];
	s2 =	stileid.u32  }
0x1a3: {  	s1 =	rddreg [dreg:$0x1];
	p0 =	sne.s32 s2, $0x0  }
0x1a4: {  	s3 =	rddreg [dreg:$0x2];
	[bflag:$0x3] =	sbarrier.arrive $0xFFFF;
	s2 =	simm.s32 @!p0 $0x1C04  }
0x1a5: {  	[timem:s3], [sflag:s2] =	dma.local @!p0 [hbm:s0], s1  }
0x1a6: {  	s0 =	simm.s32 @!p0 $0x4  }
0x1a7: {  	_ =	swait.ge @!p0 [sflag:s0], s1  }
0x1a8: {  	s1 =	ssub.s32 @!p0 $0x0, s1;
	[sflag:s0] =	ssyncset.done @!p0 $0x0  }
0x1a9: {  	[sflag:s0] =	ssyncadd.s32 @!p0 s1  }
0x1aa: {  	[bflag:$0x3] =	sbarrier.arrive $0xFFFF  }
0x1ab: {  	_ =	shalt  }

// kernel: kernel.9.cloned.1.call-start
scs
__scs_entry_jumppad:
0x0: {  	(pc) =	sbr.rel $0x88, $3  }
0x1: {  	(tag) =	ssettag $0x0;
	lr =	simm.s32 $0x1  }
0x2: {  	[smem:$0x3F92] =	sst lr;
	_ =	strace $0xD0000000  }
0x3: {  	_ = 	snop  }
0x4: {  	_ = 	snop  }
0x5: {  	_ = 	snop  }
0x6: {  	_ = 	snop  }
0x7: {  	_ = 	snop  }
__scs_overlays_trampoline_lowered:
0x8: {  	[smem:$0x3FA1] =	sst s0  }
0x9: {  	[smem:$0x3FA2] =	sst s1  }
0xa: {  	[smem:$0x3FA3] =	sst s2  }
0xb: {  	[smem:$0x3FA4] =	sst s3  }
0xc: {  	[smem:$0x3FA5] =	sst s4  }
0xd: {  	[smem:$0x3FA6] =	sst s5  }
0xe: {  	[smem:$0x3FA7] =	sst s6  }
0xf: {  	[smem:$0x3FA8] =	sst s7  }
0x10: {  	[smem:$0x3FA9] =	sst s8  }
0x11: {  	[smem:$0x3FAA] =	sst s9;
	s0 =	simm.s32 @!p0 $0x0  }
0x12: {  	s1 =	sld [smem:$0x3F90];
	s0 =	simm.s32 @p0 $0x1  }
0x13: {  	[smem:$0x3FAB] =	sst s0;
	s0 =	simm.s32 @!p1 $0x0  }
0x14: {  	s2 =	sld [smem:$0x3F8F];
	s0 =	simm.s32 @p1 $0x1  }
0x15: {  	[smem:$0x3FAC] =	sst s0;
	s0 =	simm.s32 @!p2 $0x0  }
0x16: {  	s3 =	sld [smem:$0x3FDB];
	s0 =	simm.s32 @p2 $0x1  }
0x17: {  	s4 =	simm.s32 $0x1BF5;
	[smem:$0x3FAE] =	sst s0  }
0x18: {  	s0 =	sld [smem:$0x3F91];
	_ =	swait.ge [sflag:s4], $0x0  }
0x19: {  	s7 =	sld [smem:$0x3F92]  }
0x1a: {  	s8 =	sadd.s32 $0xFFFFE003, lr  }
0x1b: {  	s9 =	sadd.s32 $0xFFFFFEF7, lr;
	s5 =	simm.s32 $0xFFFFFFFF;
	p2 =	slt.u32 s8, $0xFFFFF086  }
0x1c: {  	p1 =	slt.u32 s9, $0xF7A;
	s5 =	simm.s32 @!p2 $0x0  }
0x1d: {  	s5 =	simm.s32 @p1 $0x1;
	p0 =	seq.s32 s7, s2  }
0x1e: {  	s7 =	smul.u32 @!p0 $0xF7A, s2;
	p2 =	seq.s32 @!p0 s5, $0x0  }
0x1f: {  	s9 =	smul.u32 $0xF7A, s1;
	s8 =	simm.s32 @!p0 $0x1BF5;
	p2 =	por !p2, p0  }
0x20: {  	[sflag:s8] =	ssyncset.s32 @!p0 $0xFFFFF086;
	s6 =	sadd.s32 @!p0 s3, s7;
	s7 =	simm.s32 @!p0 $0x108  }
0x21: {  	s3 =	sadd.s32 s3, s9;
	s6 =	sadd.s32 @!p0 $0x88, s6;
	s7 =	simm.s32 @p2 $0x1082  }
0x22: {  	[simem:s7], [sflag:s8] =	dma.local @!p0 [hbm:s6], $0xF7A  }
0x23: {  	s9 =	sor.u32 $0xD0000000, s2;
	s6 =	simm.s32 $0x108;
	_ =	swait.ge @!p0 [sflag:s8], $0x0  }
0x24: {  	s3 =	sadd.s32 $0x88, s3;
	s6 =	simm.s32 @!p1 $0x1082;
	[sflag:s4] =	ssyncset.s32 $0xFFFFF086  }
0x25: {  	[simem:s6], [sflag:s4] =	dma.local [hbm:s3], $0xF7A  }
0x26: {  	[smem:$0x3F92] =	sst s1;
	(tag) =	ssettag s2;
	_ =	strace s9  }
0x27: {  	s1 =	sld [smem:$0x3FA2]  }
0x28: {  	s2 =	sld [smem:$0x3FA3]  }
0x29: {  	s4 =	sld [smem:$0x3FA5]  }
0x2a: {  	p0 =	seq.s32 s5, $0x0;
	s5 =	sld [smem:$0x3FA6]  }
0x2b: {  	s6 =	sld [smem:$0x3FA7]  }
0x2c: {  	s7 =	sld [smem:$0x3FA8]  }
0x2d: {  	s3 =	simm.s32 $0x108;
	s8 =	sld [smem:$0x3FA9]  }
0x2e: {  	s3 =	simm.s32 @!p0 $0x1082;
	s9 =	sld [smem:$0x3FAA]  }
0x2f: {  	lr =	sadd.s32 s0, s3;
	s0 =	sld [smem:$0x3FA1]  }
0x30: {  	s3 =	sld [smem:$0x3FA4]  }
0x31: {  	[smem:$0x3FAD] =	sst s10  }
0x32: {  	s10 =	sld [smem:$0x3FAB];
	_ =	sdelay $0x3  }
0x33: {  	p0 =	seq.s32 s10, $0x1;
	s10 =	sld [smem:$0x3FAD];
	_ =	sdelay $0x3  }
0x34: {  	[smem:$0x3FAD] =	sst s10  }
0x35: {  	s10 =	sld [smem:$0x3FAC];
	_ =	sdelay $0x3  }
0x36: {  	p1 =	seq.s32 s10, $0x1;
	s10 =	sld [smem:$0x3FAD];
	_ =	sdelay $0x3  }
0x37: {  	[smem:$0x3FAD] =	sst s10  }
0x38: {  	s10 =	sld [smem:$0x3FAE]  }
0x39: {  	_ = 	snop;
	(pc) =	sbr.ind lr, $3  }
0x3a: {  	_ = 	snop  }
0x3b: {  	_ = 	snop  }
0x3c: {  	p2 =	seq.s32 s10, $0x1;
	s10 =	sld [smem:$0x3FAD]  }
0x3d: {  	_ =	shalt  }
0x3e: {  	_ =	shalt  }
0x3f: {  	_ =	shalt  }
0x40: {  	_ =	shalt  }
0x41: {  	_ =	shalt  }
0x42: {  	_ =	shalt  }
0x43: {  	_ =	shalt  }
0x44: {  	_ =	shalt  }
0x45: {  	_ =	shalt  }
0x46: {  	_ =	shalt  }
0x47: {  	_ =	shalt  }
0x48: {  	_ =	shalt  }
0x49: {  	_ =	shalt  }
0x4a: {  	_ =	shalt  }
0x4b: {  	_ =	shalt  }
0x4c: {  	_ =	shalt  }
0x4d: {  	_ =	shalt  }
0x4e: {  	_ =	shalt  }
0x4f: {  	_ =	shalt  }
0x50: {  	_ =	shalt  }
0x51: {  	_ =	shalt  }
0x52: {  	_ =	shalt  }
0x53: {  	_ =	shalt  }
0x54: {  	_ =	shalt  }
0x55: {  	_ =	shalt  }
0x56: {  	_ =	shalt  }
0x57: {  	_ =	shalt  }
0x58: {  	_ =	shalt  }
0x59: {  	_ =	shalt  }
0x5a: {  	_ =	shalt  }
0x5b: {  	_ =	shalt  }
0x5c: {  	_ =	shalt  }
0x5d: {  	_ =	shalt  }
0x5e: {  	_ =	shalt  }
0x5f: {  	_ =	shalt  }
0x60: {  	_ =	shalt  }
0x61: {  	_ =	shalt  }
0x62: {  	_ =	shalt  }
0x63: {  	_ =	shalt  }
0x64: {  	_ =	shalt  }
0x65: {  	_ =	shalt  }
0x66: {  	_ =	shalt  }
0x67: {  	_ =	shalt  }
0x68: {  	_ =	shalt  }
0x69: {  	_ =	shalt  }
0x6a: {  	_ =	shalt  }
0x6b: {  	_ =	shalt  }
0x6c: {  	_ =	shalt  }
0x6d: {  	_ =	shalt  }
0x6e: {  	_ =	shalt  }
0x6f: {  	_ =	shalt  }
0x70: {  	_ =	shalt  }
0x71: {  	_ =	shalt  }
0x72: {  	_ =	shalt  }
0x73: {  	_ =	shalt  }
0x74: {  	_ =	shalt  }
0x75: {  	_ =	shalt  }
0x76: {  	_ =	shalt  }
0x77: {  	_ =	shalt  }
0x78: {  	_ =	shalt  }
0x79: {  	_ =	shalt  }
0x7a: {  	_ =	shalt  }
0x7b: {  	_ =	shalt  }
0x7c: {  	_ =	shalt  }
0x7d: {  	_ =	shalt  }
0x7e: {  	_ =	shalt  }
0x7f: {  	_ =	shalt  }
0x80: {  	_ =	shalt  }
0x81: {  	_ =	shalt  }
0x82: {  	_ =	shalt  }
0x83: {  	_ =	shalt  }
0x84: {  	_ =	shalt  }
0x85: {  	_ =	shalt  }
0x86: {  	_ =	shalt  }
0x87: {  	_ =	shalt  }
.Lfunc_end0:
.L_simem_size_0:
called_computation.1_lowered:
.L_overlay_start_0:
0x88: {  	s2 =	sld [smem:$0x3FD9]  }
0x89: {  	s3 =	sld [smem:$0x3FFE];
	_ =	sdelay $0x1  }
0x8a: {  	s1 =	srdreg.scid  }
0x8b: {  	s0 =	sand.u32 $0x1, s1  }
0x8c: {  	s17 =	sshll.u32 s0, $0xA;
	s2 =	sadd.s32 s3, s2  }
0x8d: {  	s2 =	sadd.s32 s2, s17  }
0x8e: {  	[smem:$0x3FB9] =	sst s2  }
0x8f: {  	_ = 	snop  }
0x90: {  	s2 =	sld [smem:$0x3FD0];
	(tm) =	ssettm $0x1  }
0x91: {  	s18 =	sld [smem:$0x3FFB];
	_ =	sdelay $0x3  }
0x92: {  	_ =	strace s18  }
0x93: {  	s3 =	sld [smem:$0x3FFC];
	_ =	sdelay $0x3  }
0x94: {  	_ =	strace s3  }
0x95: {  	s3 =	sld [smem:$0x3FFD];
	_ =	sdelay $0x3  }
0x96: {  	_ =	strace s3  }
0x97: {  	_ =	strace $0x8FFFFFFF  }
0x98: {  	s19 =	sld [smem:$0x3FDB];
	_ =	sdelay $0x1  }
0x99: {  	s4 =	simm.s32 $_scs_section_size  }
0x9a: {  	s5 =	simm.s32 $_size__tile_overlayer_lowered;
	s6 =	simm.s32 $_tile_overlayer_lowered  }
0x9b: {  	s22 =	simm.s32 $0x1BFF;
	s21 =	sshll.u32 s6, $0x1;
	s3 =	sadd.s32 s4, s19  }
0x9c: {  	s7 =	simm.s32 $0x0;
	s20 =	sshll.u32 s5, $0x1;
	s5 =	sadd.s32 s21, s3  }
0x9d: {  	[timem:s7], [sflag:s22] =	dma.local [hbm:s5], s20  }
0x9e: {  	_ =	swait.ge [sflag:s22], s20  }
0x9f: {  	s4 =	ssub.s32 $0x0, s20;
	[sflag:s22] =	ssyncset.done $0x0  }
0xa0: {  	[sflag:s22] =	ssyncadd.s32 s4;
	_ =	sdelay $0x1  }
0xa1: {  	s23 =	simm.s32 $0x1B8B  }
0xa2: {  	_ =	swait.ge [sflag:s23], $0x1  }
0xa3: {  	[sflag:s23] =	ssyncset.done $0x0  }
0xa4: {  	s25 =	simm.s32 $0x1B8E;
	s24 =	sld [smem:$0x3FFE];
	[sflag:s23] =	ssyncadd.s32 $0xFFFFFFFF  }
0xa5: {  	s26 =	simm.s32 $execute0_lowered;
	[smem:$0x3FD2] =	sst s25  }
0xa6: {  	s5 =	sshll.u32 s26, $0x1;
	_ =	strace $0x80000049;
	[dreg:$0x1] =	wrdreg $0xFFFFFFFF  }
0xa7: {  	s28 =	simm.s32 $_size_execute0_lowered;
	s3 =	sadd.s32 s3, s5;
	[dreg:$0x0] =	wrdreg $0x0  }
0xa8: {  	s5 =	sshll.u32 s28, $0x1;
	[dreg:$0x2] =	wrdreg s3  }
0xa9: {  	[dreg:$0x3] =	wrdreg s5  }
0xaa: {  	[dreg:$0x4] =	wrdreg $0xC0  }
0xab: {  	_ =	task [dreg:s7], $0x5FFFF  }
0xac: {  	[dreg:$0x1] =	wrdreg $0xFFFFFFFF  }
0xad: {  	[dreg:$0x0] =	wrdreg $0x60  }
0xae: {  	[dreg:$0x2] =	wrdreg s24  }
0xaf: {  	[dreg:$0x3] =	wrdreg s2  }
0xb0: {  	[dreg:$0x4] =	wrdreg $0x8C000  }
0xb1: {  	[dreg:$0x5] =	wrdreg $0x9  }
0xb2: {  	_ =	task.clear_ibuf [dreg:s7], $0x6FFFF;
	_ =	strace $0x90000049  }
0xb3: {  	s29 =	simm.s32 $0x9;
	_ =	strace $0x8000004B  }
0xb4: {  	_ =	swait.ge [sflag:s29], $0x1  }
0xb5: {  	[sflag:s29] =	ssyncadd.s32 $0xFFFFFFFF  }
0xb6: {  	_ =	strace $0x9000004B  }
0xb7: {  	_ =	sfence  }
0xb8: {  	s30 =	sld [smem:$0x0];
	_ =	sdelay $0x2  }
0xb9: {  	s31 =	sshll.u32 s1, $0xD;
	s1 =	sshrl.u32 s1, $0x2  }
0xba: {  	s3 =	sand.u32 $0x4000, s31;
	s1 =	sadd.s32 s1, s30  }
0xbb: {  	s0 =	sor.u32 s3, s0;
	s1 =	sshll.u32 s1, $0x11  }
0xbc: {  	s0 =	sor.u32 s1, s0  }
0xbd: {  	s0 =	sadd.s32 $0x8F2B, s0  }
0xbe: {  	[sflag:s0] =	ssyncadd.remote.s32 $0x1  }
0xbf: {  	_ =	sfence.sel $0xFFFF  }
0xc0: {  	[dreg:$0x0] =	wrdreg $0xFFFFFFFF;
	(pc) =	sbr.abs _section_cstart, $3  }
0xc1: {  	[dreg:$0x1] =	wrdreg $0xFFFFFFFF  }
0xc2: {  	_ =	task.clear_ibuf [dreg:s7], $0x2FFFF;
	_ =	strace $0x9FFFFFFF  }
0xc3: {  	(tm) =	ssettm $0x7FFFFFFF  }
tec
execute0_lowered:
.L_overlay_start_1:
0x0: {  	(tag) =	ssettag $0x1  }
0x1: {  	s0 =	rddreg [dreg:$0x0]  }
0x2: {  	s1 =	rddreg [dreg:$0x1]  }
0x3: {  	s2 =	rddreg [dreg:$0x2];
	s3 =	simm.s32 $0x0;
	s18 =	stileid.u32  }
0x4: {  	s4 =	srdreg.scid;
	s19 =	simm.s32 $0x3;
	s20 =	simm.s32 $0x400  }
0x5: {  	s21 =	simm.s32 $0x800;
	s22 =	simm.s32 $0x1;
	s5 =	smul.u32 $0x4E000, s18  }
0x6: {  	s23 =	simm.s32 $0x70;
	s28 =	simm.s32 $0x100;
	s6 =	smul.u32 $0x380, s18  }
0x7: {  	s29 =	simm.s32 $0x80;
	[smem:$0x7FF] =	sst s3;
	s14 =	smul.u32 $0x188000, s18  }
0x8: {  	s13 =	sand.u32 $0x1, s4;
	s4 =	sadd.s32 $0x3E00, s0;
	s15 =	smul.u32 $0x27000, s18  }
0x9: {  	s11 =	sadd.s32 $0x138000, s2;
	p0 =	sne.s32 s18, $0xF;
	s18 =	simm.s32 $0x1C00  }
0xa: {  	_ =	strace $0x8000004A;
	s7 =	ssub.s32 $0x2, s13;
	s17 =	sshll.u32 s13, $0xA  }
0xb: {  	s31 =	sshll.u32 s13, $0x7;
	s8 =	sshrl.u32 s7, $0x1;
	s5 =	sshrl.u32 s5, $0x2  }
0xc: {  	s0 =	sadd.s32 s6, s0;
	s25 =	sor.u32 s17, s14;
	s26 =	sor.u32 s17, s15  }
0xd: {  	s16 =	ssub.s32 s7, s8;
	s5 =	sadd.s32 s5, s2;
	s12 =	sadd.s32 $0x3ABE00, s0  }
.Ltmp0:
0xe: {  	s30 =	sshrl.u32 s25, $0x3;
	s14 =	sshrl.u32 s26, $0x3;
	(pc) =	sbr.rel .LBB2_1-.Ltmp0, $4  }
0xf: {  	s0 =	sor.u32 $0x7000, s25;
	s25 =	simm.s32 $0x2;
	s6 =	sadd.s32 $0x3800, s5  }
0x10: {  	s7 =	sadd.s32 $0x7000, s5;
	s8 =	sadd.s32 $0xA800, s5;
	s9 =	sadd.s32 $0xE000, s5  }
0x11: {  	s10 =	sadd.s32 $0x11800, s5;
	s14 =	sadd.s32 s1, s14;
	s1 =	sadd.s32 s31, s1  }
0x12: {  	v0 =	vimm.f32 $0.0e+00;
	s13 =	sadd.s32 s4, s30;
	s16 =	smax.u32 s16, $0x1;
	s15 =	sadd.s32 $0x4E000, s1  }
.LBB2_6:
0x13: {  	s1 =	simm.s32 $0x1B80  }
0x14: {  	[spmem:s2] =	stream.indirect.scatter.add.f32 [tilespmem:s24], [sflag:$0x2], $0x80, s1, s23, $0xb8;
	[tilespmem:$0x1C480] =	vst v63  }
0x15: {  	_ =	swait.ge [sflag:s25], $0x3800  }
0x16: {  	s30 =	stileid.u32;
	[sflag:s25] =	ssyncset.done $0x0  }
0x17: {  	s17 =	sshrl.u32 s5, $0x3;
	s1 =	sshll.u32 s30, $0x6;
	[sflag:s25] =	ssyncadd.s32 $0xFFFFC800  }
0x18: {  	s31 =	simm.s32 $0x8;
	s1 =	sor.u32 $0x1C03, s1;
	[bflag:$0x0] =	sbarrier.arrive $0xFFFF  }
0x19: {  	[hbm:s14@s28], [sflag:s1] =	dma.strided [spmem:s17@s29], $0x2700, s31, $0x10   }
0x1a: {  	s26 =	simm.s32 @!p0 $0x100;
	s3 =	sadd.s32 $0x1, s3;
	_ =	swait.ge [sflag:s19], $0x2700  }
0x1b: {  	s24 =	simm.s32 @!p0 $0x8;
	s30 =	simm.s32 @!p0 $0x80;
	[sflag:s19] =	ssyncset.done $0x0  }
0x1c: {  	p1 =	sne.s32 s3, s16;
	s17 =	sshrl.u32 @!p0 s11, $0x3;
	[sflag:s19] =	ssyncadd.s32 $0xFFFFD900  }
0x1d: {  	[hbm:s15@s26], [sflag:s1] =	dma.strided @!p0 [spmem:s17@s30], $0x100, s24, $0x10   }
.Ltmp1:
0x1e: {  	_ = 	snop;
	(pc) =	sbr.rel @!p1 .LBB2_7-.Ltmp1, $4  }
0x1f: {  	s1 =	simm.s32 @!p0 $0x3  }
0x20: {  	_ =	swait.ge @!p0 [sflag:s1], $0x100  }
0x21: {  	[sflag:s1] =	ssyncset.done @!p0 $0x0  }
0x22: {  	[sflag:s1] =	ssyncadd.s32 @!p0 $0xFFFFFF00  }
.LBB2_1:
0x23: {  	s30 =	simm.s32 $0x0;
	s17 =	simm.s32 $0x200  }
.LBB2_2:
0x24: {  	p1 =	sne.s32 s17, $0xDE00;
	[tilespmem:s30+$0x1C70] =	vst v0  }
0x25: {  	[tilespmem:s30+$0x1C00] =	vst v0  }
0x26: {  	[tilespmem:s30+$0x1C10] =	vst v0  }
.Ltmp2:
0x27: {  	[tilespmem:s30+$0x1C20] =	vst v0;
	(pc) =	sbr.rel @p1 .LBB2_2-.Ltmp2, $4  }
0x28: {  	[tilespmem:s30+$0x1C30] =	vst v0  }
0x29: {  	[tilespmem:s30+$0x1C40] =	vst v0  }
0x2a: {  	[tilespmem:s30+$0x1C50] =	vst v0  }
0x2b: {  	[tilespmem:s30+$0x1C60] =	vst v0;
	s30 =	sshra.s32 s17, $0x2;
	s17 =	sadd.s32 $0x200, s17  }
0x2c: {  	[tilespmem:s30+$0x1C70] =	vst v0  }
0x2d: {  	[tilespmem:s30+$0x1C00] =	vst v0  }
0x2e: {  	[tilespmem:s30+$0x1C10] =	vst v0  }
0x2f: {  	[tilespmem:s30+$0x1C20] =	vst v0  }
0x30: {  	[tilespmem:s30+$0x1C30] =	vst v0  }
0x31: {  	[tilespmem:s30+$0x1C40] =	vst v0  }
0x32: {  	[tilespmem:s30+$0x1C50] =	vst v0  }
0x33: {  	[tilespmem:s30+$0x1C60] =	vst v0  }
0x34: {  	[spmem:s5] =	stream.linear.scatter [tilespmem:s18], [sflag:$0x3], $0x3800, $0x38;
	[tilespmem:$0x1C480] =	vst v63  }
0x35: {  	_ =	swait.ge [sflag:s19], $0x3800  }
0x36: {  	[sflag:s19] =	ssyncset.done $0x0  }
0x37: {  	[sflag:s19] =	ssyncadd.s32 $0xFFFFC800  }
0x38: {  	[spmem:s6] =	stream.linear.scatter [tilespmem:s18], [sflag:$0x3], $0x3800, $0x38;
	[tilespmem:$0x1C480] =	vst v63  }
0x39: {  	_ =	swait.ge [sflag:s19], $0x3800  }
0x3a: {  	[sflag:s19] =	ssyncset.done $0x0  }
0x3b: {  	[sflag:s19] =	ssyncadd.s32 $0xFFFFC800  }
0x3c: {  	[spmem:s7] =	stream.linear.scatter [tilespmem:s18], [sflag:$0x3], $0x3800, $0x38;
	[tilespmem:$0x1C480] =	vst v63  }
0x3d: {  	_ =	swait.ge [sflag:s19], $0x3800  }
0x3e: {  	[sflag:s19] =	ssyncset.done $0x0  }
0x3f: {  	[sflag:s19] =	ssyncadd.s32 $0xFFFFC800  }
0x40: {  	[spmem:s8] =	stream.linear.scatter [tilespmem:s18], [sflag:$0x3], $0x3800, $0x38;
	[tilespmem:$0x1C480] =	vst v63  }
0x41: {  	_ =	swait.ge [sflag:s19], $0x3800  }
0x42: {  	[sflag:s19] =	ssyncset.done $0x0  }
0x43: {  	[sflag:s19] =	ssyncadd.s32 $0xFFFFC800  }
0x44: {  	[spmem:s9] =	stream.linear.scatter [tilespmem:s18], [sflag:$0x3], $0x3800, $0x38;
	[tilespmem:$0x1C480] =	vst v63  }
0x45: {  	_ =	swait.ge [sflag:s19], $0x3800  }
0x46: {  	[sflag:s19] =	ssyncset.done $0x0  }
0x47: {  	[sflag:s19] =	ssyncadd.s32 $0xFFFFC800  }
0x48: {  	[spmem:s10] =	stream.linear.scatter [tilespmem:s18], [sflag:$0x3], $0x2000, $0x38;
	[tilespmem:$0x1C480] =	vst v63  }
0x49: {  	_ =	swait.ge [sflag:s19], $0x2000  }
0x4a: {  	[sflag:s19] =	ssyncset.done $0x0  }
0x4b: {  	s1 =	simm.s32 @!p0 $0x1C00;
	[sflag:s19] =	ssyncadd.s32 $0xFFFFE000  }
0x4c: {  	[spmem:s11] =	stream.linear.scatter @!p0 [tilespmem:s1], [sflag:$0x3], $0x800, $0x38;
	[tilespmem:$0x1C480] =	vst v63  }
0x4d: {  	s1 =	simm.s32 @!p0 $0x3  }
0x4e: {  	_ =	swait.ge @!p0 [sflag:s1], $0x800  }
0x4f: {  	[sflag:s1] =	ssyncset.done @!p0 $0x0  }
0x50: {  	s30 =	simm.s32 $0x0;
	[sflag:s1] =	ssyncadd.s32 @!p0 $0xFFFFF800  }
0x51: {  	[tilespmem:s30], [sflag:$0x3] =	stream.linear.gather [hbm4b:s12+s30], $0x1C00, $0x38;
	[tilespmem:$0x1C480] =	vst v63  }
0x52: {  	_ =	swait.ge [sflag:s19], $0x1C00  }
0x53: {  	[sflag:s19] =	ssyncset.done $0x0  }
0x54: {  	[sflag:s19] =	ssyncadd.s32 $0xFFFFE400  }
0x55: {  	s31 =	simm.s32 $0x0;
	s17 =	smov.u32 s0;
	[bflag:$0x0] =	sbarrier.arrive $0xFFFF  }
0x56: {  	[tilespmem:s18], [sflag:$0x1] =	stream.strided.gather [hbm4b:s13+s20], $0x3800, s21, s20, $0x38;
	[tilespmem:$0x1C480] =	vst v63  }
.LBB2_4:
0x57: {  	p1 =	seq.s32 s31, $0x0  }
0x58: {  	p2 =	seq.s32 @!p1 s31, $0x37  }
0x59: {  	_ =	swait.ge [sflag:s22], $0x3800;
	p2 =	por p1, !p2  }
.Ltmp3:
0x5a: {  	s1 =	sand.u32 $0x1, s31;
	[sflag:s22] =	ssyncset.done $0x0;
	(pc) =	sbr.rel @!p2 .LBB2_6-.Ltmp3, $4  }
0x5b: {  	s24 =	smul.u32 $0xE000, s1;
	s26 =	simm.s32 @!p1 $0x2;
	[sflag:s22] =	ssyncadd.s32 $0xFFFFC800  }
0x5c: {  	_ =	swait.ge @!p1 [sflag:s26], $0x3800  }
0x5d: {  	s24 =	sshrl.u32 s24, $0x2;
	[sflag:s26] =	ssyncset.done @!p1 $0x0  }
0x5e: {  	s24 =	sadd.s32 $0x1C00, s24;
	[sflag:s26] =	ssyncadd.s32 @!p1 $0xFFFFC800  }
0x5f: {  	s1 =	sxor.u32 $0x1, s1  }
0x60: {  	s1 =	smul.u32 $0xE000, s1;
	_ =	sdelay $0x1  }
0x61: {  	s26 =	sshrl.u32 s17, $0x3;
	s1 =	sshrl.u32 s1, $0x2  }
.Ltmp4:
0x62: {  	s26 =	sadd.s32 s4, s26;
	s1 =	sadd.s32 $0x1C00, s1;
	(pc) =	sbr.rel .LBB2_4-.Ltmp4, $4  }
0x63: {  	[tilespmem:s1], [sflag:$0x1] =	stream.strided.gather [hbm4b:s26+s20], $0x3800, s21, s20, $0x38;
	[tilespmem:$0x1C480] =	vst v63  }
0x64: {  	_ = 	snop  }
0x65: {  	[spmem:s2] =	stream.indirect.scatter.add.f32 [tilespmem:s24], [sflag:$0x2], $0x80, s30, s23, $0xb8;
	[tilespmem:$0x1C480] =	vst v63  }
0x66: {  	s17 =	sadd.s32 $0x7000, s17;
	s31 =	sadd.s32 $0x1, s31;
	s30 =	sadd.s32 $0x80, s30  }
.LBB2_7:
0x67: {  	_ =	sfence.sel $0x180000  }
0x68: {  	[bflag:$0x0] =	sbarrier.arrive $0xFFFF  }
0x69: {  	_ =	strace $0x9000004A  }
0x6a: {  	s0 =	stileid.u32;
	[bflag:$0x2] =	sbarrier.arrive $0xFFFF  }
0x6b: {  	p0 =	sne.s32 s0, $0x0;
	s0 =	rddreg [dreg:$0x3]  }
0x6c: {  	s0 =	sadd.s32 @!p0 $0x100000, s0  }
0x6d: {  	[sflag:s0] =	ssyncadd.tile.s32 @!p0 $0x1;
	_ =	shalt  }
.Lfunc_end2:
_tile_overlayer_lowered:
.L_overlay_start_2:
0x6e: {  	(tag) =	ssettag $0x2  }
0x6f: {  	s0 =	rddreg [dreg:$0x0];
	s2 =	stileid.u32  }
0x70: {  	s1 =	rddreg [dreg:$0x1];
	p0 =	sne.s32 s2, $0x0  }
0x71: {  	s3 =	rddreg [dreg:$0x2];
	[bflag:$0x3] =	sbarrier.arrive $0xFFFF;
	s2 =	simm.s32 @!p0 $0x1C03  }
0x72: {  	[timem:s3], [sflag:s2] =	dma.local @!p0 [hbm:s0], s1  }
0x73: {  	s0 =	simm.s32 @!p0 $0x3  }
0x74: {  	_ =	swait.ge @!p0 [sflag:s0], s1  }
0x75: {  	s1 =	ssub.s32 @!p0 $0x0, s1;
	[sflag:s0] =	ssyncset.done @!p0 $0x0  }
0x76: {  	[sflag:s0] =	ssyncadd.s32 @!p0 s1  }
0x77: {  	[bflag:$0x3] =	sbarrier.arrive $0xFFFF  }
0x78: {  	_ =	shalt  }

</sc_bundles>
